<compile_context>
chip_gen: v7x
topology: tpu7x:2x2x1
jax: 0.10.2.dev20260603
libtpu: 0.0.44.dev20260713+nightly
codegen_flags: <defaults>
</compile_context>

<pallas_src>
import functools

import jax
import jax.numpy as jnp
from jax import lax
from jax.experimental import pallas as pl
from jax.experimental.pallas import tpu as pltpu
from jax.experimental.pallas import tpu_sc as plsc

_NC = 2
_NS = 16
_NW = _NC * _NS

_IDXW = 128
_NBUF = 5
_DELAY = 2


@functools.partial(jax.jit, static_argnums=(2, 3))
def _sc_gather(table, idx2, n_rows, d):
    rows_per_w = n_rows // _NW
    n_chunks = rows_per_w // _IDXW
    irows_per_w = n_chunks
    assert n_chunks % _NBUF == 0 and n_chunks >= 2 * _NBUF

    mesh = plsc.VectorSubcoreMesh(core_axis_name="c", subcore_axis_name="s")

    sems = [pltpu.SemaphoreType.DMA] * (2 * _NBUF)

    @functools.partial(
        pl.kernel,
        mesh=mesh,
        out_type=jax.ShapeDtypeStruct((n_rows, d), jnp.float32),
        scratch_types=[
            pltpu.VMEM((irows_per_w, _IDXW), jnp.int32),
            pltpu.VMEM((_NBUF, _IDXW, d), jnp.float32),
        ] + sems,
    )
    def k(table_hbm, idx_hbm, out_hbm, idx_all, rows_v, *all_sems):
        g_sem = all_sems[:_NBUF]
        o_sem = all_sems[_NBUF:]
        wid = lax.axis_index("s") * _NC + lax.axis_index("c")
        irow0 = wid * irows_per_w

        pltpu.sync_copy(idx_hbm.at[pl.ds(irow0, irows_per_w)], idx_all)

        def fire_gather(b, c):
            pltpu.async_copy(
                table_hbm.at[idx_all.at[c]], rows_v.at[b], g_sem[b]
            )

        def wait_gather(b):
            pltpu.make_async_copy(
                table_hbm.at[idx_all.at[0]], rows_v.at[b], g_sem[b]
            ).wait()

        def fire_out(b, c):
            pltpu.async_copy(
                rows_v.at[b],
                out_hbm.at[pl.ds((irow0 + c) * _IDXW, _IDXW)],
                o_sem[b],
            )

        def wait_out(b):
            pltpu.make_async_copy(
                rows_v.at[b], out_hbm.at[pl.ds(0, _IDXW)], o_sem[b]
            ).wait()

        scale = float(d) ** 0.5

        def relu_scale(b):
            def row_fn(r, carry):
                for j in range(d // 16):
                    v = rows_v[b, r, pl.ds(j * 16, 16)]
                    rows_v[b, r, pl.ds(j * 16, 16)] = (
                        jnp.maximum(v, 0.0) * scale
                    )
                return carry

            lax.fori_loop(0, _IDXW, row_fn, 0)

        def step(c, k_static, fire_g, wait_g, wait_o):
            if wait_o:
                wait_out(k_static)
            if fire_g:
                fire_gather(k_static, c)
            if wait_g:
                b2 = (k_static - _DELAY) % _NBUF
                wait_gather(b2)
                relu_scale(b2)
                fire_out(b2, c - _DELAY)

        for c in range(_NBUF):
            step(c, c, True, c >= _DELAY, False)

        def body(i, carry):
            for kk in range(_NBUF):
                step(_NBUF + i * _NBUF + kk, kk, True, True, True)
            return carry

        lax.fori_loop(0, n_chunks // _NBUF - 1, body, 0)

        for c in range(n_chunks, n_chunks + _DELAY):
            step(c, c % _NBUF, False, True, False)
        for b in range(_NBUF):
            wait_out(b)

    return k(table, idx2)


def kernel(x, embed_weight):
    b, h = x.shape
    v, d = embed_weight.shape
    n_rows = b * h
    idx2 = x.reshape(n_rows // _IDXW, _IDXW).astype(jnp.int32)
    out = _sc_gather(embed_weight, idx2, n_rows, d)
    return out.reshape(b, h, d)

# --- scband reference (transcript-rebuilt; emitter-appended) ---
"""Pipeline reference for scband-word-embeddings-73409581023556 (READ-ONLY COPY).

The authoritative reference and input builder live on the scoring server;
editing this copy changes nothing except your own understanding.
"""

import jax, jax.numpy as jnp
import numpy as np

VOCAB = 100000
EMBED_DIM = 128
BATCH = 4096
HIST = 200
PAD_IDX = 0
SCALE = float(np.sqrt(EMBED_DIM))


def setup_inputs(seed: int = 0) -> dict:
    key = jax.random.key(seed)
    k1, k2 = jax.random.split(key)
    x = jax.random.randint(k1, (BATCH, HIST), 0, VOCAB, dtype=jnp.int64 if jax.config.read('jax_enable_x64') else jnp.int32)
    embed_weight = jax.random.normal(k2, (VOCAB, EMBED_DIM), dtype=jnp.float32) * 0.02
    # nn.Embedding with padding_idx zeros that row at init
    embed_weight = embed_weight.at[PAD_IDX].set(0.0)
    return {"x": x, "embed_weight": embed_weight}


def reference(x, embed_weight):
    # x = self.embed(x)
    emb = jnp.take(embed_weight, x, axis=0)
    # norm_type is None -> no MaskedNorm
    # activation_type = 'relu'
    emb = jax.nn.relu(emb)
    # scale=True, scale_factor=None -> sqrt(embedding_dim)
    return emb * SCALE

if __name__ == "__main__":
    import jax
    _d = setup_inputs()
    print(jax.jit(kernel)(*tuple(_d.values())))

</pallas_src>

<mosaic_0001>
#map = affine_map<(d0, d1) -> (0, 0)>
module attributes {stable_mosaic.version = 14 : i64} {
  func.func @k(%arg0: i32, %arg1: i32, %arg2: memref<100000x128xf32, #tpu.memory_space<hbm>>, %arg3: memref<6400x128xi32, #tpu.memory_space<hbm>>, %arg4: memref<819200x128xf32, #tpu.memory_space<hbm>>, %arg5: memref<200x128xi32, #tpu.memory_space<vmem>>, %arg6: memref<5x128x128xf32, #tpu.memory_space<vmem>>, %arg7: memref<!tpu.dma_semaphore, #tpu.memory_space<semaphore_mem>>, %arg8: memref<!tpu.dma_semaphore, #tpu.memory_space<semaphore_mem>>, %arg9: memref<!tpu.dma_semaphore, #tpu.memory_space<semaphore_mem>>, %arg10: memref<!tpu.dma_semaphore, #tpu.memory_space<semaphore_mem>>, %arg11: memref<!tpu.dma_semaphore, #tpu.memory_space<semaphore_mem>>, %arg12: memref<!tpu.dma_semaphore, #tpu.memory_space<semaphore_mem>>, %arg13: memref<!tpu.dma_semaphore, #tpu.memory_space<semaphore_mem>>, %arg14: memref<!tpu.dma_semaphore, #tpu.memory_space<semaphore_mem>>, %arg15: memref<!tpu.dma_semaphore, #tpu.memory_space<semaphore_mem>>, %arg16: memref<!tpu.dma_semaphore, #tpu.memory_space<semaphore_mem>>) attributes {dimension_semantics = [#tpu.dimension_semantics<core_parallel>, #tpu.dimension_semantics<subcore_parallel>], iteration_bounds = array<i64: 2, 16>, scalar_prefetch = 0 : i64, scratch_operands = 12 : i64, tpu.core_type = #tpu.core_type<sc_vector_subcore>, window_params = [{transform_indices = #map}, {transform_indices = #map}, {transform_indices = #map}]} {
    %mul3A = arith.constant 2 : i32
    %mul3A_0 = arith.muli %arg1, %mul3A : i32
    %add3A = arith.addi %mul3A_0, %arg0 : i32
    %mul3A_1 = arith.constant 200 : i32
    %mul3A_2 = arith.muli %add3A, %mul3A_1 : i32
    "tpu.region"() ({
      %run_scoped3A = tpu.sem_alloc : memref<!tpu.dma_semaphore, #tpu.memory_space<semaphore_mem>>
      %dma_start3A_316 = arith.constant 0 : i32
      %dma_start3A_317 = tpu.memref_slice %arg3[%mul3A_2, %dma_start3A_316] : memref<6400x128xi32, #tpu.memory_space<hbm>> -> memref<200x128xi32, #tpu.memory_space<hbm>>
      %dma_start3A_318 = arith.constant 0 : i32
      %dma_start3A_319 = tpu.memref_slice %arg3[%mul3A_2, %dma_start3A_318] : memref<6400x128xi32, #tpu.memory_space<hbm>> -> memref<200x128xi32, #tpu.memory_space<hbm>>
      tpu.enqueue_dma source(%dma_start3A_319 : memref<200x128xi32, #tpu.memory_space<hbm>>) target(%arg5 : memref<200x128xi32, #tpu.memory_space<vmem>>) target_semaphore(%run_scoped3A : memref<!tpu.dma_semaphore, #tpu.memory_space<semaphore_mem>>)
      %dma_wait3A_320 = arith.constant 0 : i32
      %dma_wait3A_321 = tpu.memref_slice %arg3[%mul3A_2, %dma_wait3A_320] : memref<6400x128xi32, #tpu.memory_space<hbm>> -> memref<200x128xi32, #tpu.memory_space<hbm>>
      %dma_wait3A_322 = arith.constant 0 : i32
      %dma_wait3A_323 = tpu.memref_slice %arg3[%mul3A_2, %dma_wait3A_322] : memref<6400x128xi32, #tpu.memory_space<hbm>> -> memref<200x128xi32, #tpu.memory_space<hbm>>
      tpu.wait_dma2 semaphore(%run_scoped3A : memref<!tpu.dma_semaphore, #tpu.memory_space<semaphore_mem>>) src(%dma_wait3A_323 : memref<200x128xi32, #tpu.memory_space<hbm>>) dst(%arg5 : memref<200x128xi32, #tpu.memory_space<vmem>>)
      tpu.yield
    }) : () -> ()
    %dma_start3A = arith.constant 0 : i32
    %dma_start3A_3 = arith.constant 0 : i32
    %dma_start3A_4 = arith.constant 0 : i32
    %dma_start3A_5 = arith.constant 0 : i32
    %dma_start3A_6 = tpu.memref_slice %arg6[%dma_start3A_3, %dma_start3A_4, %dma_start3A_5] : memref<5x128x128xf32, #tpu.memory_space<vmem>> -> memref<1x128x128xf32, #tpu.memory_space<vmem>>
    %dma_start3A_7 = tpu.memref_squeeze %dma_start3A_6 : memref<1x128x128xf32, #tpu.memory_space<vmem>> -> memref<128x128xf32, #tpu.memory_space<vmem>>
    %dma_start3A_8 = arith.constant 0 : i32
    %dma_start3A_9 = tpu.memref_slice %arg5[%dma_start3A, %dma_start3A_8] : memref<200x128xi32, #tpu.memory_space<vmem>> -> memref<1x128xi32, #tpu.memory_space<vmem>>
    %dma_start3A_10 = tpu.memref_squeeze %dma_start3A_9 : memref<1x128xi32, #tpu.memory_space<vmem>> -> memref<128xi32, #tpu.memory_space<vmem>>
    %dma_start3A_11 = arith.constant 0 : i32
    %dma_start3A_12 = arith.constant 0 : i32
    %dma_start3A_13 = tpu.memref_slice %arg2[%dma_start3A_11, %dma_start3A_12] : memref<100000x128xf32, #tpu.memory_space<hbm>> -> memref<100000x128xf32, #tpu.memory_space<hbm>>
    tpu.enqueue_indirect_dma source(%dma_start3A_13 : memref<100000x128xf32, #tpu.memory_space<hbm>>) target(%dma_start3A_7 : memref<128x128xf32, #tpu.memory_space<vmem>>) offsets(%dma_start3A_10 : memref<128xi32, #tpu.memory_space<vmem>>) semaphore(%arg7 : memref<!tpu.dma_semaphore, #tpu.memory_space<semaphore_mem>>)
    %dma_start3A_14 = arith.constant 1 : i32
    %dma_start3A_15 = arith.constant 1 : i32
    %dma_start3A_16 = arith.constant 0 : i32
    %dma_start3A_17 = arith.constant 0 : i32
    %dma_start3A_18 = tpu.memref_slice %arg6[%dma_start3A_15, %dma_start3A_16, %dma_start3A_17] : memref<5x128x128xf32, #tpu.memory_space<vmem>> -> memref<1x128x128xf32, #tpu.memory_space<vmem>>
    %dma_start3A_19 = tpu.memref_squeeze %dma_start3A_18 : memref<1x128x128xf32, #tpu.memory_space<vmem>> -> memref<128x128xf32, #tpu.memory_space<vmem>>
    %dma_start3A_20 = arith.constant 0 : i32
    %dma_start3A_21 = tpu.memref_slice %arg5[%dma_start3A_14, %dma_start3A_20] : memref<200x128xi32, #tpu.memory_space<vmem>> -> memref<1x128xi32, #tpu.memory_space<vmem>>
    %dma_start3A_22 = tpu.memref_squeeze %dma_start3A_21 : memref<1x128xi32, #tpu.memory_space<vmem>> -> memref<128xi32, #tpu.memory_space<vmem>>
    %dma_start3A_23 = arith.constant 0 : i32
    %dma_start3A_24 = arith.constant 0 : i32
    %dma_start3A_25 = tpu.memref_slice %arg2[%dma_start3A_23, %dma_start3A_24] : memref<100000x128xf32, #tpu.memory_space<hbm>> -> memref<100000x128xf32, #tpu.memory_space<hbm>>
    tpu.enqueue_indirect_dma source(%dma_start3A_25 : memref<100000x128xf32, #tpu.memory_space<hbm>>) target(%dma_start3A_19 : memref<128x128xf32, #tpu.memory_space<vmem>>) offsets(%dma_start3A_22 : memref<128xi32, #tpu.memory_space<vmem>>) semaphore(%arg8 : memref<!tpu.dma_semaphore, #tpu.memory_space<semaphore_mem>>)
    %dma_start3A_26 = arith.constant 2 : i32
    %dma_start3A_27 = arith.constant 2 : i32
    %dma_start3A_28 = arith.constant 0 : i32
    %dma_start3A_29 = arith.constant 0 : i32
    %dma_start3A_30 = tpu.memref_slice %arg6[%dma_start3A_27, %dma_start3A_28, %dma_start3A_29] : memref<5x128x128xf32, #tpu.memory_space<vmem>> -> memref<1x128x128xf32, #tpu.memory_space<vmem>>
    %dma_start3A_31 = tpu.memref_squeeze %dma_start3A_30 : memref<1x128x128xf32, #tpu.memory_space<vmem>> -> memref<128x128xf32, #tpu.memory_space<vmem>>
    %dma_start3A_32 = arith.constant 0 : i32
    %dma_start3A_33 = tpu.memref_slice %arg5[%dma_start3A_26, %dma_start3A_32] : memref<200x128xi32, #tpu.memory_space<vmem>> -> memref<1x128xi32, #tpu.memory_space<vmem>>
    %dma_start3A_34 = tpu.memref_squeeze %dma_start3A_33 : memref<1x128xi32, #tpu.memory_space<vmem>> -> memref<128xi32, #tpu.memory_space<vmem>>
    %dma_start3A_35 = arith.constant 0 : i32
    %dma_start3A_36 = arith.constant 0 : i32
    %dma_start3A_37 = tpu.memref_slice %arg2[%dma_start3A_35, %dma_start3A_36] : memref<100000x128xf32, #tpu.memory_space<hbm>> -> memref<100000x128xf32, #tpu.memory_space<hbm>>
    tpu.enqueue_indirect_dma source(%dma_start3A_37 : memref<100000x128xf32, #tpu.memory_space<hbm>>) target(%dma_start3A_31 : memref<128x128xf32, #tpu.memory_space<vmem>>) offsets(%dma_start3A_34 : memref<128xi32, #tpu.memory_space<vmem>>) semaphore(%arg9 : memref<!tpu.dma_semaphore, #tpu.memory_space<semaphore_mem>>)
    %dma_wait3A = arith.constant 0 : i32
    %dma_wait3A_38 = arith.constant 0 : i32
    %dma_wait3A_39 = arith.constant 0 : i32
    %dma_wait3A_40 = arith.constant 0 : i32
    %dma_wait3A_41 = tpu.memref_slice %arg6[%dma_wait3A_38, %dma_wait3A_39, %dma_wait3A_40] : memref<5x128x128xf32, #tpu.memory_space<vmem>> -> memref<1x128x128xf32, #tpu.memory_space<vmem>>
    %dma_wait3A_42 = tpu.memref_squeeze %dma_wait3A_41 : memref<1x128x128xf32, #tpu.memory_space<vmem>> -> memref<128x128xf32, #tpu.memory_space<vmem>>
    %dma_wait3A_43 = arith.constant 0 : i32
    %dma_wait3A_44 = tpu.memref_slice %arg5[%dma_wait3A, %dma_wait3A_43] : memref<200x128xi32, #tpu.memory_space<vmem>> -> memref<1x128xi32, #tpu.memory_space<vmem>>
    %dma_wait3A_45 = tpu.memref_squeeze %dma_wait3A_44 : memref<1x128xi32, #tpu.memory_space<vmem>> -> memref<128xi32, #tpu.memory_space<vmem>>
    %dma_wait3A_46 = arith.constant 0 : i32
    %dma_wait3A_47 = arith.constant 0 : i32
    %dma_wait3A_48 = tpu.memref_slice %arg2[%dma_wait3A_46, %dma_wait3A_47] : memref<100000x128xf32, #tpu.memory_space<hbm>> -> memref<100000x128xf32, #tpu.memory_space<hbm>>
    tpu.wait_indirect_dma semaphore(%arg7 : memref<!tpu.dma_semaphore, #tpu.memory_space<semaphore_mem>>) src(%dma_wait3A_48 : memref<100000x128xf32, #tpu.memory_space<hbm>>) dst(%dma_wait3A_42 : memref<128x128xf32, #tpu.memory_space<vmem>>)
    %scan3A = arith.constant 0 : i32
    %scan3A_49 = arith.constant 0 : i32
    %scan3A_50 = arith.constant 128 : i32
    %scan3A_51 = arith.addi %scan3A_49, %scan3A_50 : i32
    %scan3A_52 = arith.constant 1 : i32
    scf.for %scan3A_316 = %scan3A_49 to %scan3A_51 step %scan3A_52  : i32 {
      %get3A = arith.constant 0 : i32
      %get3A_317 = arith.index_cast %get3A : i32 to index
      %get3A_318 = arith.index_cast %scan3A_316 : i32 to index
      %get3A_319 = arith.constant 0 : index
      %get3A_320 = tpu.vector_load %arg6[%get3A_317, %get3A_318, %get3A_319] {strides = array<i32>} : memref<5x128x128xf32, #tpu.memory_space<vmem>>, vector<1x1x16xf32>,
      %get3A_321 = vector.shape_cast %get3A_320 : vector<1x1x16xf32> to vector<16xf32>
      %max3A = arith.constant 0.000000e+00 : f32
      %max3A_322 = vector.broadcast %max3A : f32 to vector<16xf32>
      %max3A_323 = arith.maximumf %get3A_321, %max3A_322 : vector<16xf32>
      %mul3A_324 = arith.constant 11.3137083 : f32
      %mul3A_325 = vector.broadcast %mul3A_324 : f32 to vector<16xf32>
      %mul3A_326 = arith.mulf %max3A_323, %mul3A_325 : vector<16xf32>
      %swap3A = arith.constant 0 : i32
      %swap3A_327 = arith.index_cast %swap3A : i32 to index
      %swap3A_328 = arith.index_cast %scan3A_316 : i32 to index
      %swap3A_329 = arith.constant 0 : index
      %swap3A_330 = tpu.vector_load %arg6[%swap3A_327, %swap3A_328, %swap3A_329] {strides = array<i32>} : memref<5x128x128xf32, #tpu.memory_space<vmem>>, vector<1x1x16xf32>,
      %swap3A_331 = vector.shape_cast %swap3A_330 : vector<1x1x16xf32> to vector<16xf32>
      %swap3A_332 = vector.shape_cast %mul3A_326 : vector<16xf32> to vector<1x1x16xf32>
      tpu.vector_store %arg6[%swap3A_327, %swap3A_328, %swap3A_329], %swap3A_332 {strides = array<i32>} : memref<5x128x128xf32, #tpu.memory_space<vmem>>, vector<1x1x16xf32>,
      %get3A_333 = arith.constant 0 : i32
      %get3A_334 = arith.index_cast %get3A_333 : i32 to index
      %get3A_335 = arith.index_cast %scan3A_316 : i32 to index
      %get3A_336 = arith.constant 16 : index
      %get3A_337 = tpu.vector_load %arg6[%get3A_334, %get3A_335, %get3A_336] {strides = array<i32>} : memref<5x128x128xf32, #tpu.memory_space<vmem>>, vector<1x1x16xf32>,
      %get3A_338 = vector.shape_cast %get3A_337 : vector<1x1x16xf32> to vector<16xf32>
      %max3A_339 = arith.constant 0.000000e+00 : f32
      %max3A_340 = vector.broadcast %max3A_339 : f32 to vector<16xf32>
      %max3A_341 = arith.maximumf %get3A_338, %max3A_340 : vector<16xf32>
      %mul3A_342 = arith.constant 11.3137083 : f32
      %mul3A_343 = vector.broadcast %mul3A_342 : f32 to vector<16xf32>
      %mul3A_344 = arith.mulf %max3A_341, %mul3A_343 : vector<16xf32>
      %swap3A_345 = arith.constant 0 : i32
      %swap3A_346 = arith.index_cast %swap3A_345 : i32 to index
      %swap3A_347 = arith.index_cast %scan3A_316 : i32 to index
      %swap3A_348 = arith.constant 16 : index
      %swap3A_349 = tpu.vector_load %arg6[%swap3A_346, %swap3A_347, %swap3A_348] {strides = array<i32>} : memref<5x128x128xf32, #tpu.memory_space<vmem>>, vector<1x1x16xf32>,
      %swap3A_350 = vector.shape_cast %swap3A_349 : vector<1x1x16xf32> to vector<16xf32>
      %swap3A_351 = vector.shape_cast %mul3A_344 : vector<16xf32> to vector<1x1x16xf32>
      tpu.vector_store %arg6[%swap3A_346, %swap3A_347, %swap3A_348], %swap3A_351 {strides = array<i32>} : memref<5x128x128xf32, #tpu.memory_space<vmem>>, vector<1x1x16xf32>,
      %get3A_352 = arith.constant 0 : i32
      %get3A_353 = arith.index_cast %get3A_352 : i32 to index
      %get3A_354 = arith.index_cast %scan3A_316 : i32 to index
      %get3A_355 = arith.constant 32 : index
      %get3A_356 = tpu.vector_load %arg6[%get3A_353, %get3A_354, %get3A_355] {strides = array<i32>} : memref<5x128x128xf32, #tpu.memory_space<vmem>>, vector<1x1x16xf32>,
      %get3A_357 = vector.shape_cast %get3A_356 : vector<1x1x16xf32> to vector<16xf32>
      %max3A_358 = arith.constant 0.000000e+00 : f32
      %max3A_359 = vector.broadcast %max3A_358 : f32 to vector<16xf32>
      %max3A_360 = arith.maximumf %get3A_357, %max3A_359 : vector<16xf32>
      %mul3A_361 = arith.constant 11.3137083 : f32
      %mul3A_362 = vector.broadcast %mul3A_361 : f32 to vector<16xf32>
      %mul3A_363 = arith.mulf %max3A_360, %mul3A_362 : vector<16xf32>
      %swap3A_364 = arith.constant 0 : i32
      %swap3A_365 = arith.index_cast %swap3A_364 : i32 to index
      %swap3A_366 = arith.index_cast %scan3A_316 : i32 to index
      %swap3A_367 = arith.constant 32 : index
      %swap3A_368 = tpu.vector_load %arg6[%swap3A_365, %swap3A_366, %swap3A_367] {strides = array<i32>} : memref<5x128x128xf32, #tpu.memory_space<vmem>>, vector<1x1x16xf32>,
      %swap3A_369 = vector.shape_cast %swap3A_368 : vector<1x1x16xf32> to vector<16xf32>
      %swap3A_370 = vector.shape_cast %mul3A_363 : vector<16xf32> to vector<1x1x16xf32>
      tpu.vector_store %arg6[%swap3A_365, %swap3A_366, %swap3A_367], %swap3A_370 {strides = array<i32>} : memref<5x128x128xf32, #tpu.memory_space<vmem>>, vector<1x1x16xf32>,
      %get3A_371 = arith.constant 0 : i32
      %get3A_372 = arith.index_cast %get3A_371 : i32 to index
      %get3A_373 = arith.index_cast %scan3A_316 : i32 to index
      %get3A_374 = arith.constant 48 : index
      %get3A_375 = tpu.vector_load %arg6[%get3A_372, %get3A_373, %get3A_374] {strides = array<i32>} : memref<5x128x128xf32, #tpu.memory_space<vmem>>, vector<1x1x16xf32>,
      %get3A_376 = vector.shape_cast %get3A_375 : vector<1x1x16xf32> to vector<16xf32>
      %max3A_377 = arith.constant 0.000000e+00 : f32
      %max3A_378 = vector.broadcast %max3A_377 : f32 to vector<16xf32>
      %max3A_379 = arith.maximumf %get3A_376, %max3A_378 : vector<16xf32>
      %mul3A_380 = arith.constant 11.3137083 : f32
      %mul3A_381 = vector.broadcast %mul3A_380 : f32 to vector<16xf32>
      %mul3A_382 = arith.mulf %max3A_379, %mul3A_381 : vector<16xf32>
      %swap3A_383 = arith.constant 0 : i32
      %swap3A_384 = arith.index_cast %swap3A_383 : i32 to index
      %swap3A_385 = arith.index_cast %scan3A_316 : i32 to index
      %swap3A_386 = arith.constant 48 : index
      %swap3A_387 = tpu.vector_load %arg6[%swap3A_384, %swap3A_385, %swap3A_386] {strides = array<i32>} : memref<5x128x128xf32, #tpu.memory_space<vmem>>, vector<1x1x16xf32>,
      %swap3A_388 = vector.shape_cast %swap3A_387 : vector<1x1x16xf32> to vector<16xf32>
      %swap3A_389 = vector.shape_cast %mul3A_382 : vector<16xf32> to vector<1x1x16xf32>
      tpu.vector_store %arg6[%swap3A_384, %swap3A_385, %swap3A_386], %swap3A_389 {strides = array<i32>} : memref<5x128x128xf32, #tpu.memory_space<vmem>>, vector<1x1x16xf32>,
      %get3A_390 = arith.constant 0 : i32
      %get3A_391 = arith.index_cast %get3A_390 : i32 to index
      %get3A_392 = arith.index_cast %scan3A_316 : i32 to index
      %get3A_393 = arith.constant 64 : index
      %get3A_394 = tpu.vector_load %arg6[%get3A_391, %get3A_392, %get3A_393] {strides = array<i32>} : memref<5x128x128xf32, #tpu.memory_space<vmem>>, vector<1x1x16xf32>,
      %get3A_395 = vector.shape_cast %get3A_394 : vector<1x1x16xf32> to vector<16xf32>
      %max3A_396 = arith.constant 0.000000e+00 : f32
      %max3A_397 = vector.broadcast %max3A_396 : f32 to vector<16xf32>
      %max3A_398 = arith.maximumf %get3A_395, %max3A_397 : vector<16xf32>
      %mul3A_399 = arith.constant 11.3137083 : f32
      %mul3A_400 = vector.broadcast %mul3A_399 : f32 to vector<16xf32>
      %mul3A_401 = arith.mulf %max3A_398, %mul3A_400 : vector<16xf32>
      %swap3A_402 = arith.constant 0 : i32
      %swap3A_403 = arith.index_cast %swap3A_402 : i32 to index
      %swap3A_404 = arith.index_cast %scan3A_316 : i32 to index
      %swap3A_405 = arith.constant 64 : index
      %swap3A_406 = tpu.vector_load %arg6[%swap3A_403, %swap3A_404, %swap3A_405] {strides = array<i32>} : memref<5x128x128xf32, #tpu.memory_space<vmem>>, vector<1x1x16xf32>,
      %swap3A_407 = vector.shape_cast %swap3A_406 : vector<1x1x16xf32> to vector<16xf32>
      %swap3A_408 = vector.shape_cast %mul3A_401 : vector<16xf32> to vector<1x1x16xf32>
      tpu.vector_store %arg6[%swap3A_403, %swap3A_404, %swap3A_405], %swap3A_408 {strides = array<i32>} : memref<5x128x128xf32, #tpu.memory_space<vmem>>, vector<1x1x16xf32>,
      %get3A_409 = arith.constant 0 : i32
      %get3A_410 = arith.index_cast %get3A_409 : i32 to index
      %get3A_411 = arith.index_cast %scan3A_316 : i32 to index
      %get3A_412 = arith.constant 80 : index
      %get3A_413 = tpu.vector_load %arg6[%get3A_410, %get3A_411, %get3A_412] {strides = array<i32>} : memref<5x128x128xf32, #tpu.memory_space<vmem>>, vector<1x1x16xf32>,
      %get3A_414 = vector.shape_cast %get3A_413 : vector<1x1x16xf32> to vector<16xf32>
      %max3A_415 = arith.constant 0.000000e+00 : f32
      %max3A_416 = vector.broadcast %max3A_415 : f32 to vector<16xf32>
      %max3A_417 = arith.maximumf %get3A_414, %max3A_416 : vector<16xf32>
      %mul3A_418 = arith.constant 11.3137083 : f32
      %mul3A_419 = vector.broadcast %mul3A_418 : f32 to vector<16xf32>
      %mul3A_420 = arith.mulf %max3A_417, %mul3A_419 : vector<16xf32>
      %swap3A_421 = arith.constant 0 : i32
      %swap3A_422 = arith.index_cast %swap3A_421 : i32 to index
      %swap3A_423 = arith.index_cast %scan3A_316 : i32 to index
      %swap3A_424 = arith.constant 80 : index
      %swap3A_425 = tpu.vector_load %arg6[%swap3A_422, %swap3A_423, %swap3A_424] {strides = array<i32>} : memref<5x128x128xf32, #tpu.memory_space<vmem>>, vector<1x1x16xf32>,
      %swap3A_426 = vector.shape_cast %swap3A_425 : vector<1x1x16xf32> to vector<16xf32>
      %swap3A_427 = vector.shape_cast %mul3A_420 : vector<16xf32> to vector<1x1x16xf32>
      tpu.vector_store %arg6[%swap3A_422, %swap3A_423, %swap3A_424], %swap3A_427 {strides = array<i32>} : memref<5x128x128xf32, #tpu.memory_space<vmem>>, vector<1x1x16xf32>,
      %get3A_428 = arith.constant 0 : i32
      %get3A_429 = arith.index_cast %get3A_428 : i32 to index
      %get3A_430 = arith.index_cast %scan3A_316 : i32 to index
      %get3A_431 = arith.constant 96 : index
      %get3A_432 = tpu.vector_load %arg6[%get3A_429, %get3A_430, %get3A_431] {strides = array<i32>} : memref<5x128x128xf32, #tpu.memory_space<vmem>>, vector<1x1x16xf32>,
      %get3A_433 = vector.shape_cast %get3A_432 : vector<1x1x16xf32> to vector<16xf32>
      %max3A_434 = arith.constant 0.000000e+00 : f32
      %max3A_435 = vector.broadcast %max3A_434 : f32 to vector<16xf32>
      %max3A_436 = arith.maximumf %get3A_433, %max3A_435 : vector<16xf32>
      %mul3A_437 = arith.constant 11.3137083 : f32
      %mul3A_438 = vector.broadcast %mul3A_437 : f32 to vector<16xf32>
      %mul3A_439 = arith.mulf %max3A_436, %mul3A_438 : vector<16xf32>
      %swap3A_440 = arith.constant 0 : i32
      %swap3A_441 = arith.index_cast %swap3A_440 : i32 to index
      %swap3A_442 = arith.index_cast %scan3A_316 : i32 to index
      %swap3A_443 = arith.constant 96 : index
      %swap3A_444 = tpu.vector_load %arg6[%swap3A_441, %swap3A_442, %swap3A_443] {strides = array<i32>} : memref<5x128x128xf32, #tpu.memory_space<vmem>>, vector<1x1x16xf32>,
      %swap3A_445 = vector.shape_cast %swap3A_444 : vector<1x1x16xf32> to vector<16xf32>
      %swap3A_446 = vector.shape_cast %mul3A_439 : vector<16xf32> to vector<1x1x16xf32>
      tpu.vector_store %arg6[%swap3A_441, %swap3A_442, %swap3A_443], %swap3A_446 {strides = array<i32>} : memref<5x128x128xf32, #tpu.memory_space<vmem>>, vector<1x1x16xf32>,
      %get3A_447 = arith.constant 0 : i32
      %get3A_448 = arith.index_cast %get3A_447 : i32 to index
      %get3A_449 = arith.index_cast %scan3A_316 : i32 to index
      %get3A_450 = arith.constant 112 : index
      %get3A_451 = tpu.vector_load %arg6[%get3A_448, %get3A_449, %get3A_450] {strides = array<i32>} : memref<5x128x128xf32, #tpu.memory_space<vmem>>, vector<1x1x16xf32>,
      %get3A_452 = vector.shape_cast %get3A_451 : vector<1x1x16xf32> to vector<16xf32>
      %max3A_453 = arith.constant 0.000000e+00 : f32
      %max3A_454 = vector.broadcast %max3A_453 : f32 to vector<16xf32>
      %max3A_455 = arith.maximumf %get3A_452, %max3A_454 : vector<16xf32>
      %mul3A_456 = arith.constant 11.3137083 : f32
      %mul3A_457 = vector.broadcast %mul3A_456 : f32 to vector<16xf32>
      %mul3A_458 = arith.mulf %max3A_455, %mul3A_457 : vector<16xf32>
      %swap3A_459 = arith.constant 0 : i32
      %swap3A_460 = arith.index_cast %swap3A_459 : i32 to index
      %swap3A_461 = arith.index_cast %scan3A_316 : i32 to index
      %swap3A_462 = arith.constant 112 : index
      %swap3A_463 = tpu.vector_load %arg6[%swap3A_460, %swap3A_461, %swap3A_462] {strides = array<i32>} : memref<5x128x128xf32, #tpu.memory_space<vmem>>, vector<1x1x16xf32>,
      %swap3A_464 = vector.shape_cast %swap3A_463 : vector<1x1x16xf32> to vector<16xf32>
      %swap3A_465 = vector.shape_cast %mul3A_458 : vector<16xf32> to vector<1x1x16xf32>
      tpu.vector_store %arg6[%swap3A_460, %swap3A_461, %swap3A_462], %swap3A_465 {strides = array<i32>} : memref<5x128x128xf32, #tpu.memory_space<vmem>>, vector<1x1x16xf32>,
    }
    %scan3A_53 = arith.constant 128 : i32
    %add3A_54 = arith.constant 0 : i32
    %add3A_55 = arith.addi %mul3A_2, %add3A_54 : i32
    %mul3A_56 = arith.constant 128 : i32
    %mul3A_57 = arith.muli %add3A_55, %mul3A_56 : i32
    %dma_start3A_58 = arith.constant 0 : i32
    %dma_start3A_59 = arith.constant 0 : i32
    %dma_start3A_60 = arith.constant 0 : i32
    %dma_start3A_61 = tpu.memref_slice %arg6[%dma_start3A_58, %dma_start3A_59, %dma_start3A_60] : memref<5x128x128xf32, #tpu.memory_space<vmem>> -> memref<1x128x128xf32, #tpu.memory_space<vmem>>
    %dma_start3A_62 = tpu.memref_squeeze %dma_start3A_61 : memref<1x128x128xf32, #tpu.memory_space<vmem>> -> memref<128x128xf32, #tpu.memory_space<vmem>>
    %dma_start3A_63 = arith.constant 0 : i32
    %dma_start3A_64 = tpu.memref_slice %arg4[%mul3A_57, %dma_start3A_63] : memref<819200x128xf32, #tpu.memory_space<hbm>> -> memref<128x128xf32, #tpu.memory_space<hbm>>
    %dma_start3A_65 = arith.constant 0 : i32
    %dma_start3A_66 = tpu.memref_slice %arg4[%mul3A_57, %dma_start3A_65] : memref<819200x128xf32, #tpu.memory_space<hbm>> -> memref<128x128xf32, #tpu.memory_space<hbm>>
    %dma_start3A_67 = arith.constant 0 : i32
    %dma_start3A_68 = arith.constant 0 : i32
    %dma_start3A_69 = tpu.memref_slice %arg6[%dma_start3A_58, %dma_start3A_67, %dma_start3A_68] : memref<5x128x128xf32, #tpu.memory_space<vmem>> -> memref<1x128x128xf32, #tpu.memory_space<vmem>>
    %dma_start3A_70 = tpu.memref_squeeze %dma_start3A_69 : memref<1x128x128xf32, #tpu.memory_space<vmem>> -> memref<128x128xf32, #tpu.memory_space<vmem>>
    tpu.enqueue_dma source(%dma_start3A_70 : memref<128x128xf32, #tpu.memory_space<vmem>>) target(%dma_start3A_66 : memref<128x128xf32, #tpu.memory_space<hbm>>) target_semaphore(%arg12 : memref<!tpu.dma_semaphore, #tpu.memory_space<semaphore_mem>>)
    %dma_start3A_71 = arith.constant 3 : i32
    %dma_start3A_72 = arith.constant 3 : i32
    %dma_start3A_73 = arith.constant 0 : i32
    %dma_start3A_74 = arith.constant 0 : i32
    %dma_start3A_75 = tpu.memref_slice %arg6[%dma_start3A_72, %dma_start3A_73, %dma_start3A_74] : memref<5x128x128xf32, #tpu.memory_space<vmem>> -> memref<1x128x128xf32, #tpu.memory_space<vmem>>
    %dma_start3A_76 = tpu.memref_squeeze %dma_start3A_75 : memref<1x128x128xf32, #tpu.memory_space<vmem>> -> memref<128x128xf32, #tpu.memory_space<vmem>>
    %dma_start3A_77 = arith.constant 0 : i32
    %dma_start3A_78 = tpu.memref_slice %arg5[%dma_start3A_71, %dma_start3A_77] : memref<200x128xi32, #tpu.memory_space<vmem>> -> memref<1x128xi32, #tpu.memory_space<vmem>>
    %dma_start3A_79 = tpu.memref_squeeze %dma_start3A_78 : memref<1x128xi32, #tpu.memory_space<vmem>> -> memref<128xi32, #tpu.memory_space<vmem>>
    %dma_start3A_80 = arith.constant 0 : i32
    %dma_start3A_81 = arith.constant 0 : i32
    %dma_start3A_82 = tpu.memref_slice %arg2[%dma_start3A_80, %dma_start3A_81] : memref<100000x128xf32, #tpu.memory_space<hbm>> -> memref<100000x128xf32, #tpu.memory_space<hbm>>
    tpu.enqueue_indirect_dma source(%dma_start3A_82 : memref<100000x128xf32, #tpu.memory_space<hbm>>) target(%dma_start3A_76 : memref<128x128xf32, #tpu.memory_space<vmem>>) offsets(%dma_start3A_79 : memref<128xi32, #tpu.memory_space<vmem>>) semaphore(%arg10 : memref<!tpu.dma_semaphore, #tpu.memory_space<semaphore_mem>>)
    %dma_wait3A_83 = arith.constant 0 : i32
    %dma_wait3A_84 = arith.constant 1 : i32
    %dma_wait3A_85 = arith.constant 0 : i32
    %dma_wait3A_86 = arith.constant 0 : i32
    %dma_wait3A_87 = tpu.memref_slice %arg6[%dma_wait3A_84, %dma_wait3A_85, %dma_wait3A_86] : memref<5x128x128xf32, #tpu.memory_space<vmem>> -> memref<1x128x128xf32, #tpu.memory_space<vmem>>
    %dma_wait3A_88 = tpu.memref_squeeze %dma_wait3A_87 : memref<1x128x128xf32, #tpu.memory_space<vmem>> -> memref<128x128xf32, #tpu.memory_space<vmem>>
    %dma_wait3A_89 = arith.constant 0 : i32
    %dma_wait3A_90 = tpu.memref_slice %arg5[%dma_wait3A_83, %dma_wait3A_89] : memref<200x128xi32, #tpu.memory_space<vmem>> -> memref<1x128xi32, #tpu.memory_space<vmem>>
    %dma_wait3A_91 = tpu.memref_squeeze %dma_wait3A_90 : memref<1x128xi32, #tpu.memory_space<vmem>> -> memref<128xi32, #tpu.memory_space<vmem>>
    %dma_wait3A_92 = arith.constant 0 : i32
    %dma_wait3A_93 = arith.constant 0 : i32
    %dma_wait3A_94 = tpu.memref_slice %arg2[%dma_wait3A_92, %dma_wait3A_93] : memref<100000x128xf32, #tpu.memory_space<hbm>> -> memref<100000x128xf32, #tpu.memory_space<hbm>>
    tpu.wait_indirect_dma semaphore(%arg8 : memref<!tpu.dma_semaphore, #tpu.memory_space<semaphore_mem>>) src(%dma_wait3A_94 : memref<100000x128xf32, #tpu.memory_space<hbm>>) dst(%dma_wait3A_88 : memref<128x128xf32, #tpu.memory_space<vmem>>)
    %scan3A_95 = arith.constant 0 : i32
    %scan3A_96 = arith.constant 0 : i32
    %scan3A_97 = arith.constant 128 : i32
    %scan3A_98 = arith.addi %scan3A_96, %scan3A_97 : i32
    %scan3A_99 = arith.constant 1 : i32
    scf.for %scan3A_316 = %scan3A_96 to %scan3A_98 step %scan3A_99  : i32 {
      %get3A = arith.constant 1 : i32
      %get3A_317 = arith.index_cast %get3A : i32 to index
      %get3A_318 = arith.index_cast %scan3A_316 : i32 to index
      %get3A_319 = arith.constant 0 : index
      %get3A_320 = tpu.vector_load %arg6[%get3A_317, %get3A_318, %get3A_319] {strides = array<i32>} : memref<5x128x128xf32, #tpu.memory_space<vmem>>, vector<1x1x16xf32>,
      %get3A_321 = vector.shape_cast %get3A_320 : vector<1x1x16xf32> to vector<16xf32>
      %max3A = arith.constant 0.000000e+00 : f32
      %max3A_322 = vector.broadcast %max3A : f32 to vector<16xf32>
      %max3A_323 = arith.maximumf %get3A_321, %max3A_322 : vector<16xf32>
      %mul3A_324 = arith.constant 11.3137083 : f32
      %mul3A_325 = vector.broadcast %mul3A_324 : f32 to vector<16xf32>
      %mul3A_326 = arith.mulf %max3A_323, %mul3A_325 : vector<16xf32>
      %swap3A = arith.constant 1 : i32
      %swap3A_327 = arith.index_cast %swap3A : i32 to index
      %swap3A_328 = arith.index_cast %scan3A_316 : i32 to index
      %swap3A_329 = arith.constant 0 : index
      %swap3A_330 = tpu.vector_load %arg6[%swap3A_327, %swap3A_328, %swap3A_329] {strides = array<i32>} : memref<5x128x128xf32, #tpu.memory_space<vmem>>, vector<1x1x16xf32>,
      %swap3A_331 = vector.shape_cast %swap3A_330 : vector<1x1x16xf32> to vector<16xf32>
      %swap3A_332 = vector.shape_cast %mul3A_326 : vector<16xf32> to vector<1x1x16xf32>
      tpu.vector_store %arg6[%swap3A_327, %swap3A_328, %swap3A_329], %swap3A_332 {strides = array<i32>} : memref<5x128x128xf32, #tpu.memory_space<vmem>>, vector<1x1x16xf32>,
      %get3A_333 = arith.constant 1 : i32
      %get3A_334 = arith.index_cast %get3A_333 : i32 to index
      %get3A_335 = arith.index_cast %scan3A_316 : i32 to index
      %get3A_336 = arith.constant 16 : index
      %get3A_337 = tpu.vector_load %arg6[%get3A_334, %get3A_335, %get3A_336] {strides = array<i32>} : memref<5x128x128xf32, #tpu.memory_space<vmem>>, vector<1x1x16xf32>,
      %get3A_338 = vector.shape_cast %get3A_337 : vector<1x1x16xf32> to vector<16xf32>
      %max3A_339 = arith.constant 0.000000e+00 : f32
      %max3A_340 = vector.broadcast %max3A_339 : f32 to vector<16xf32>
      %max3A_341 = arith.maximumf %get3A_338, %max3A_340 : vector<16xf32>
      %mul3A_342 = arith.constant 11.3137083 : f32
      %mul3A_343 = vector.broadcast %mul3A_342 : f32 to vector<16xf32>
      %mul3A_344 = arith.mulf %max3A_341, %mul3A_343 : vector<16xf32>
      %swap3A_345 = arith.constant 1 : i32
      %swap3A_346 = arith.index_cast %swap3A_345 : i32 to index
      %swap3A_347 = arith.index_cast %scan3A_316 : i32 to index
      %swap3A_348 = arith.constant 16 : index
      %swap3A_349 = tpu.vector_load %arg6[%swap3A_346, %swap3A_347, %swap3A_348] {strides = array<i32>} : memref<5x128x128xf32, #tpu.memory_space<vmem>>, vector<1x1x16xf32>,
      %swap3A_350 = vector.shape_cast %swap3A_349 : vector<1x1x16xf32> to vector<16xf32>
      %swap3A_351 = vector.shape_cast %mul3A_344 : vector<16xf32> to vector<1x1x16xf32>
      tpu.vector_store %arg6[%swap3A_346, %swap3A_347, %swap3A_348], %swap3A_351 {strides = array<i32>} : memref<5x128x128xf32, #tpu.memory_space<vmem>>, vector<1x1x16xf32>,
      %get3A_352 = arith.constant 1 : i32
      %get3A_353 = arith.index_cast %get3A_352 : i32 to index
      %get3A_354 = arith.index_cast %scan3A_316 : i32 to index
      %get3A_355 = arith.constant 32 : index
      %get3A_356 = tpu.vector_load %arg6[%get3A_353, %get3A_354, %get3A_355] {strides = array<i32>} : memref<5x128x128xf32, #tpu.memory_space<vmem>>, vector<1x1x16xf32>,
      %get3A_357 = vector.shape_cast %get3A_356 : vector<1x1x16xf32> to vector<16xf32>
      %max3A_358 = arith.constant 0.000000e+00 : f32
      %max3A_359 = vector.broadcast %max3A_358 : f32 to vector<16xf32>
      %max3A_360 = arith.maximumf %get3A_357, %max3A_359 : vector<16xf32>
      %mul3A_361 = arith.constant 11.3137083 : f32
      %mul3A_362 = vector.broadcast %mul3A_361 : f32 to vector<16xf32>
      %mul3A_363 = arith.mulf %max3A_360, %mul3A_362 : vector<16xf32>
      %swap3A_364 = arith.constant 1 : i32
      %swap3A_365 = arith.index_cast %swap3A_364 : i32 to index
      %swap3A_366 = arith.index_cast %scan3A_316 : i32 to index
      %swap3A_367 = arith.constant 32 : index
      %swap3A_368 = tpu.vector_load %arg6[%swap3A_365, %swap3A_366, %swap3A_367] {strides = array<i32>} : memref<5x128x128xf32, #tpu.memory_space<vmem>>, vector<1x1x16xf32>,
      %swap3A_369 = vector.shape_cast %swap3A_368 : vector<1x1x16xf32> to vector<16xf32>
      %swap3A_370 = vector.shape_cast %mul3A_363 : vector<16xf32> to vector<1x1x16xf32>
      tpu.vector_store %arg6[%swap3A_365, %swap3A_366, %swap3A_367], %swap3A_370 {strides = array<i32>} : memref<5x128x128xf32, #tpu.memory_space<vmem>>, vector<1x1x16xf32>,
      %get3A_371 = arith.constant 1 : i32
      %get3A_372 = arith.index_cast %get3A_371 : i32 to index
      %get3A_373 = arith.index_cast %scan3A_316 : i32 to index
      %get3A_374 = arith.constant 48 : index
      %get3A_375 = tpu.vector_load %arg6[%get3A_372, %get3A_373, %get3A_374] {strides = array<i32>} : memref<5x128x128xf32, #tpu.memory_space<vmem>>, vector<1x1x16xf32>,
      %get3A_376 = vector.shape_cast %get3A_375 : vector<1x1x16xf32> to vector<16xf32>
      %max3A_377 = arith.constant 0.000000e+00 : f32
      %max3A_378 = vector.broadcast %max3A_377 : f32 to vector<16xf32>
      %max3A_379 = arith.maximumf %get3A_376, %max3A_378 : vector<16xf32>
      %mul3A_380 = arith.constant 11.3137083 : f32
      %mul3A_381 = vector.broadcast %mul3A_380 : f32 to vector<16xf32>
      %mul3A_382 = arith.mulf %max3A_379, %mul3A_381 : vector<16xf32>
      %swap3A_383 = arith.constant 1 : i32
      %swap3A_384 = arith.index_cast %swap3A_383 : i32 to index
      %swap3A_385 = arith.index_cast %scan3A_316 : i32 to index
      %swap3A_386 = arith.constant 48 : index
      %swap3A_387 = tpu.vector_load %arg6[%swap3A_384, %swap3A_385, %swap3A_386] {strides = array<i32>} : memref<5x128x128xf32, #tpu.memory_space<vmem>>, vector<1x1x16xf32>,
      %swap3A_388 = vector.shape_cast %swap3A_387 : vector<1x1x16xf32> to vector<16xf32>
      %swap3A_389 = vector.shape_cast %mul3A_382 : vector<16xf32> to vector<1x1x16xf32>
      tpu.vector_store %arg6[%swap3A_384, %swap3A_385, %swap3A_386], %swap3A_389 {strides = array<i32>} : memref<5x128x128xf32, #tpu.memory_space<vmem>>, vector<1x1x16xf32>,
      %get3A_390 = arith.constant 1 : i32
      %get3A_391 = arith.index_cast %get3A_390 : i32 to index
      %get3A_392 = arith.index_cast %scan3A_316 : i32 to index
      %get3A_393 = arith.constant 64 : index
      %get3A_394 = tpu.vector_load %arg6[%get3A_391, %get3A_392, %get3A_393] {strides = array<i32>} : memref<5x128x128xf32, #tpu.memory_space<vmem>>, vector<1x1x16xf32>,
      %get3A_395 = vector.shape_cast %get3A_394 : vector<1x1x16xf32> to vector<16xf32>
      %max3A_396 = arith.constant 0.000000e+00 : f32
      %max3A_397 = vector.broadcast %max3A_396 : f32 to vector<16xf32>
      %max3A_398 = arith.maximumf %get3A_395, %max3A_397 : vector<16xf32>
      %mul3A_399 = arith.constant 11.3137083 : f32
      %mul3A_400 = vector.broadcast %mul3A_399 : f32 to vector<16xf32>
      %mul3A_401 = arith.mulf %max3A_398, %mul3A_400 : vector<16xf32>
      %swap3A_402 = arith.constant 1 : i32
      %swap3A_403 = arith.index_cast %swap3A_402 : i32 to index
      %swap3A_404 = arith.index_cast %scan3A_316 : i32 to index
      %swap3A_405 = arith.constant 64 : index
      %swap3A_406 = tpu.vector_load %arg6[%swap3A_403, %swap3A_404, %swap3A_405] {strides = array<i32>} : memref<5x128x128xf32, #tpu.memory_space<vmem>>, vector<1x1x16xf32>,
      %swap3A_407 = vector.shape_cast %swap3A_406 : vector<1x1x16xf32> to vector<16xf32>
      %swap3A_408 = vector.shape_cast %mul3A_401 : vector<16xf32> to vector<1x1x16xf32>
      tpu.vector_store %arg6[%swap3A_403, %swap3A_404, %swap3A_405], %swap3A_408 {strides = array<i32>} : memref<5x128x128xf32, #tpu.memory_space<vmem>>, vector<1x1x16xf32>,
      %get3A_409 = arith.constant 1 : i32
      %get3A_410 = arith.index_cast %get3A_409 : i32 to index
      %get3A_411 = arith.index_cast %scan3A_316 : i32 to index
      %get3A_412 = arith.constant 80 : index
      %get3A_413 = tpu.vector_load %arg6[%get3A_410, %get3A_411, %get3A_412] {strides = array<i32>} : memref<5x128x128xf32, #tpu.memory_space<vmem>>, vector<1x1x16xf32>,
      %get3A_414 = vector.shape_cast %get3A_413 : vector<1x1x16xf32> to vector<16xf32>
      %max3A_415 = arith.constant 0.000000e+00 : f32
      %max3A_416 = vector.broadcast %max3A_415 : f32 to vector<16xf32>
      %max3A_417 = arith.maximumf %get3A_414, %max3A_416 : vector<16xf32>
      %mul3A_418 = arith.constant 11.3137083 : f32
      %mul3A_419 = vector.broadcast %mul3A_418 : f32 to vector<16xf32>
      %mul3A_420 = arith.mulf %max3A_417, %mul3A_419 : vector<16xf32>
      %swap3A_421 = arith.constant 1 : i32
      %swap3A_422 = arith.index_cast %swap3A_421 : i32 to index
      %swap3A_423 = arith.index_cast %scan3A_316 : i32 to index
      %swap3A_424 = arith.constant 80 : index
      %swap3A_425 = tpu.vector_load %arg6[%swap3A_422, %swap3A_423, %swap3A_424] {strides = array<i32>} : memref<5x128x128xf32, #tpu.memory_space<vmem>>, vector<1x1x16xf32>,
      %swap3A_426 = vector.shape_cast %swap3A_425 : vector<1x1x16xf32> to vector<16xf32>
      %swap3A_427 = vector.shape_cast %mul3A_420 : vector<16xf32> to vector<1x1x16xf32>
      tpu.vector_store %arg6[%swap3A_422, %swap3A_423, %swap3A_424], %swap3A_427 {strides = array<i32>} : memref<5x128x128xf32, #tpu.memory_space<vmem>>, vector<1x1x16xf32>,
      %get3A_428 = arith.constant 1 : i32
      %get3A_429 = arith.index_cast %get3A_428 : i32 to index
      %get3A_430 = arith.index_cast %scan3A_316 : i32 to index
      %get3A_431 = arith.constant 96 : index
      %get3A_432 = tpu.vector_load %arg6[%get3A_429, %get3A_430, %get3A_431] {strides = array<i32>} : memref<5x128x128xf32, #tpu.memory_space<vmem>>, vector<1x1x16xf32>,
      %get3A_433 = vector.shape_cast %get3A_432 : vector<1x1x16xf32> to vector<16xf32>
      %max3A_434 = arith.constant 0.000000e+00 : f32
      %max3A_435 = vector.broadcast %max3A_434 : f32 to vector<16xf32>
      %max3A_436 = arith.maximumf %get3A_433, %max3A_435 : vector<16xf32>
      %mul3A_437 = arith.constant 11.3137083 : f32
      %mul3A_438 = vector.broadcast %mul3A_437 : f32 to vector<16xf32>
      %mul3A_439 = arith.mulf %max3A_436, %mul3A_438 : vector<16xf32>
      %swap3A_440 = arith.constant 1 : i32
      %swap3A_441 = arith.index_cast %swap3A_440 : i32 to index
      %swap3A_442 = arith.index_cast %scan3A_316 : i32 to index
      %swap3A_443 = arith.constant 96 : index
      %swap3A_444 = tpu.vector_load %arg6[%swap3A_441, %swap3A_442, %swap3A_443] {strides = array<i32>} : memref<5x128x128xf32, #tpu.memory_space<vmem>>, vector<1x1x16xf32>,
      %swap3A_445 = vector.shape_cast %swap3A_444 : vector<1x1x16xf32> to vector<16xf32>
      %swap3A_446 = vector.shape_cast %mul3A_439 : vector<16xf32> to vector<1x1x16xf32>
      tpu.vector_store %arg6[%swap3A_441, %swap3A_442, %swap3A_443], %swap3A_446 {strides = array<i32>} : memref<5x128x128xf32, #tpu.memory_space<vmem>>, vector<1x1x16xf32>,
      %get3A_447 = arith.constant 1 : i32
      %get3A_448 = arith.index_cast %get3A_447 : i32 to index
      %get3A_449 = arith.index_cast %scan3A_316 : i32 to index
      %get3A_450 = arith.constant 112 : index
      %get3A_451 = tpu.vector_load %arg6[%get3A_448, %get3A_449, %get3A_450] {strides = array<i32>} : memref<5x128x128xf32, #tpu.memory_space<vmem>>, vector<1x1x16xf32>,
      %get3A_452 = vector.shape_cast %get3A_451 : vector<1x1x16xf32> to vector<16xf32>
      %max3A_453 = arith.constant 0.000000e+00 : f32
      %max3A_454 = vector.broadcast %max3A_453 : f32 to vector<16xf32>
      %max3A_455 = arith.maximumf %get3A_452, %max3A_454 : vector<16xf32>
      %mul3A_456 = arith.constant 11.3137083 : f32
      %mul3A_457 = vector.broadcast %mul3A_456 : f32 to vector<16xf32>
      %mul3A_458 = arith.mulf %max3A_455, %mul3A_457 : vector<16xf32>
      %swap3A_459 = arith.constant 1 : i32
      %swap3A_460 = arith.index_cast %swap3A_459 : i32 to index
      %swap3A_461 = arith.index_cast %scan3A_316 : i32 to index
      %swap3A_462 = arith.constant 112 : index
      %swap3A_463 = tpu.vector_load %arg6[%swap3A_460, %swap3A_461, %swap3A_462] {strides = array<i32>} : memref<5x128x128xf32, #tpu.memory_space<vmem>>, vector<1x1x16xf32>,
      %swap3A_464 = vector.shape_cast %swap3A_463 : vector<1x1x16xf32> to vector<16xf32>
      %swap3A_465 = vector.shape_cast %mul3A_458 : vector<16xf32> to vector<1x1x16xf32>
      tpu.vector_store %arg6[%swap3A_460, %swap3A_461, %swap3A_462], %swap3A_465 {strides = array<i32>} : memref<5x128x128xf32, #tpu.memory_space<vmem>>, vector<1x1x16xf32>,
    }
    %scan3A_100 = arith.constant 128 : i32
    %add3A_101 = arith.constant 1 : i32
    %add3A_102 = arith.addi %mul3A_2, %add3A_101 : i32
    %mul3A_103 = arith.constant 128 : i32
    %mul3A_104 = arith.muli %add3A_102, %mul3A_103 : i32
    %dma_start3A_105 = arith.constant 1 : i32
    %dma_start3A_106 = arith.constant 0 : i32
    %dma_start3A_107 = arith.constant 0 : i32
    %dma_start3A_108 = tpu.memref_slice %arg6[%dma_start3A_105, %dma_start3A_106, %dma_start3A_107] : memref<5x128x128xf32, #tpu.memory_space<vmem>> -> memref<1x128x128xf32, #tpu.memory_space<vmem>>
    %dma_start3A_109 = tpu.memref_squeeze %dma_start3A_108 : memref<1x128x128xf32, #tpu.memory_space<vmem>> -> memref<128x128xf32, #tpu.memory_space<vmem>>
    %dma_start3A_110 = arith.constant 0 : i32
    %dma_start3A_111 = tpu.memref_slice %arg4[%mul3A_104, %dma_start3A_110] : memref<819200x128xf32, #tpu.memory_space<hbm>> -> memref<128x128xf32, #tpu.memory_space<hbm>>
    %dma_start3A_112 = arith.constant 0 : i32
    %dma_start3A_113 = tpu.memref_slice %arg4[%mul3A_104, %dma_start3A_112] : memref<819200x128xf32, #tpu.memory_space<hbm>> -> memref<128x128xf32, #tpu.memory_space<hbm>>
    %dma_start3A_114 = arith.constant 0 : i32
    %dma_start3A_115 = arith.constant 0 : i32
    %dma_start3A_116 = tpu.memref_slice %arg6[%dma_start3A_105, %dma_start3A_114, %dma_start3A_115] : memref<5x128x128xf32, #tpu.memory_space<vmem>> -> memref<1x128x128xf32, #tpu.memory_space<vmem>>
    %dma_start3A_117 = tpu.memref_squeeze %dma_start3A_116 : memref<1x128x128xf32, #tpu.memory_space<vmem>> -> memref<128x128xf32, #tpu.memory_space<vmem>>
    tpu.enqueue_dma source(%dma_start3A_117 : memref<128x128xf32, #tpu.memory_space<vmem>>) target(%dma_start3A_113 : memref<128x128xf32, #tpu.memory_space<hbm>>) target_semaphore(%arg13 : memref<!tpu.dma_semaphore, #tpu.memory_space<semaphore_mem>>)
    %dma_start3A_118 = arith.constant 4 : i32
    %dma_start3A_119 = arith.constant 4 : i32
    %dma_start3A_120 = arith.constant 0 : i32
    %dma_start3A_121 = arith.constant 0 : i32
    %dma_start3A_122 = tpu.memref_slice %arg6[%dma_start3A_119, %dma_start3A_120, %dma_start3A_121] : memref<5x128x128xf32, #tpu.memory_space<vmem>> -> memref<1x128x128xf32, #tpu.memory_space<vmem>>
    %dma_start3A_123 = tpu.memref_squeeze %dma_start3A_122 : memref<1x128x128xf32, #tpu.memory_space<vmem>> -> memref<128x128xf32, #tpu.memory_space<vmem>>
    %dma_start3A_124 = arith.constant 0 : i32
    %dma_start3A_125 = tpu.memref_slice %arg5[%dma_start3A_118, %dma_start3A_124] : memref<200x128xi32, #tpu.memory_space<vmem>> -> memref<1x128xi32, #tpu.memory_space<vmem>>
    %dma_start3A_126 = tpu.memref_squeeze %dma_start3A_125 : memref<1x128xi32, #tpu.memory_space<vmem>> -> memref<128xi32, #tpu.memory_space<vmem>>
    %dma_start3A_127 = arith.constant 0 : i32
    %dma_start3A_128 = arith.constant 0 : i32
    %dma_start3A_129 = tpu.memref_slice %arg2[%dma_start3A_127, %dma_start3A_128] : memref<100000x128xf32, #tpu.memory_space<hbm>> -> memref<100000x128xf32, #tpu.memory_space<hbm>>
    tpu.enqueue_indirect_dma source(%dma_start3A_129 : memref<100000x128xf32, #tpu.memory_space<hbm>>) target(%dma_start3A_123 : memref<128x128xf32, #tpu.memory_space<vmem>>) offsets(%dma_start3A_126 : memref<128xi32, #tpu.memory_space<vmem>>) semaphore(%arg11 : memref<!tpu.dma_semaphore, #tpu.memory_space<semaphore_mem>>)
    %dma_wait3A_130 = arith.constant 0 : i32
    %dma_wait3A_131 = arith.constant 2 : i32
    %dma_wait3A_132 = arith.constant 0 : i32
    %dma_wait3A_133 = arith.constant 0 : i32
    %dma_wait3A_134 = tpu.memref_slice %arg6[%dma_wait3A_131, %dma_wait3A_132, %dma_wait3A_133] : memref<5x128x128xf32, #tpu.memory_space<vmem>> -> memref<1x128x128xf32, #tpu.memory_space<vmem>>
    %dma_wait3A_135 = tpu.memref_squeeze %dma_wait3A_134 : memref<1x128x128xf32, #tpu.memory_space<vmem>> -> memref<128x128xf32, #tpu.memory_space<vmem>>
    %dma_wait3A_136 = arith.constant 0 : i32
    %dma_wait3A_137 = tpu.memref_slice %arg5[%dma_wait3A_130, %dma_wait3A_136] : memref<200x128xi32, #tpu.memory_space<vmem>> -> memref<1x128xi32, #tpu.memory_space<vmem>>
    %dma_wait3A_138 = tpu.memref_squeeze %dma_wait3A_137 : memref<1x128xi32, #tpu.memory_space<vmem>> -> memref<128xi32, #tpu.memory_space<vmem>>
    %dma_wait3A_139 = arith.constant 0 : i32
    %dma_wait3A_140 = arith.constant 0 : i32
    %dma_wait3A_141 = tpu.memref_slice %arg2[%dma_wait3A_139, %dma_wait3A_140] : memref<100000x128xf32, #tpu.memory_space<hbm>> -> memref<100000x128xf32, #tpu.memory_space<hbm>>
    tpu.wait_indirect_dma semaphore(%arg9 : memref<!tpu.dma_semaphore, #tpu.memory_space<semaphore_mem>>) src(%dma_wait3A_141 : memref<100000x128xf32, #tpu.memory_space<hbm>>) dst(%dma_wait3A_135 : memref<128x128xf32, #tpu.memory_space<vmem>>)
    %scan3A_142 = arith.constant 0 : i32
    %scan3A_143 = arith.constant 0 : i32
    %scan3A_144 = arith.constant 128 : i32
    %scan3A_145 = arith.addi %scan3A_143, %scan3A_144 : i32
    %scan3A_146 = arith.constant 1 : i32
    scf.for %scan3A_316 = %scan3A_143 to %scan3A_145 step %scan3A_146  : i32 {
      %get3A = arith.constant 2 : i32
      %get3A_317 = arith.index_cast %get3A : i32 to index
      %get3A_318 = arith.index_cast %scan3A_316 : i32 to index
      %get3A_319 = arith.constant 0 : index
      %get3A_320 = tpu.vector_load %arg6[%get3A_317, %get3A_318, %get3A_319] {strides = array<i32>} : memref<5x128x128xf32, #tpu.memory_space<vmem>>, vector<1x1x16xf32>,
      %get3A_321 = vector.shape_cast %get3A_320 : vector<1x1x16xf32> to vector<16xf32>
      %max3A = arith.constant 0.000000e+00 : f32
      %max3A_322 = vector.broadcast %max3A : f32 to vector<16xf32>
      %max3A_323 = arith.maximumf %get3A_321, %max3A_322 : vector<16xf32>
      %mul3A_324 = arith.constant 11.3137083 : f32
      %mul3A_325 = vector.broadcast %mul3A_324 : f32 to vector<16xf32>
      %mul3A_326 = arith.mulf %max3A_323, %mul3A_325 : vector<16xf32>
      %swap3A = arith.constant 2 : i32
      %swap3A_327 = arith.index_cast %swap3A : i32 to index
      %swap3A_328 = arith.index_cast %scan3A_316 : i32 to index
      %swap3A_329 = arith.constant 0 : index
      %swap3A_330 = tpu.vector_load %arg6[%swap3A_327, %swap3A_328, %swap3A_329] {strides = array<i32>} : memref<5x128x128xf32, #tpu.memory_space<vmem>>, vector<1x1x16xf32>,
      %swap3A_331 = vector.shape_cast %swap3A_330 : vector<1x1x16xf32> to vector<16xf32>
      %swap3A_332 = vector.shape_cast %mul3A_326 : vector<16xf32> to vector<1x1x16xf32>
      tpu.vector_store %arg6[%swap3A_327, %swap3A_328, %swap3A_329], %swap3A_332 {strides = array<i32>} : memref<5x128x128xf32, #tpu.memory_space<vmem>>, vector<1x1x16xf32>,
      %get3A_333 = arith.constant 2 : i32
      %get3A_334 = arith.index_cast %get3A_333 : i32 to index
      %get3A_335 = arith.index_cast %scan3A_316 : i32 to index
      %get3A_336 = arith.constant 16 : index
      %get3A_337 = tpu.vector_load %arg6[%get3A_334, %get3A_335, %get3A_336] {strides = array<i32>} : memref<5x128x128xf32, #tpu.memory_space<vmem>>, vector<1x1x16xf32>,
      %get3A_338 = vector.shape_cast %get3A_337 : vector<1x1x16xf32> to vector<16xf32>
      %max3A_339 = arith.constant 0.000000e+00 : f32
      %max3A_340 = vector.broadcast %max3A_339 : f32 to vector<16xf32>
      %max3A_341 = arith.maximumf %get3A_338, %max3A_340 : vector<16xf32>
      %mul3A_342 = arith.constant 11.3137083 : f32
      %mul3A_343 = vector.broadcast %mul3A_342 : f32 to vector<16xf32>
      %mul3A_344 = arith.mulf %max3A_341, %mul3A_343 : vector<16xf32>
      %swap3A_345 = arith.constant 2 : i32
      %swap3A_346 = arith.index_cast %swap3A_345 : i32 to index
      %swap3A_347 = arith.index_cast %scan3A_316 : i32 to index
      %swap3A_348 = arith.constant 16 : index
      %swap3A_349 = tpu.vector_load %arg6[%swap3A_346, %swap3A_347, %swap3A_348] {strides = array<i32>} : memref<5x128x128xf32, #tpu.memory_space<vmem>>, vector<1x1x16xf32>,
      %swap3A_350 = vector.shape_cast %swap3A_349 : vector<1x1x16xf32> to vector<16xf32>
      %swap3A_351 = vector.shape_cast %mul3A_344 : vector<16xf32> to vector<1x1x16xf32>
      tpu.vector_store %arg6[%swap3A_346, %swap3A_347, %swap3A_348], %swap3A_351 {strides = array<i32>} : memref<5x128x128xf32, #tpu.memory_space<vmem>>, vector<1x1x16xf32>,
      %get3A_352 = arith.constant 2 : i32
      %get3A_353 = arith.index_cast %get3A_352 : i32 to index
      %get3A_354 = arith.index_cast %scan3A_316 : i32 to index
      %get3A_355 = arith.constant 32 : index
      %get3A_356 = tpu.vector_load %arg6[%get3A_353, %get3A_354, %get3A_355] {strides = array<i32>} : memref<5x128x128xf32, #tpu.memory_space<vmem>>, vector<1x1x16xf32>,
      %get3A_357 = vector.shape_cast %get3A_356 : vector<1x1x16xf32> to vector<16xf32>
      %max3A_358 = arith.constant 0.000000e+00 : f32
      %max3A_359 = vector.broadcast %max3A_358 : f32 to vector<16xf32>
      %max3A_360 = arith.maximumf %get3A_357, %max3A_359 : vector<16xf32>
      %mul3A_361 = arith.constant 11.3137083 : f32
      %mul3A_362 = vector.broadcast %mul3A_361 : f32 to vector<16xf32>
      %mul3A_363 = arith.mulf %max3A_360, %mul3A_362 : vector<16xf32>
      %swap3A_364 = arith.constant 2 : i32
      %swap3A_365 = arith.index_cast %swap3A_364 : i32 to index
      %swap3A_366 = arith.index_cast %scan3A_316 : i32 to index
      %swap3A_367 = arith.constant 32 : index
      %swap3A_368 = tpu.vector_load %arg6[%swap3A_365, %swap3A_366, %swap3A_367] {strides = array<i32>} : memref<5x128x128xf32, #tpu.memory_space<vmem>>, vector<1x1x16xf32>,
      %swap3A_369 = vector.shape_cast %swap3A_368 : vector<1x1x16xf32> to vector<16xf32>
      %swap3A_370 = vector.shape_cast %mul3A_363 : vector<16xf32> to vector<1x1x16xf32>
      tpu.vector_store %arg6[%swap3A_365, %swap3A_366, %swap3A_367], %swap3A_370 {strides = array<i32>} : memref<5x128x128xf32, #tpu.memory_space<vmem>>, vector<1x1x16xf32>,
      %get3A_371 = arith.constant 2 : i32
      %get3A_372 = arith.index_cast %get3A_371 : i32 to index
      %get3A_373 = arith.index_cast %scan3A_316 : i32 to index
      %get3A_374 = arith.constant 48 : index
      %get3A_375 = tpu.vector_load %arg6[%get3A_372, %get3A_373, %get3A_374] {strides = array<i32>} : memref<5x128x128xf32, #tpu.memory_space<vmem>>, vector<1x1x16xf32>,
      %get3A_376 = vector.shape_cast %get3A_375 : vector<1x1x16xf32> to vector<16xf32>
      %max3A_377 = arith.constant 0.000000e+00 : f32
      %max3A_378 = vector.broadcast %max3A_377 : f32 to vector<16xf32>
      %max3A_379 = arith.maximumf %get3A_376, %max3A_378 : vector<16xf32>
      %mul3A_380 = arith.constant 11.3137083 : f32
      %mul3A_381 = vector.broadcast %mul3A_380 : f32 to vector<16xf32>
      %mul3A_382 = arith.mulf %max3A_379, %mul3A_381 : vector<16xf32>
      %swap3A_383 = arith.constant 2 : i32
      %swap3A_384 = arith.index_cast %swap3A_383 : i32 to index
      %swap3A_385 = arith.index_cast %scan3A_316 : i32 to index
      %swap3A_386 = arith.constant 48 : index
      %swap3A_387 = tpu.vector_load %arg6[%swap3A_384, %swap3A_385, %swap3A_386] {strides = array<i32>} : memref<5x128x128xf32, #tpu.memory_space<vmem>>, vector<1x1x16xf32>,
      %swap3A_388 = vector.shape_cast %swap3A_387 : vector<1x1x16xf32> to vector<16xf32>
      %swap3A_389 = vector.shape_cast %mul3A_382 : vector<16xf32> to vector<1x1x16xf32>
      tpu.vector_store %arg6[%swap3A_384, %swap3A_385, %swap3A_386], %swap3A_389 {strides = array<i32>} : memref<5x128x128xf32, #tpu.memory_space<vmem>>, vector<1x1x16xf32>,
      %get3A_390 = arith.constant 2 : i32
      %get3A_391 = arith.index_cast %get3A_390 : i32 to index
      %get3A_392 = arith.index_cast %scan3A_316 : i32 to index
      %get3A_393 = arith.constant 64 : index
      %get3A_394 = tpu.vector_load %arg6[%get3A_391, %get3A_392, %get3A_393] {strides = array<i32>} : memref<5x128x128xf32, #tpu.memory_space<vmem>>, vector<1x1x16xf32>,
      %get3A_395 = vector.shape_cast %get3A_394 : vector<1x1x16xf32> to vector<16xf32>
      %max3A_396 = arith.constant 0.000000e+00 : f32
      %max3A_397 = vector.broadcast %max3A_396 : f32 to vector<16xf32>
      %max3A_398 = arith.maximumf %get3A_395, %max3A_397 : vector<16xf32>
      %mul3A_399 = arith.constant 11.3137083 : f32
      %mul3A_400 = vector.broadcast %mul3A_399 : f32 to vector<16xf32>
      %mul3A_401 = arith.mulf %max3A_398, %mul3A_400 : vector<16xf32>
      %swap3A_402 = arith.constant 2 : i32
      %swap3A_403 = arith.index_cast %swap3A_402 : i32 to index
      %swap3A_404 = arith.index_cast %scan3A_316 : i32 to index
      %swap3A_405 = arith.constant 64 : index
      %swap3A_406 = tpu.vector_load %arg6[%swap3A_403, %swap3A_404, %swap3A_405] {strides = array<i32>} : memref<5x128x128xf32, #tpu.memory_space<vmem>>, vector<1x1x16xf32>,
      %swap3A_407 = vector.shape_cast %swap3A_406 : vector<1x1x16xf32> to vector<16xf32>
      %swap3A_408 = vector.shape_cast %mul3A_401 : vector<16xf32> to vector<1x1x16xf32>
      tpu.vector_store %arg6[%swap3A_403, %swap3A_404, %swap3A_405], %swap3A_408 {strides = array<i32>} : memref<5x128x128xf32, #tpu.memory_space<vmem>>, vector<1x1x16xf32>,
      %get3A_409 = arith.constant 2 : i32
      %get3A_410 = arith.index_cast %get3A_409 : i32 to index
      %get3A_411 = arith.index_cast %scan3A_316 : i32 to index
      %get3A_412 = arith.constant 80 : index
      %get3A_413 = tpu.vector_load %arg6[%get3A_410, %get3A_411, %get3A_412] {strides = array<i32>} : memref<5x128x128xf32, #tpu.memory_space<vmem>>, vector<1x1x16xf32>,
      %get3A_414 = vector.shape_cast %get3A_413 : vector<1x1x16xf32> to vector<16xf32>
      %max3A_415 = arith.constant 0.000000e+00 : f32
      %max3A_416 = vector.broadcast %max3A_415 : f32 to vector<16xf32>
      %max3A_417 = arith.maximumf %get3A_414, %max3A_416 : vector<16xf32>
      %mul3A_418 = arith.constant 11.3137083 : f32
      %mul3A_419 = vector.broadcast %mul3A_418 : f32 to vector<16xf32>
      %mul3A_420 = arith.mulf %max3A_417, %mul3A_419 : vector<16xf32>
      %swap3A_421 = arith.constant 2 : i32
      %swap3A_422 = arith.index_cast %swap3A_421 : i32 to index
      %swap3A_423 = arith.index_cast %scan3A_316 : i32 to index
      %swap3A_424 = arith.constant 80 : index
      %swap3A_425 = tpu.vector_load %arg6[%swap3A_422, %swap3A_423, %swap3A_424] {strides = array<i32>} : memref<5x128x128xf32, #tpu.memory_space<vmem>>, vector<1x1x16xf32>,
      %swap3A_426 = vector.shape_cast %swap3A_425 : vector<1x1x16xf32> to vector<16xf32>
      %swap3A_427 = vector.shape_cast %mul3A_420 : vector<16xf32> to vector<1x1x16xf32>
      tpu.vector_store %arg6[%swap3A_422, %swap3A_423, %swap3A_424], %swap3A_427 {strides = array<i32>} : memref<5x128x128xf32, #tpu.memory_space<vmem>>, vector<1x1x16xf32>,
      %get3A_428 = arith.constant 2 : i32
      %get3A_429 = arith.index_cast %get3A_428 : i32 to index
      %get3A_430 = arith.index_cast %scan3A_316 : i32 to index
      %get3A_431 = arith.constant 96 : index
      %get3A_432 = tpu.vector_load %arg6[%get3A_429, %get3A_430, %get3A_431] {strides = array<i32>} : memref<5x128x128xf32, #tpu.memory_space<vmem>>, vector<1x1x16xf32>,
      %get3A_433 = vector.shape_cast %get3A_432 : vector<1x1x16xf32> to vector<16xf32>
      %max3A_434 = arith.constant 0.000000e+00 : f32
      %max3A_435 = vector.broadcast %max3A_434 : f32 to vector<16xf32>
      %max3A_436 = arith.maximumf %get3A_433, %max3A_435 : vector<16xf32>
      %mul3A_437 = arith.constant 11.3137083 : f32
      %mul3A_438 = vector.broadcast %mul3A_437 : f32 to vector<16xf32>
      %mul3A_439 = arith.mulf %max3A_436, %mul3A_438 : vector<16xf32>
      %swap3A_440 = arith.constant 2 : i32
      %swap3A_441 = arith.index_cast %swap3A_440 : i32 to index
      %swap3A_442 = arith.index_cast %scan3A_316 : i32 to index
      %swap3A_443 = arith.constant 96 : index
      %swap3A_444 = tpu.vector_load %arg6[%swap3A_441, %swap3A_442, %swap3A_443] {strides = array<i32>} : memref<5x128x128xf32, #tpu.memory_space<vmem>>, vector<1x1x16xf32>,
      %swap3A_445 = vector.shape_cast %swap3A_444 : vector<1x1x16xf32> to vector<16xf32>
      %swap3A_446 = vector.shape_cast %mul3A_439 : vector<16xf32> to vector<1x1x16xf32>
      tpu.vector_store %arg6[%swap3A_441, %swap3A_442, %swap3A_443], %swap3A_446 {strides = array<i32>} : memref<5x128x128xf32, #tpu.memory_space<vmem>>, vector<1x1x16xf32>,
      %get3A_447 = arith.constant 2 : i32
      %get3A_448 = arith.index_cast %get3A_447 : i32 to index
      %get3A_449 = arith.index_cast %scan3A_316 : i32 to index
      %get3A_450 = arith.constant 112 : index
      %get3A_451 = tpu.vector_load %arg6[%get3A_448, %get3A_449, %get3A_450] {strides = array<i32>} : memref<5x128x128xf32, #tpu.memory_space<vmem>>, vector<1x1x16xf32>,
      %get3A_452 = vector.shape_cast %get3A_451 : vector<1x1x16xf32> to vector<16xf32>
      %max3A_453 = arith.constant 0.000000e+00 : f32
      %max3A_454 = vector.broadcast %max3A_453 : f32 to vector<16xf32>
      %max3A_455 = arith.maximumf %get3A_452, %max3A_454 : vector<16xf32>
      %mul3A_456 = arith.constant 11.3137083 : f32
      %mul3A_457 = vector.broadcast %mul3A_456 : f32 to vector<16xf32>
      %mul3A_458 = arith.mulf %max3A_455, %mul3A_457 : vector<16xf32>
      %swap3A_459 = arith.constant 2 : i32
      %swap3A_460 = arith.index_cast %swap3A_459 : i32 to index
      %swap3A_461 = arith.index_cast %scan3A_316 : i32 to index
      %swap3A_462 = arith.constant 112 : index
      %swap3A_463 = tpu.vector_load %arg6[%swap3A_460, %swap3A_461, %swap3A_462] {strides = array<i32>} : memref<5x128x128xf32, #tpu.memory_space<vmem>>, vector<1x1x16xf32>,
      %swap3A_464 = vector.shape_cast %swap3A_463 : vector<1x1x16xf32> to vector<16xf32>
      %swap3A_465 = vector.shape_cast %mul3A_458 : vector<16xf32> to vector<1x1x16xf32>
      tpu.vector_store %arg6[%swap3A_460, %swap3A_461, %swap3A_462], %swap3A_465 {strides = array<i32>} : memref<5x128x128xf32, #tpu.memory_space<vmem>>, vector<1x1x16xf32>,
    }
    %scan3A_147 = arith.constant 128 : i32
    %add3A_148 = arith.constant 2 : i32
    %add3A_149 = arith.addi %mul3A_2, %add3A_148 : i32
    %mul3A_150 = arith.constant 128 : i32
    %mul3A_151 = arith.muli %add3A_149, %mul3A_150 : i32
    %dma_start3A_152 = arith.constant 2 : i32
    %dma_start3A_153 = arith.constant 0 : i32
    %dma_start3A_154 = arith.constant 0 : i32
    %dma_start3A_155 = tpu.memref_slice %arg6[%dma_start3A_152, %dma_start3A_153, %dma_start3A_154] : memref<5x128x128xf32, #tpu.memory_space<vmem>> -> memref<1x128x128xf32, #tpu.memory_space<vmem>>
    %dma_start3A_156 = tpu.memref_squeeze %dma_start3A_155 : memref<1x128x128xf32, #tpu.memory_space<vmem>> -> memref<128x128xf32, #tpu.memory_space<vmem>>
    %dma_start3A_157 = arith.constant 0 : i32
    %dma_start3A_158 = tpu.memref_slice %arg4[%mul3A_151, %dma_start3A_157] : memref<819200x128xf32, #tpu.memory_space<hbm>> -> memref<128x128xf32, #tpu.memory_space<hbm>>
    %dma_start3A_159 = arith.constant 0 : i32
    %dma_start3A_160 = tpu.memref_slice %arg4[%mul3A_151, %dma_start3A_159] : memref<819200x128xf32, #tpu.memory_space<hbm>> -> memref<128x128xf32, #tpu.memory_space<hbm>>
    %dma_start3A_161 = arith.constant 0 : i32
    %dma_start3A_162 = arith.constant 0 : i32
    %dma_start3A_163 = tpu.memref_slice %arg6[%dma_start3A_152, %dma_start3A_161, %dma_start3A_162] : memref<5x128x128xf32, #tpu.memory_space<vmem>> -> memref<1x128x128xf32, #tpu.memory_space<vmem>>
    %dma_start3A_164 = tpu.memref_squeeze %dma_start3A_163 : memref<1x128x128xf32, #tpu.memory_space<vmem>> -> memref<128x128xf32, #tpu.memory_space<vmem>>
    tpu.enqueue_dma source(%dma_start3A_164 : memref<128x128xf32, #tpu.memory_space<vmem>>) target(%dma_start3A_160 : memref<128x128xf32, #tpu.memory_space<hbm>>) target_semaphore(%arg14 : memref<!tpu.dma_semaphore, #tpu.memory_space<semaphore_mem>>)
    %scan3A_165 = arith.constant 0 : i32
    %scan3A_166 = arith.constant 0 : i32
    %scan3A_167 = arith.constant 39 : i32
    %scan3A_168 = arith.addi %scan3A_166, %scan3A_167 : i32
    %scan3A_169 = arith.constant 1 : i32
    scf.for %scan3A_316 = %scan3A_166 to %scan3A_168 step %scan3A_169  : i32 {
      %mul3A_317 = arith.constant 5 : i32
      %mul3A_318 = arith.muli %scan3A_316, %mul3A_317 : i32
      %add3A_319 = arith.constant 5 : i32
      %add3A_320 = arith.addi %add3A_319, %mul3A_318 : i32
      %add3A_321 = arith.constant 0 : i32
      %add3A_322 = arith.addi %add3A_320, %add3A_321 : i32
      %dma_wait3A_323 = arith.constant 0 : i32
      %dma_wait3A_324 = arith.constant 0 : i32
      %dma_wait3A_325 = arith.constant 0 : i32
      %dma_wait3A_326 = tpu.memref_slice %arg6[%dma_wait3A_323, %dma_wait3A_324, %dma_wait3A_325] : memref<5x128x128xf32, #tpu.memory_space<vmem>> -> memref<1x128x128xf32, #tpu.memory_space<vmem>>
      %dma_wait3A_327 = tpu.memref_squeeze %dma_wait3A_326 : memref<1x128x128xf32, #tpu.memory_space<vmem>> -> memref<128x128xf32, #tpu.memory_space<vmem>>
      %dma_wait3A_328 = arith.constant 0 : i32
      %dma_wait3A_329 = arith.constant 0 : i32
      %dma_wait3A_330 = tpu.memref_slice %arg4[%dma_wait3A_328, %dma_wait3A_329] : memref<819200x128xf32, #tpu.memory_space<hbm>> -> memref<128x128xf32, #tpu.memory_space<hbm>>
      %dma_wait3A_331 = arith.constant 0 : i32
      %dma_wait3A_332 = arith.constant 0 : i32
      %dma_wait3A_333 = tpu.memref_slice %arg4[%dma_wait3A_331, %dma_wait3A_332] : memref<819200x128xf32, #tpu.memory_space<hbm>> -> memref<128x128xf32, #tpu.memory_space<hbm>>
      %dma_wait3A_334 = arith.constant 0 : i32
      %dma_wait3A_335 = arith.constant 0 : i32
      %dma_wait3A_336 = tpu.memref_slice %arg6[%dma_wait3A_323, %dma_wait3A_334, %dma_wait3A_335] : memref<5x128x128xf32, #tpu.memory_space<vmem>> -> memref<1x128x128xf32, #tpu.memory_space<vmem>>
      %dma_wait3A_337 = tpu.memref_squeeze %dma_wait3A_336 : memref<1x128x128xf32, #tpu.memory_space<vmem>> -> memref<128x128xf32, #tpu.memory_space<vmem>>
      tpu.wait_dma2 semaphore(%arg12 : memref<!tpu.dma_semaphore, #tpu.memory_space<semaphore_mem>>) src(%dma_wait3A_337 : memref<128x128xf32, #tpu.memory_space<vmem>>) dst(%dma_wait3A_333 : memref<128x128xf32, #tpu.memory_space<hbm>>)
      %dma_start3A_338 = arith.constant 0 : i32
      %dma_start3A_339 = arith.constant 0 : i32
      %dma_start3A_340 = arith.constant 0 : i32
      %dma_start3A_341 = tpu.memref_slice %arg6[%dma_start3A_338, %dma_start3A_339, %dma_start3A_340] : memref<5x128x128xf32, #tpu.memory_space<vmem>> -> memref<1x128x128xf32, #tpu.memory_space<vmem>>
      %dma_start3A_342 = tpu.memref_squeeze %dma_start3A_341 : memref<1x128x128xf32, #tpu.memory_space<vmem>> -> memref<128x128xf32, #tpu.memory_space<vmem>>
      %dma_start3A_343 = arith.constant 0 : i32
      %dma_start3A_344 = tpu.memref_slice %arg5[%add3A_322, %dma_start3A_343] : memref<200x128xi32, #tpu.memory_space<vmem>> -> memref<1x128xi32, #tpu.memory_space<vmem>>
      %dma_start3A_345 = tpu.memref_squeeze %dma_start3A_344 : memref<1x128xi32, #tpu.memory_space<vmem>> -> memref<128xi32, #tpu.memory_space<vmem>>
      %dma_start3A_346 = arith.constant 0 : i32
      %dma_start3A_347 = arith.constant 0 : i32
      %dma_start3A_348 = tpu.memref_slice %arg2[%dma_start3A_346, %dma_start3A_347] : memref<100000x128xf32, #tpu.memory_space<hbm>> -> memref<100000x128xf32, #tpu.memory_space<hbm>>
      tpu.enqueue_indirect_dma source(%dma_start3A_348 : memref<100000x128xf32, #tpu.memory_space<hbm>>) target(%dma_start3A_342 : memref<128x128xf32, #tpu.memory_space<vmem>>) offsets(%dma_start3A_345 : memref<128xi32, #tpu.memory_space<vmem>>) semaphore(%arg7 : memref<!tpu.dma_semaphore, #tpu.memory_space<semaphore_mem>>)
      %dma_wait3A_349 = arith.constant 0 : i32
      %dma_wait3A_350 = arith.constant 3 : i32
      %dma_wait3A_351 = arith.constant 0 : i32
      %dma_wait3A_352 = arith.constant 0 : i32
      %dma_wait3A_353 = tpu.memref_slice %arg6[%dma_wait3A_350, %dma_wait3A_351, %dma_wait3A_352] : memref<5x128x128xf32, #tpu.memory_space<vmem>> -> memref<1x128x128xf32, #tpu.memory_space<vmem>>
      %dma_wait3A_354 = tpu.memref_squeeze %dma_wait3A_353 : memref<1x128x128xf32, #tpu.memory_space<vmem>> -> memref<128x128xf32, #tpu.memory_space<vmem>>
      %dma_wait3A_355 = arith.constant 0 : i32
      %dma_wait3A_356 = tpu.memref_slice %arg5[%dma_wait3A_349, %dma_wait3A_355] : memref<200x128xi32, #tpu.memory_space<vmem>> -> memref<1x128xi32, #tpu.memory_space<vmem>>
      %dma_wait3A_357 = tpu.memref_squeeze %dma_wait3A_356 : memref<1x128xi32, #tpu.memory_space<vmem>> -> memref<128xi32, #tpu.memory_space<vmem>>
      %dma_wait3A_358 = arith.constant 0 : i32
      %dma_wait3A_359 = arith.constant 0 : i32
      %dma_wait3A_360 = tpu.memref_slice %arg2[%dma_wait3A_358, %dma_wait3A_359] : memref<100000x128xf32, #tpu.memory_space<hbm>> -> memref<100000x128xf32, #tpu.memory_space<hbm>>
      tpu.wait_indirect_dma semaphore(%arg10 : memref<!tpu.dma_semaphore, #tpu.memory_space<semaphore_mem>>) src(%dma_wait3A_360 : memref<100000x128xf32, #tpu.memory_space<hbm>>) dst(%dma_wait3A_354 : memref<128x128xf32, #tpu.memory_space<vmem>>)
      %scan3A_361 = arith.constant 0 : i32
      %scan3A_362 = arith.constant 0 : i32
      %scan3A_363 = arith.constant 128 : i32
      %scan3A_364 = arith.addi %scan3A_362, %scan3A_363 : i32
      %scan3A_365 = arith.constant 1 : i32
      scf.for %scan3A_656 = %scan3A_362 to %scan3A_364 step %scan3A_365  : i32 {
        %get3A = arith.constant 3 : i32
        %get3A_657 = arith.index_cast %get3A : i32 to index
        %get3A_658 = arith.index_cast %scan3A_656 : i32 to index
        %get3A_659 = arith.constant 0 : index
        %get3A_660 = tpu.vector_load %arg6[%get3A_657, %get3A_658, %get3A_659] {strides = array<i32>} : memref<5x128x128xf32, #tpu.memory_space<vmem>>, vector<1x1x16xf32>,
        %get3A_661 = vector.shape_cast %get3A_660 : vector<1x1x16xf32> to vector<16xf32>
        %max3A = arith.constant 0.000000e+00 : f32
        %max3A_662 = vector.broadcast %max3A : f32 to vector<16xf32>
        %max3A_663 = arith.maximumf %get3A_661, %max3A_662 : vector<16xf32>
        %mul3A_664 = arith.constant 11.3137083 : f32
        %mul3A_665 = vector.broadcast %mul3A_664 : f32 to vector<16xf32>
        %mul3A_666 = arith.mulf %max3A_663, %mul3A_665 : vector<16xf32>
        %swap3A = arith.constant 3 : i32
        %swap3A_667 = arith.index_cast %swap3A : i32 to index
        %swap3A_668 = arith.index_cast %scan3A_656 : i32 to index
        %swap3A_669 = arith.constant 0 : index
        %swap3A_670 = tpu.vector_load %arg6[%swap3A_667, %swap3A_668, %swap3A_669] {strides = array<i32>} : memref<5x128x128xf32, #tpu.memory_space<vmem>>, vector<1x1x16xf32>,
        %swap3A_671 = vector.shape_cast %swap3A_670 : vector<1x1x16xf32> to vector<16xf32>
        %swap3A_672 = vector.shape_cast %mul3A_666 : vector<16xf32> to vector<1x1x16xf32>
        tpu.vector_store %arg6[%swap3A_667, %swap3A_668, %swap3A_669], %swap3A_672 {strides = array<i32>} : memref<5x128x128xf32, #tpu.memory_space<vmem>>, vector<1x1x16xf32>,
        %get3A_673 = arith.constant 3 : i32
        %get3A_674 = arith.index_cast %get3A_673 : i32 to index
        %get3A_675 = arith.index_cast %scan3A_656 : i32 to index
        %get3A_676 = arith.constant 16 : index
        %get3A_677 = tpu.vector_load %arg6[%get3A_674, %get3A_675, %get3A_676] {strides = array<i32>} : memref<5x128x128xf32, #tpu.memory_space<vmem>>, vector<1x1x16xf32>,
        %get3A_678 = vector.shape_cast %get3A_677 : vector<1x1x16xf32> to vector<16xf32>
        %max3A_679 = arith.constant 0.000000e+00 : f32
        %max3A_680 = vector.broadcast %max3A_679 : f32 to vector<16xf32>
        %max3A_681 = arith.maximumf %get3A_678, %max3A_680 : vector<16xf32>
        %mul3A_682 = arith.constant 11.3137083 : f32
        %mul3A_683 = vector.broadcast %mul3A_682 : f32 to vector<16xf32>
        %mul3A_684 = arith.mulf %max3A_681, %mul3A_683 : vector<16xf32>
        %swap3A_685 = arith.constant 3 : i32
        %swap3A_686 = arith.index_cast %swap3A_685 : i32 to index
        %swap3A_687 = arith.index_cast %scan3A_656 : i32 to index
        %swap3A_688 = arith.constant 16 : index
        %swap3A_689 = tpu.vector_load %arg6[%swap3A_686, %swap3A_687, %swap3A_688] {strides = array<i32>} : memref<5x128x128xf32, #tpu.memory_space<vmem>>, vector<1x1x16xf32>,
        %swap3A_690 = vector.shape_cast %swap3A_689 : vector<1x1x16xf32> to vector<16xf32>
        %swap3A_691 = vector.shape_cast %mul3A_684 : vector<16xf32> to vector<1x1x16xf32>
        tpu.vector_store %arg6[%swap3A_686, %swap3A_687, %swap3A_688], %swap3A_691 {strides = array<i32>} : memref<5x128x128xf32, #tpu.memory_space<vmem>>, vector<1x1x16xf32>,
        %get3A_692 = arith.constant 3 : i32
        %get3A_693 = arith.index_cast %get3A_692 : i32 to index
        %get3A_694 = arith.index_cast %scan3A_656 : i32 to index
        %get3A_695 = arith.constant 32 : index
        %get3A_696 = tpu.vector_load %arg6[%get3A_693, %get3A_694, %get3A_695] {strides = array<i32>} : memref<5x128x128xf32, #tpu.memory_space<vmem>>, vector<1x1x16xf32>,
        %get3A_697 = vector.shape_cast %get3A_696 : vector<1x1x16xf32> to vector<16xf32>
        %max3A_698 = arith.constant 0.000000e+00 : f32
        %max3A_699 = vector.broadcast %max3A_698 : f32 to vector<16xf32>
        %max3A_700 = arith.maximumf %get3A_697, %max3A_699 : vector<16xf32>
        %mul3A_701 = arith.constant 11.3137083 : f32
        %mul3A_702 = vector.broadcast %mul3A_701 : f32 to vector<16xf32>
        %mul3A_703 = arith.mulf %max3A_700, %mul3A_702 : vector<16xf32>
        %swap3A_704 = arith.constant 3 : i32
        %swap3A_705 = arith.index_cast %swap3A_704 : i32 to index
        %swap3A_706 = arith.index_cast %scan3A_656 : i32 to index
        %swap3A_707 = arith.constant 32 : index
        %swap3A_708 = tpu.vector_load %arg6[%swap3A_705, %swap3A_706, %swap3A_707] {strides = array<i32>} : memref<5x128x128xf32, #tpu.memory_space<vmem>>, vector<1x1x16xf32>,
        %swap3A_709 = vector.shape_cast %swap3A_708 : vector<1x1x16xf32> to vector<16xf32>
        %swap3A_710 = vector.shape_cast %mul3A_703 : vector<16xf32> to vector<1x1x16xf32>
        tpu.vector_store %arg6[%swap3A_705, %swap3A_706, %swap3A_707], %swap3A_710 {strides = array<i32>} : memref<5x128x128xf32, #tpu.memory_space<vmem>>, vector<1x1x16xf32>,
        %get3A_711 = arith.constant 3 : i32
        %get3A_712 = arith.index_cast %get3A_711 : i32 to index
        %get3A_713 = arith.index_cast %scan3A_656 : i32 to index
        %get3A_714 = arith.constant 48 : index
        %get3A_715 = tpu.vector_load %arg6[%get3A_712, %get3A_713, %get3A_714] {strides = array<i32>} : memref<5x128x128xf32, #tpu.memory_space<vmem>>, vector<1x1x16xf32>,
        %get3A_716 = vector.shape_cast %get3A_715 : vector<1x1x16xf32> to vector<16xf32>
        %max3A_717 = arith.constant 0.000000e+00 : f32
        %max3A_718 = vector.broadcast %max3A_717 : f32 to vector<16xf32>
        %max3A_719 = arith.maximumf %get3A_716, %max3A_718 : vector<16xf32>
        %mul3A_720 = arith.constant 11.3137083 : f32
        %mul3A_721 = vector.broadcast %mul3A_720 : f32 to vector<16xf32>
        %mul3A_722 = arith.mulf %max3A_719, %mul3A_721 : vector<16xf32>
        %swap3A_723 = arith.constant 3 : i32
        %swap3A_724 = arith.index_cast %swap3A_723 : i32 to index
        %swap3A_725 = arith.index_cast %scan3A_656 : i32 to index
        %swap3A_726 = arith.constant 48 : index
        %swap3A_727 = tpu.vector_load %arg6[%swap3A_724, %swap3A_725, %swap3A_726] {strides = array<i32>} : memref<5x128x128xf32, #tpu.memory_space<vmem>>, vector<1x1x16xf32>,
        %swap3A_728 = vector.shape_cast %swap3A_727 : vector<1x1x16xf32> to vector<16xf32>
        %swap3A_729 = vector.shape_cast %mul3A_722 : vector<16xf32> to vector<1x1x16xf32>
        tpu.vector_store %arg6[%swap3A_724, %swap3A_725, %swap3A_726], %swap3A_729 {strides = array<i32>} : memref<5x128x128xf32, #tpu.memory_space<vmem>>, vector<1x1x16xf32>,
        %get3A_730 = arith.constant 3 : i32
        %get3A_731 = arith.index_cast %get3A_730 : i32 to index
        %get3A_732 = arith.index_cast %scan3A_656 : i32 to index
        %get3A_733 = arith.constant 64 : index
        %get3A_734 = tpu.vector_load %arg6[%get3A_731, %get3A_732, %get3A_733] {strides = array<i32>} : memref<5x128x128xf32, #tpu.memory_space<vmem>>, vector<1x1x16xf32>,
        %get3A_735 = vector.shape_cast %get3A_734 : vector<1x1x16xf32> to vector<16xf32>
        %max3A_736 = arith.constant 0.000000e+00 : f32
        %max3A_737 = vector.broadcast %max3A_736 : f32 to vector<16xf32>
        %max3A_738 = arith.maximumf %get3A_735, %max3A_737 : vector<16xf32>
        %mul3A_739 = arith.constant 11.3137083 : f32
        %mul3A_740 = vector.broadcast %mul3A_739 : f32 to vector<16xf32>
        %mul3A_741 = arith.mulf %max3A_738, %mul3A_740 : vector<16xf32>
        %swap3A_742 = arith.constant 3 : i32
        %swap3A_743 = arith.index_cast %swap3A_742 : i32 to index
        %swap3A_744 = arith.index_cast %scan3A_656 : i32 to index
        %swap3A_745 = arith.constant 64 : index
        %swap3A_746 = tpu.vector_load %arg6[%swap3A_743, %swap3A_744, %swap3A_745] {strides = array<i32>} : memref<5x128x128xf32, #tpu.memory_space<vmem>>, vector<1x1x16xf32>,
        %swap3A_747 = vector.shape_cast %swap3A_746 : vector<1x1x16xf32> to vector<16xf32>
        %swap3A_748 = vector.shape_cast %mul3A_741 : vector<16xf32> to vector<1x1x16xf32>
        tpu.vector_store %arg6[%swap3A_743, %swap3A_744, %swap3A_745], %swap3A_748 {strides = array<i32>} : memref<5x128x128xf32, #tpu.memory_space<vmem>>, vector<1x1x16xf32>,
        %get3A_749 = arith.constant 3 : i32
        %get3A_750 = arith.index_cast %get3A_749 : i32 to index
        %get3A_751 = arith.index_cast %scan3A_656 : i32 to index
        %get3A_752 = arith.constant 80 : index
        %get3A_753 = tpu.vector_load %arg6[%get3A_750, %get3A_751, %get3A_752] {strides = array<i32>} : memref<5x128x128xf32, #tpu.memory_space<vmem>>, vector<1x1x16xf32>,
        %get3A_754 = vector.shape_cast %get3A_753 : vector<1x1x16xf32> to vector<16xf32>
        %max3A_755 = arith.constant 0.000000e+00 : f32
        %max3A_756 = vector.broadcast %max3A_755 : f32 to vector<16xf32>
        %max3A_757 = arith.maximumf %get3A_754, %max3A_756 : vector<16xf32>
        %mul3A_758 = arith.constant 11.3137083 : f32
        %mul3A_759 = vector.broadcast %mul3A_758 : f32 to vector<16xf32>
        %mul3A_760 = arith.mulf %max3A_757, %mul3A_759 : vector<16xf32>
        %swap3A_761 = arith.constant 3 : i32
        %swap3A_762 = arith.index_cast %swap3A_761 : i32 to index
        %swap3A_763 = arith.index_cast %scan3A_656 : i32 to index
        %swap3A_764 = arith.constant 80 : index
        %swap3A_765 = tpu.vector_load %arg6[%swap3A_762, %swap3A_763, %swap3A_764] {strides = array<i32>} : memref<5x128x128xf32, #tpu.memory_space<vmem>>, vector<1x1x16xf32>,
        %swap3A_766 = vector.shape_cast %swap3A_765 : vector<1x1x16xf32> to vector<16xf32>
        %swap3A_767 = vector.shape_cast %mul3A_760 : vector<16xf32> to vector<1x1x16xf32>
        tpu.vector_store %arg6[%swap3A_762, %swap3A_763, %swap3A_764], %swap3A_767 {strides = array<i32>} : memref<5x128x128xf32, #tpu.memory_space<vmem>>, vector<1x1x16xf32>,
        %get3A_768 = arith.constant 3 : i32
        %get3A_769 = arith.index_cast %get3A_768 : i32 to index
        %get3A_770 = arith.index_cast %scan3A_656 : i32 to index
        %get3A_771 = arith.constant 96 : index
        %get3A_772 = tpu.vector_load %arg6[%get3A_769, %get3A_770, %get3A_771] {strides = array<i32>} : memref<5x128x128xf32, #tpu.memory_space<vmem>>, vector<1x1x16xf32>,
        %get3A_773 = vector.shape_cast %get3A_772 : vector<1x1x16xf32> to vector<16xf32>
        %max3A_774 = arith.constant 0.000000e+00 : f32
        %max3A_775 = vector.broadcast %max3A_774 : f32 to vector<16xf32>
        %max3A_776 = arith.maximumf %get3A_773, %max3A_775 : vector<16xf32>
        %mul3A_777 = arith.constant 11.3137083 : f32
        %mul3A_778 = vector.broadcast %mul3A_777 : f32 to vector<16xf32>
        %mul3A_779 = arith.mulf %max3A_776, %mul3A_778 : vector<16xf32>
        %swap3A_780 = arith.constant 3 : i32
        %swap3A_781 = arith.index_cast %swap3A_780 : i32 to index
        %swap3A_782 = arith.index_cast %scan3A_656 : i32 to index
        %swap3A_783 = arith.constant 96 : index
        %swap3A_784 = tpu.vector_load %arg6[%swap3A_781, %swap3A_782, %swap3A_783] {strides = array<i32>} : memref<5x128x128xf32, #tpu.memory_space<vmem>>, vector<1x1x16xf32>,
        %swap3A_785 = vector.shape_cast %swap3A_784 : vector<1x1x16xf32> to vector<16xf32>
        %swap3A_786 = vector.shape_cast %mul3A_779 : vector<16xf32> to vector<1x1x16xf32>
        tpu.vector_store %arg6[%swap3A_781, %swap3A_782, %swap3A_783], %swap3A_786 {strides = array<i32>} : memref<5x128x128xf32, #tpu.memory_space<vmem>>, vector<1x1x16xf32>,
        %get3A_787 = arith.constant 3 : i32
        %get3A_788 = arith.index_cast %get3A_787 : i32 to index
        %get3A_789 = arith.index_cast %scan3A_656 : i32 to index
        %get3A_790 = arith.constant 112 : index
        %get3A_791 = tpu.vector_load %arg6[%get3A_788, %get3A_789, %get3A_790] {strides = array<i32>} : memref<5x128x128xf32, #tpu.memory_space<vmem>>, vector<1x1x16xf32>,
        %get3A_792 = vector.shape_cast %get3A_791 : vector<1x1x16xf32> to vector<16xf32>
        %max3A_793 = arith.constant 0.000000e+00 : f32
        %max3A_794 = vector.broadcast %max3A_793 : f32 to vector<16xf32>
        %max3A_795 = arith.maximumf %get3A_792, %max3A_794 : vector<16xf32>
        %mul3A_796 = arith.constant 11.3137083 : f32
        %mul3A_797 = vector.broadcast %mul3A_796 : f32 to vector<16xf32>
        %mul3A_798 = arith.mulf %max3A_795, %mul3A_797 : vector<16xf32>
        %swap3A_799 = arith.constant 3 : i32
        %swap3A_800 = arith.index_cast %swap3A_799 : i32 to index
        %swap3A_801 = arith.index_cast %scan3A_656 : i32 to index
        %swap3A_802 = arith.constant 112 : index
        %swap3A_803 = tpu.vector_load %arg6[%swap3A_800, %swap3A_801, %swap3A_802] {strides = array<i32>} : memref<5x128x128xf32, #tpu.memory_space<vmem>>, vector<1x1x16xf32>,
        %swap3A_804 = vector.shape_cast %swap3A_803 : vector<1x1x16xf32> to vector<16xf32>
        %swap3A_805 = vector.shape_cast %mul3A_798 : vector<16xf32> to vector<1x1x16xf32>
        tpu.vector_store %arg6[%swap3A_800, %swap3A_801, %swap3A_802], %swap3A_805 {strides = array<i32>} : memref<5x128x128xf32, #tpu.memory_space<vmem>>, vector<1x1x16xf32>,
      }
      %scan3A_366 = arith.constant 128 : i32
      %sub3A = arith.constant 2 : i32
      %sub3A_367 = arith.subi %add3A_322, %sub3A : i32
      %add3A_368 = arith.addi %mul3A_2, %sub3A_367 : i32
      %mul3A_369 = arith.constant 128 : i32
      %mul3A_370 = arith.muli %add3A_368, %mul3A_369 : i32
      %dma_start3A_371 = arith.constant 3 : i32
      %dma_start3A_372 = arith.constant 0 : i32
      %dma_start3A_373 = arith.constant 0 : i32
      %dma_start3A_374 = tpu.memref_slice %arg6[%dma_start3A_371, %dma_start3A_372, %dma_start3A_373] : memref<5x128x128xf32, #tpu.memory_space<vmem>> -> memref<1x128x128xf32, #tpu.memory_space<vmem>>
      %dma_start3A_375 = tpu.memref_squeeze %dma_start3A_374 : memref<1x128x128xf32, #tpu.memory_space<vmem>> -> memref<128x128xf32, #tpu.memory_space<vmem>>
      %dma_start3A_376 = arith.constant 0 : i32
      %dma_start3A_377 = tpu.memref_slice %arg4[%mul3A_370, %dma_start3A_376] : memref<819200x128xf32, #tpu.memory_space<hbm>> -> memref<128x128xf32, #tpu.memory_space<hbm>>
      %dma_start3A_378 = arith.constant 0 : i32
      %dma_start3A_379 = tpu.memref_slice %arg4[%mul3A_370, %dma_start3A_378] : memref<819200x128xf32, #tpu.memory_space<hbm>> -> memref<128x128xf32, #tpu.memory_space<hbm>>
      %dma_start3A_380 = arith.constant 0 : i32
      %dma_start3A_381 = arith.constant 0 : i32
      %dma_start3A_382 = tpu.memref_slice %arg6[%dma_start3A_371, %dma_start3A_380, %dma_start3A_381] : memref<5x128x128xf32, #tpu.memory_space<vmem>> -> memref<1x128x128xf32, #tpu.memory_space<vmem>>
      %dma_start3A_383 = tpu.memref_squeeze %dma_start3A_382 : memref<1x128x128xf32, #tpu.memory_space<vmem>> -> memref<128x128xf32, #tpu.memory_space<vmem>>
      tpu.enqueue_dma source(%dma_start3A_383 : memref<128x128xf32, #tpu.memory_space<vmem>>) target(%dma_start3A_379 : memref<128x128xf32, #tpu.memory_space<hbm>>) target_semaphore(%arg15 : memref<!tpu.dma_semaphore, #tpu.memory_space<semaphore_mem>>)
      %mul3A_384 = arith.constant 5 : i32
      %mul3A_385 = arith.muli %scan3A_316, %mul3A_384 : i32
      %add3A_386 = arith.constant 5 : i32
      %add3A_387 = arith.addi %add3A_386, %mul3A_385 : i32
      %add3A_388 = arith.constant 1 : i32
      %add3A_389 = arith.addi %add3A_387, %add3A_388 : i32
      %dma_wait3A_390 = arith.constant 1 : i32
      %dma_wait3A_391 = arith.constant 0 : i32
      %dma_wait3A_392 = arith.constant 0 : i32
      %dma_wait3A_393 = tpu.memref_slice %arg6[%dma_wait3A_390, %dma_wait3A_391, %dma_wait3A_392] : memref<5x128x128xf32, #tpu.memory_space<vmem>> -> memref<1x128x128xf32, #tpu.memory_space<vmem>>
      %dma_wait3A_394 = tpu.memref_squeeze %dma_wait3A_393 : memref<1x128x128xf32, #tpu.memory_space<vmem>> -> memref<128x128xf32, #tpu.memory_space<vmem>>
      %dma_wait3A_395 = arith.constant 0 : i32
      %dma_wait3A_396 = arith.constant 0 : i32
      %dma_wait3A_397 = tpu.memref_slice %arg4[%dma_wait3A_395, %dma_wait3A_396] : memref<819200x128xf32, #tpu.memory_space<hbm>> -> memref<128x128xf32, #tpu.memory_space<hbm>>
      %dma_wait3A_398 = arith.constant 0 : i32
      %dma_wait3A_399 = arith.constant 0 : i32
      %dma_wait3A_400 = tpu.memref_slice %arg4[%dma_wait3A_398, %dma_wait3A_399] : memref<819200x128xf32, #tpu.memory_space<hbm>> -> memref<128x128xf32, #tpu.memory_space<hbm>>
      %dma_wait3A_401 = arith.constant 0 : i32
      %dma_wait3A_402 = arith.constant 0 : i32
      %dma_wait3A_403 = tpu.memref_slice %arg6[%dma_wait3A_390, %dma_wait3A_401, %dma_wait3A_402] : memref<5x128x128xf32, #tpu.memory_space<vmem>> -> memref<1x128x128xf32, #tpu.memory_space<vmem>>
      %dma_wait3A_404 = tpu.memref_squeeze %dma_wait3A_403 : memref<1x128x128xf32, #tpu.memory_space<vmem>> -> memref<128x128xf32, #tpu.memory_space<vmem>>
      tpu.wait_dma2 semaphore(%arg13 : memref<!tpu.dma_semaphore, #tpu.memory_space<semaphore_mem>>) src(%dma_wait3A_404 : memref<128x128xf32, #tpu.memory_space<vmem>>) dst(%dma_wait3A_400 : memref<128x128xf32, #tpu.memory_space<hbm>>)
      %dma_start3A_405 = arith.constant 1 : i32
      %dma_start3A_406 = arith.constant 0 : i32
      %dma_start3A_407 = arith.constant 0 : i32
      %dma_start3A_408 = tpu.memref_slice %arg6[%dma_start3A_405, %dma_start3A_406, %dma_start3A_407] : memref<5x128x128xf32, #tpu.memory_space<vmem>> -> memref<1x128x128xf32, #tpu.memory_space<vmem>>
      %dma_start3A_409 = tpu.memref_squeeze %dma_start3A_408 : memref<1x128x128xf32, #tpu.memory_space<vmem>> -> memref<128x128xf32, #tpu.memory_space<vmem>>
      %dma_start3A_410 = arith.constant 0 : i32
      %dma_start3A_411 = tpu.memref_slice %arg5[%add3A_389, %dma_start3A_410] : memref<200x128xi32, #tpu.memory_space<vmem>> -> memref<1x128xi32, #tpu.memory_space<vmem>>
      %dma_start3A_412 = tpu.memref_squeeze %dma_start3A_411 : memref<1x128xi32, #tpu.memory_space<vmem>> -> memref<128xi32, #tpu.memory_space<vmem>>
      %dma_start3A_413 = arith.constant 0 : i32
      %dma_start3A_414 = arith.constant 0 : i32
      %dma_start3A_415 = tpu.memref_slice %arg2[%dma_start3A_413, %dma_start3A_414] : memref<100000x128xf32, #tpu.memory_space<hbm>> -> memref<100000x128xf32, #tpu.memory_space<hbm>>
      tpu.enqueue_indirect_dma source(%dma_start3A_415 : memref<100000x128xf32, #tpu.memory_space<hbm>>) target(%dma_start3A_409 : memref<128x128xf32, #tpu.memory_space<vmem>>) offsets(%dma_start3A_412 : memref<128xi32, #tpu.memory_space<vmem>>) semaphore(%arg8 : memref<!tpu.dma_semaphore, #tpu.memory_space<semaphore_mem>>)
      %dma_wait3A_416 = arith.constant 0 : i32
      %dma_wait3A_417 = arith.constant 4 : i32
      %dma_wait3A_418 = arith.constant 0 : i32
      %dma_wait3A_419 = arith.constant 0 : i32
      %dma_wait3A_420 = tpu.memref_slice %arg6[%dma_wait3A_417, %dma_wait3A_418, %dma_wait3A_419] : memref<5x128x128xf32, #tpu.memory_space<vmem>> -> memref<1x128x128xf32, #tpu.memory_space<vmem>>
      %dma_wait3A_421 = tpu.memref_squeeze %dma_wait3A_420 : memref<1x128x128xf32, #tpu.memory_space<vmem>> -> memref<128x128xf32, #tpu.memory_space<vmem>>
      %dma_wait3A_422 = arith.constant 0 : i32
      %dma_wait3A_423 = tpu.memref_slice %arg5[%dma_wait3A_416, %dma_wait3A_422] : memref<200x128xi32, #tpu.memory_space<vmem>> -> memref<1x128xi32, #tpu.memory_space<vmem>>
      %dma_wait3A_424 = tpu.memref_squeeze %dma_wait3A_423 : memref<1x128xi32, #tpu.memory_space<vmem>> -> memref<128xi32, #tpu.memory_space<vmem>>
      %dma_wait3A_425 = arith.constant 0 : i32
      %dma_wait3A_426 = arith.constant 0 : i32
      %dma_wait3A_427 = tpu.memref_slice %arg2[%dma_wait3A_425, %dma_wait3A_426] : memref<100000x128xf32, #tpu.memory_space<hbm>> -> memref<100000x128xf32, #tpu.memory_space<hbm>>
      tpu.wait_indirect_dma semaphore(%arg11 : memref<!tpu.dma_semaphore, #tpu.memory_space<semaphore_mem>>) src(%dma_wait3A_427 : memref<100000x128xf32, #tpu.memory_space<hbm>>) dst(%dma_wait3A_421 : memref<128x128xf32, #tpu.memory_space<vmem>>)
      %scan3A_428 = arith.constant 0 : i32
      %scan3A_429 = arith.constant 0 : i32
      %scan3A_430 = arith.constant 128 : i32
      %scan3A_431 = arith.addi %scan3A_429, %scan3A_430 : i32
      %scan3A_432 = arith.constant 1 : i32
      scf.for %scan3A_656 = %scan3A_429 to %scan3A_431 step %scan3A_432  : i32 {
        %get3A = arith.constant 4 : i32
        %get3A_657 = arith.index_cast %get3A : i32 to index
        %get3A_658 = arith.index_cast %scan3A_656 : i32 to index
        %get3A_659 = arith.constant 0 : index
        %get3A_660 = tpu.vector_load %arg6[%get3A_657, %get3A_658, %get3A_659] {strides = array<i32>} : memref<5x128x128xf32, #tpu.memory_space<vmem>>, vector<1x1x16xf32>,
        %get3A_661 = vector.shape_cast %get3A_660 : vector<1x1x16xf32> to vector<16xf32>
        %max3A = arith.constant 0.000000e+00 : f32
        %max3A_662 = vector.broadcast %max3A : f32 to vector<16xf32>
        %max3A_663 = arith.maximumf %get3A_661, %max3A_662 : vector<16xf32>
        %mul3A_664 = arith.constant 11.3137083 : f32
        %mul3A_665 = vector.broadcast %mul3A_664 : f32 to vector<16xf32>
        %mul3A_666 = arith.mulf %max3A_663, %mul3A_665 : vector<16xf32>
        %swap3A = arith.constant 4 : i32
        %swap3A_667 = arith.index_cast %swap3A : i32 to index
        %swap3A_668 = arith.index_cast %scan3A_656 : i32 to index
        %swap3A_669 = arith.constant 0 : index
        %swap3A_670 = tpu.vector_load %arg6[%swap3A_667, %swap3A_668, %swap3A_669] {strides = array<i32>} : memref<5x128x128xf32, #tpu.memory_space<vmem>>, vector<1x1x16xf32>,
        %swap3A_671 = vector.shape_cast %swap3A_670 : vector<1x1x16xf32> to vector<16xf32>
        %swap3A_672 = vector.shape_cast %mul3A_666 : vector<16xf32> to vector<1x1x16xf32>
        tpu.vector_store %arg6[%swap3A_667, %swap3A_668, %swap3A_669], %swap3A_672 {strides = array<i32>} : memref<5x128x128xf32, #tpu.memory_space<vmem>>, vector<1x1x16xf32>,
        %get3A_673 = arith.constant 4 : i32
        %get3A_674 = arith.index_cast %get3A_673 : i32 to index
        %get3A_675 = arith.index_cast %scan3A_656 : i32 to index
        %get3A_676 = arith.constant 16 : index
        %get3A_677 = tpu.vector_load %arg6[%get3A_674, %get3A_675, %get3A_676] {strides = array<i32>} : memref<5x128x128xf32, #tpu.memory_space<vmem>>, vector<1x1x16xf32>,
        %get3A_678 = vector.shape_cast %get3A_677 : vector<1x1x16xf32> to vector<16xf32>
        %max3A_679 = arith.constant 0.000000e+00 : f32
        %max3A_680 = vector.broadcast %max3A_679 : f32 to vector<16xf32>
        %max3A_681 = arith.maximumf %get3A_678, %max3A_680 : vector<16xf32>
        %mul3A_682 = arith.constant 11.3137083 : f32
        %mul3A_683 = vector.broadcast %mul3A_682 : f32 to vector<16xf32>
        %mul3A_684 = arith.mulf %max3A_681, %mul3A_683 : vector<16xf32>
        %swap3A_685 = arith.constant 4 : i32
        %swap3A_686 = arith.index_cast %swap3A_685 : i32 to index
        %swap3A_687 = arith.index_cast %scan3A_656 : i32 to index
        %swap3A_688 = arith.constant 16 : index
        %swap3A_689 = tpu.vector_load %arg6[%swap3A_686, %swap3A_687, %swap3A_688] {strides = array<i32>} : memref<5x128x128xf32, #tpu.memory_space<vmem>>, vector<1x1x16xf32>,
        %swap3A_690 = vector.shape_cast %swap3A_689 : vector<1x1x16xf32> to vector<16xf32>
        %swap3A_691 = vector.shape_cast %mul3A_684 : vector<16xf32> to vector<1x1x16xf32>
        tpu.vector_store %arg6[%swap3A_686, %swap3A_687, %swap3A_688], %swap3A_691 {strides = array<i32>} : memref<5x128x128xf32, #tpu.memory_space<vmem>>, vector<1x1x16xf32>,
        %get3A_692 = arith.constant 4 : i32
        %get3A_693 = arith.index_cast %get3A_692 : i32 to index
        %get3A_694 = arith.index_cast %scan3A_656 : i32 to index
        %get3A_695 = arith.constant 32 : index
        %get3A_696 = tpu.vector_load %arg6[%get3A_693, %get3A_694, %get3A_695] {strides = array<i32>} : memref<5x128x128xf32, #tpu.memory_space<vmem>>, vector<1x1x16xf32>,
        %get3A_697 = vector.shape_cast %get3A_696 : vector<1x1x16xf32> to vector<16xf32>
        %max3A_698 = arith.constant 0.000000e+00 : f32
        %max3A_699 = vector.broadcast %max3A_698 : f32 to vector<16xf32>
        %max3A_700 = arith.maximumf %get3A_697, %max3A_699 : vector<16xf32>
        %mul3A_701 = arith.constant 11.3137083 : f32
        %mul3A_702 = vector.broadcast %mul3A_701 : f32 to vector<16xf32>
        %mul3A_703 = arith.mulf %max3A_700, %mul3A_702 : vector<16xf32>
        %swap3A_704 = arith.constant 4 : i32
        %swap3A_705 = arith.index_cast %swap3A_704 : i32 to index
        %swap3A_706 = arith.index_cast %scan3A_656 : i32 to index
        %swap3A_707 = arith.constant 32 : index
        %swap3A_708 = tpu.vector_load %arg6[%swap3A_705, %swap3A_706, %swap3A_707] {strides = array<i32>} : memref<5x128x128xf32, #tpu.memory_space<vmem>>, vector<1x1x16xf32>,
        %swap3A_709 = vector.shape_cast %swap3A_708 : vector<1x1x16xf32> to vector<16xf32>
        %swap3A_710 = vector.shape_cast %mul3A_703 : vector<16xf32> to vector<1x1x16xf32>
        tpu.vector_store %arg6[%swap3A_705, %swap3A_706, %swap3A_707], %swap3A_710 {strides = array<i32>} : memref<5x128x128xf32, #tpu.memory_space<vmem>>, vector<1x1x16xf32>,
        %get3A_711 = arith.constant 4 : i32
        %get3A_712 = arith.index_cast %get3A_711 : i32 to index
        %get3A_713 = arith.index_cast %scan3A_656 : i32 to index
        %get3A_714 = arith.constant 48 : index
        %get3A_715 = tpu.vector_load %arg6[%get3A_712, %get3A_713, %get3A_714] {strides = array<i32>} : memref<5x128x128xf32, #tpu.memory_space<vmem>>, vector<1x1x16xf32>,
        %get3A_716 = vector.shape_cast %get3A_715 : vector<1x1x16xf32> to vector<16xf32>
        %max3A_717 = arith.constant 0.000000e+00 : f32
        %max3A_718 = vector.broadcast %max3A_717 : f32 to vector<16xf32>
        %max3A_719 = arith.maximumf %get3A_716, %max3A_718 : vector<16xf32>
        %mul3A_720 = arith.constant 11.3137083 : f32
        %mul3A_721 = vector.broadcast %mul3A_720 : f32 to vector<16xf32>
        %mul3A_722 = arith.mulf %max3A_719, %mul3A_721 : vector<16xf32>
        %swap3A_723 = arith.constant 4 : i32
        %swap3A_724 = arith.index_cast %swap3A_723 : i32 to index
        %swap3A_725 = arith.index_cast %scan3A_656 : i32 to index
        %swap3A_726 = arith.constant 48 : index
        %swap3A_727 = tpu.vector_load %arg6[%swap3A_724, %swap3A_725, %swap3A_726] {strides = array<i32>} : memref<5x128x128xf32, #tpu.memory_space<vmem>>, vector<1x1x16xf32>,
        %swap3A_728 = vector.shape_cast %swap3A_727 : vector<1x1x16xf32> to vector<16xf32>
        %swap3A_729 = vector.shape_cast %mul3A_722 : vector<16xf32> to vector<1x1x16xf32>
        tpu.vector_store %arg6[%swap3A_724, %swap3A_725, %swap3A_726], %swap3A_729 {strides = array<i32>} : memref<5x128x128xf32, #tpu.memory_space<vmem>>, vector<1x1x16xf32>,
        %get3A_730 = arith.constant 4 : i32
        %get3A_731 = arith.index_cast %get3A_730 : i32 to index
        %get3A_732 = arith.index_cast %scan3A_656 : i32 to index
        %get3A_733 = arith.constant 64 : index
        %get3A_734 = tpu.vector_load %arg6[%get3A_731, %get3A_732, %get3A_733] {strides = array<i32>} : memref<5x128x128xf32, #tpu.memory_space<vmem>>, vector<1x1x16xf32>,
        %get3A_735 = vector.shape_cast %get3A_734 : vector<1x1x16xf32> to vector<16xf32>
        %max3A_736 = arith.constant 0.000000e+00 : f32
        %max3A_737 = vector.broadcast %max3A_736 : f32 to vector<16xf32>
        %max3A_738 = arith.maximumf %get3A_735, %max3A_737 : vector<16xf32>
        %mul3A_739 = arith.constant 11.3137083 : f32
        %mul3A_740 = vector.broadcast %mul3A_739 : f32 to vector<16xf32>
        %mul3A_741 = arith.mulf %max3A_738, %mul3A_740 : vector<16xf32>
        %swap3A_742 = arith.constant 4 : i32
        %swap3A_743 = arith.index_cast %swap3A_742 : i32 to index
        %swap3A_744 = arith.index_cast %scan3A_656 : i32 to index
        %swap3A_745 = arith.constant 64 : index
        %swap3A_746 = tpu.vector_load %arg6[%swap3A_743, %swap3A_744, %swap3A_745] {strides = array<i32>} : memref<5x128x128xf32, #tpu.memory_space<vmem>>, vector<1x1x16xf32>,
        %swap3A_747 = vector.shape_cast %swap3A_746 : vector<1x1x16xf32> to vector<16xf32>
        %swap3A_748 = vector.shape_cast %mul3A_741 : vector<16xf32> to vector<1x1x16xf32>
        tpu.vector_store %arg6[%swap3A_743, %swap3A_744, %swap3A_745], %swap3A_748 {strides = array<i32>} : memref<5x128x128xf32, #tpu.memory_space<vmem>>, vector<1x1x16xf32>,
        %get3A_749 = arith.constant 4 : i32
        %get3A_750 = arith.index_cast %get3A_749 : i32 to index
        %get3A_751 = arith.index_cast %scan3A_656 : i32 to index
        %get3A_752 = arith.constant 80 : index
        %get3A_753 = tpu.vector_load %arg6[%get3A_750, %get3A_751, %get3A_752] {strides = array<i32>} : memref<5x128x128xf32, #tpu.memory_space<vmem>>, vector<1x1x16xf32>,
        %get3A_754 = vector.shape_cast %get3A_753 : vector<1x1x16xf32> to vector<16xf32>
        %max3A_755 = arith.constant 0.000000e+00 : f32
        %max3A_756 = vector.broadcast %max3A_755 : f32 to vector<16xf32>
        %max3A_757 = arith.maximumf %get3A_754, %max3A_756 : vector<16xf32>
        %mul3A_758 = arith.constant 11.3137083 : f32
        %mul3A_759 = vector.broadcast %mul3A_758 : f32 to vector<16xf32>
        %mul3A_760 = arith.mulf %max3A_757, %mul3A_759 : vector<16xf32>
        %swap3A_761 = arith.constant 4 : i32
        %swap3A_762 = arith.index_cast %swap3A_761 : i32 to index
        %swap3A_763 = arith.index_cast %scan3A_656 : i32 to index
        %swap3A_764 = arith.constant 80 : index
        %swap3A_765 = tpu.vector_load %arg6[%swap3A_762, %swap3A_763, %swap3A_764] {strides = array<i32>} : memref<5x128x128xf32, #tpu.memory_space<vmem>>, vector<1x1x16xf32>,
        %swap3A_766 = vector.shape_cast %swap3A_765 : vector<1x1x16xf32> to vector<16xf32>
        %swap3A_767 = vector.shape_cast %mul3A_760 : vector<16xf32> to vector<1x1x16xf32>
        tpu.vector_store %arg6[%swap3A_762, %swap3A_763, %swap3A_764], %swap3A_767 {strides = array<i32>} : memref<5x128x128xf32, #tpu.memory_space<vmem>>, vector<1x1x16xf32>,
        %get3A_768 = arith.constant 4 : i32
        %get3A_769 = arith.index_cast %get3A_768 : i32 to index
        %get3A_770 = arith.index_cast %scan3A_656 : i32 to index
        %get3A_771 = arith.constant 96 : index
        %get3A_772 = tpu.vector_load %arg6[%get3A_769, %get3A_770, %get3A_771] {strides = array<i32>} : memref<5x128x128xf32, #tpu.memory_space<vmem>>, vector<1x1x16xf32>,
        %get3A_773 = vector.shape_cast %get3A_772 : vector<1x1x16xf32> to vector<16xf32>
        %max3A_774 = arith.constant 0.000000e+00 : f32
        %max3A_775 = vector.broadcast %max3A_774 : f32 to vector<16xf32>
        %max3A_776 = arith.maximumf %get3A_773, %max3A_775 : vector<16xf32>
        %mul3A_777 = arith.constant 11.3137083 : f32
        %mul3A_778 = vector.broadcast %mul3A_777 : f32 to vector<16xf32>
        %mul3A_779 = arith.mulf %max3A_776, %mul3A_778 : vector<16xf32>
        %swap3A_780 = arith.constant 4 : i32
        %swap3A_781 = arith.index_cast %swap3A_780 : i32 to index
        %swap3A_782 = arith.index_cast %scan3A_656 : i32 to index
        %swap3A_783 = arith.constant 96 : index
        %swap3A_784 = tpu.vector_load %arg6[%swap3A_781, %swap3A_782, %swap3A_783] {strides = array<i32>} : memref<5x128x128xf32, #tpu.memory_space<vmem>>, vector<1x1x16xf32>,
        %swap3A_785 = vector.shape_cast %swap3A_784 : vector<1x1x16xf32> to vector<16xf32>
        %swap3A_786 = vector.shape_cast %mul3A_779 : vector<16xf32> to vector<1x1x16xf32>
        tpu.vector_store %arg6[%swap3A_781, %swap3A_782, %swap3A_783], %swap3A_786 {strides = array<i32>} : memref<5x128x128xf32, #tpu.memory_space<vmem>>, vector<1x1x16xf32>,
        %get3A_787 = arith.constant 4 : i32
        %get3A_788 = arith.index_cast %get3A_787 : i32 to index
        %get3A_789 = arith.index_cast %scan3A_656 : i32 to index
        %get3A_790 = arith.constant 112 : index
        %get3A_791 = tpu.vector_load %arg6[%get3A_788, %get3A_789, %get3A_790] {strides = array<i32>} : memref<5x128x128xf32, #tpu.memory_space<vmem>>, vector<1x1x16xf32>,
        %get3A_792 = vector.shape_cast %get3A_791 : vector<1x1x16xf32> to vector<16xf32>
        %max3A_793 = arith.constant 0.000000e+00 : f32
        %max3A_794 = vector.broadcast %max3A_793 : f32 to vector<16xf32>
        %max3A_795 = arith.maximumf %get3A_792, %max3A_794 : vector<16xf32>
        %mul3A_796 = arith.constant 11.3137083 : f32
        %mul3A_797 = vector.broadcast %mul3A_796 : f32 to vector<16xf32>
        %mul3A_798 = arith.mulf %max3A_795, %mul3A_797 : vector<16xf32>
        %swap3A_799 = arith.constant 4 : i32
        %swap3A_800 = arith.index_cast %swap3A_799 : i32 to index
        %swap3A_801 = arith.index_cast %scan3A_656 : i32 to index
        %swap3A_802 = arith.constant 112 : index
        %swap3A_803 = tpu.vector_load %arg6[%swap3A_800, %swap3A_801, %swap3A_802] {strides = array<i32>} : memref<5x128x128xf32, #tpu.memory_space<vmem>>, vector<1x1x16xf32>,
        %swap3A_804 = vector.shape_cast %swap3A_803 : vector<1x1x16xf32> to vector<16xf32>
        %swap3A_805 = vector.shape_cast %mul3A_798 : vector<16xf32> to vector<1x1x16xf32>
        tpu.vector_store %arg6[%swap3A_800, %swap3A_801, %swap3A_802], %swap3A_805 {strides = array<i32>} : memref<5x128x128xf32, #tpu.memory_space<vmem>>, vector<1x1x16xf32>,
      }
      %scan3A_433 = arith.constant 128 : i32
      %sub3A_434 = arith.constant 2 : i32
      %sub3A_435 = arith.subi %add3A_389, %sub3A_434 : i32
      %add3A_436 = arith.addi %mul3A_2, %sub3A_435 : i32
      %mul3A_437 = arith.constant 128 : i32
      %mul3A_438 = arith.muli %add3A_436, %mul3A_437 : i32
      %dma_start3A_439 = arith.constant 4 : i32
      %dma_start3A_440 = arith.constant 0 : i32
      %dma_start3A_441 = arith.constant 0 : i32
      %dma_start3A_442 = tpu.memref_slice %arg6[%dma_start3A_439, %dma_start3A_440, %dma_start3A_441] : memref<5x128x128xf32, #tpu.memory_space<vmem>> -> memref<1x128x128xf32, #tpu.memory_space<vmem>>
      %dma_start3A_443 = tpu.memref_squeeze %dma_start3A_442 : memref<1x128x128xf32, #tpu.memory_space<vmem>> -> memref<128x128xf32, #tpu.memory_space<vmem>>
      %dma_start3A_444 = arith.constant 0 : i32
      %dma_start3A_445 = tpu.memref_slice %arg4[%mul3A_438, %dma_start3A_444] : memref<819200x128xf32, #tpu.memory_space<hbm>> -> memref<128x128xf32, #tpu.memory_space<hbm>>
      %dma_start3A_446 = arith.constant 0 : i32
      %dma_start3A_447 = tpu.memref_slice %arg4[%mul3A_438, %dma_start3A_446] : memref<819200x128xf32, #tpu.memory_space<hbm>> -> memref<128x128xf32, #tpu.memory_space<hbm>>
      %dma_start3A_448 = arith.constant 0 : i32
      %dma_start3A_449 = arith.constant 0 : i32
      %dma_start3A_450 = tpu.memref_slice %arg6[%dma_start3A_439, %dma_start3A_448, %dma_start3A_449] : memref<5x128x128xf32, #tpu.memory_space<vmem>> -> memref<1x128x128xf32, #tpu.memory_space<vmem>>
      %dma_start3A_451 = tpu.memref_squeeze %dma_start3A_450 : memref<1x128x128xf32, #tpu.memory_space<vmem>> -> memref<128x128xf32, #tpu.memory_space<vmem>>
      tpu.enqueue_dma source(%dma_start3A_451 : memref<128x128xf32, #tpu.memory_space<vmem>>) target(%dma_start3A_447 : memref<128x128xf32, #tpu.memory_space<hbm>>) target_semaphore(%arg16 : memref<!tpu.dma_semaphore, #tpu.memory_space<semaphore_mem>>)
      %mul3A_452 = arith.constant 5 : i32
      %mul3A_453 = arith.muli %scan3A_316, %mul3A_452 : i32
      %add3A_454 = arith.constant 5 : i32
      %add3A_455 = arith.addi %add3A_454, %mul3A_453 : i32
      %add3A_456 = arith.constant 2 : i32
      %add3A_457 = arith.addi %add3A_455, %add3A_456 : i32
      %dma_wait3A_458 = arith.constant 2 : i32
      %dma_wait3A_459 = arith.constant 0 : i32
      %dma_wait3A_460 = arith.constant 0 : i32
      %dma_wait3A_461 = tpu.memref_slice %arg6[%dma_wait3A_458, %dma_wait3A_459, %dma_wait3A_460] : memref<5x128x128xf32, #tpu.memory_space<vmem>> -> memref<1x128x128xf32, #tpu.memory_space<vmem>>
      %dma_wait3A_462 = tpu.memref_squeeze %dma_wait3A_461 : memref<1x128x128xf32, #tpu.memory_space<vmem>> -> memref<128x128xf32, #tpu.memory_space<vmem>>
      %dma_wait3A_463 = arith.constant 0 : i32
      %dma_wait3A_464 = arith.constant 0 : i32
      %dma_wait3A_465 = tpu.memref_slice %arg4[%dma_wait3A_463, %dma_wait3A_464] : memref<819200x128xf32, #tpu.memory_space<hbm>> -> memref<128x128xf32, #tpu.memory_space<hbm>>
      %dma_wait3A_466 = arith.constant 0 : i32
      %dma_wait3A_467 = arith.constant 0 : i32
      %dma_wait3A_468 = tpu.memref_slice %arg4[%dma_wait3A_466, %dma_wait3A_467] : memref<819200x128xf32, #tpu.memory_space<hbm>> -> memref<128x128xf32, #tpu.memory_space<hbm>>
      %dma_wait3A_469 = arith.constant 0 : i32
      %dma_wait3A_470 = arith.constant 0 : i32
      %dma_wait3A_471 = tpu.memref_slice %arg6[%dma_wait3A_458, %dma_wait3A_469, %dma_wait3A_470] : memref<5x128x128xf32, #tpu.memory_space<vmem>> -> memref<1x128x128xf32, #tpu.memory_space<vmem>>
      %dma_wait3A_472 = tpu.memref_squeeze %dma_wait3A_471 : memref<1x128x128xf32, #tpu.memory_space<vmem>> -> memref<128x128xf32, #tpu.memory_space<vmem>>
      tpu.wait_dma2 semaphore(%arg14 : memref<!tpu.dma_semaphore, #tpu.memory_space<semaphore_mem>>) src(%dma_wait3A_472 : memref<128x128xf32, #tpu.memory_space<vmem>>) dst(%dma_wait3A_468 : memref<128x128xf32, #tpu.memory_space<hbm>>)
      %dma_start3A_473 = arith.constant 2 : i32
      %dma_start3A_474 = arith.constant 0 : i32
      %dma_start3A_475 = arith.constant 0 : i32
      %dma_start3A_476 = tpu.memref_slice %arg6[%dma_start3A_473, %dma_start3A_474, %dma_start3A_475] : memref<5x128x128xf32, #tpu.memory_space<vmem>> -> memref<1x128x128xf32, #tpu.memory_space<vmem>>
      %dma_start3A_477 = tpu.memref_squeeze %dma_start3A_476 : memref<1x128x128xf32, #tpu.memory_space<vmem>> -> memref<128x128xf32, #tpu.memory_space<vmem>>
      %dma_start3A_478 = arith.constant 0 : i32
      %dma_start3A_479 = tpu.memref_slice %arg5[%add3A_457, %dma_start3A_478] : memref<200x128xi32, #tpu.memory_space<vmem>> -> memref<1x128xi32, #tpu.memory_space<vmem>>
      %dma_start3A_480 = tpu.memref_squeeze %dma_start3A_479 : memref<1x128xi32, #tpu.memory_space<vmem>> -> memref<128xi32, #tpu.memory_space<vmem>>
      %dma_start3A_481 = arith.constant 0 : i32
      %dma_start3A_482 = arith.constant 0 : i32
      %dma_start3A_483 = tpu.memref_slice %arg2[%dma_start3A_481, %dma_start3A_482] : memref<100000x128xf32, #tpu.memory_space<hbm>> -> memref<100000x128xf32, #tpu.memory_space<hbm>>
      tpu.enqueue_indirect_dma source(%dma_start3A_483 : memref<100000x128xf32, #tpu.memory_space<hbm>>) target(%dma_start3A_477 : memref<128x128xf32, #tpu.memory_space<vmem>>) offsets(%dma_start3A_480 : memref<128xi32, #tpu.memory_space<vmem>>) semaphore(%arg9 : memref<!tpu.dma_semaphore, #tpu.memory_space<semaphore_mem>>)
      %dma_wait3A_484 = arith.constant 0 : i32
      %dma_wait3A_485 = arith.constant 0 : i32
      %dma_wait3A_486 = arith.constant 0 : i32
      %dma_wait3A_487 = arith.constant 0 : i32
      %dma_wait3A_488 = tpu.memref_slice %arg6[%dma_wait3A_485, %dma_wait3A_486, %dma_wait3A_487] : memref<5x128x128xf32, #tpu.memory_space<vmem>> -> memref<1x128x128xf32, #tpu.memory_space<vmem>>
      %dma_wait3A_489 = tpu.memref_squeeze %dma_wait3A_488 : memref<1x128x128xf32, #tpu.memory_space<vmem>> -> memref<128x128xf32, #tpu.memory_space<vmem>>
      %dma_wait3A_490 = arith.constant 0 : i32
      %dma_wait3A_491 = tpu.memref_slice %arg5[%dma_wait3A_484, %dma_wait3A_490] : memref<200x128xi32, #tpu.memory_space<vmem>> -> memref<1x128xi32, #tpu.memory_space<vmem>>
      %dma_wait3A_492 = tpu.memref_squeeze %dma_wait3A_491 : memref<1x128xi32, #tpu.memory_space<vmem>> -> memref<128xi32, #tpu.memory_space<vmem>>
      %dma_wait3A_493 = arith.constant 0 : i32
      %dma_wait3A_494 = arith.constant 0 : i32
      %dma_wait3A_495 = tpu.memref_slice %arg2[%dma_wait3A_493, %dma_wait3A_494] : memref<100000x128xf32, #tpu.memory_space<hbm>> -> memref<100000x128xf32, #tpu.memory_space<hbm>>
      tpu.wait_indirect_dma semaphore(%arg7 : memref<!tpu.dma_semaphore, #tpu.memory_space<semaphore_mem>>) src(%dma_wait3A_495 : memref<100000x128xf32, #tpu.memory_space<hbm>>) dst(%dma_wait3A_489 : memref<128x128xf32, #tpu.memory_space<vmem>>)
      %scan3A_496 = arith.constant 0 : i32
      %scan3A_497 = arith.constant 0 : i32
      %scan3A_498 = arith.constant 128 : i32
      %scan3A_499 = arith.addi %scan3A_497, %scan3A_498 : i32
      %scan3A_500 = arith.constant 1 : i32
      scf.for %scan3A_656 = %scan3A_497 to %scan3A_499 step %scan3A_500  : i32 {
        %get3A = arith.constant 0 : i32
        %get3A_657 = arith.index_cast %get3A : i32 to index
        %get3A_658 = arith.index_cast %scan3A_656 : i32 to index
        %get3A_659 = arith.constant 0 : index
        %get3A_660 = tpu.vector_load %arg6[%get3A_657, %get3A_658, %get3A_659] {strides = array<i32>} : memref<5x128x128xf32, #tpu.memory_space<vmem>>, vector<1x1x16xf32>,
        %get3A_661 = vector.shape_cast %get3A_660 : vector<1x1x16xf32> to vector<16xf32>
        %max3A = arith.constant 0.000000e+00 : f32
        %max3A_662 = vector.broadcast %max3A : f32 to vector<16xf32>
        %max3A_663 = arith.maximumf %get3A_661, %max3A_662 : vector<16xf32>
        %mul3A_664 = arith.constant 11.3137083 : f32
        %mul3A_665 = vector.broadcast %mul3A_664 : f32 to vector<16xf32>
        %mul3A_666 = arith.mulf %max3A_663, %mul3A_665 : vector<16xf32>
        %swap3A = arith.constant 0 : i32
        %swap3A_667 = arith.index_cast %swap3A : i32 to index
        %swap3A_668 = arith.index_cast %scan3A_656 : i32 to index
        %swap3A_669 = arith.constant 0 : index
        %swap3A_670 = tpu.vector_load %arg6[%swap3A_667, %swap3A_668, %swap3A_669] {strides = array<i32>} : memref<5x128x128xf32, #tpu.memory_space<vmem>>, vector<1x1x16xf32>,
        %swap3A_671 = vector.shape_cast %swap3A_670 : vector<1x1x16xf32> to vector<16xf32>
        %swap3A_672 = vector.shape_cast %mul3A_666 : vector<16xf32> to vector<1x1x16xf32>
        tpu.vector_store %arg6[%swap3A_667, %swap3A_668, %swap3A_669], %swap3A_672 {strides = array<i32>} : memref<5x128x128xf32, #tpu.memory_space<vmem>>, vector<1x1x16xf32>,
        %get3A_673 = arith.constant 0 : i32
        %get3A_674 = arith.index_cast %get3A_673 : i32 to index
        %get3A_675 = arith.index_cast %scan3A_656 : i32 to index
        %get3A_676 = arith.constant 16 : index
        %get3A_677 = tpu.vector_load %arg6[%get3A_674, %get3A_675, %get3A_676] {strides = array<i32>} : memref<5x128x128xf32, #tpu.memory_space<vmem>>, vector<1x1x16xf32>,
        %get3A_678 = vector.shape_cast %get3A_677 : vector<1x1x16xf32> to vector<16xf32>
        %max3A_679 = arith.constant 0.000000e+00 : f32
        %max3A_680 = vector.broadcast %max3A_679 : f32 to vector<16xf32>
        %max3A_681 = arith.maximumf %get3A_678, %max3A_680 : vector<16xf32>
        %mul3A_682 = arith.constant 11.3137083 : f32
        %mul3A_683 = vector.broadcast %mul3A_682 : f32 to vector<16xf32>
        %mul3A_684 = arith.mulf %max3A_681, %mul3A_683 : vector<16xf32>
        %swap3A_685 = arith.constant 0 : i32
        %swap3A_686 = arith.index_cast %swap3A_685 : i32 to index
        %swap3A_687 = arith.index_cast %scan3A_656 : i32 to index
        %swap3A_688 = arith.constant 16 : index
        %swap3A_689 = tpu.vector_load %arg6[%swap3A_686, %swap3A_687, %swap3A_688] {strides = array<i32>} : memref<5x128x128xf32, #tpu.memory_space<vmem>>, vector<1x1x16xf32>,
        %swap3A_690 = vector.shape_cast %swap3A_689 : vector<1x1x16xf32> to vector<16xf32>
        %swap3A_691 = vector.shape_cast %mul3A_684 : vector<16xf32> to vector<1x1x16xf32>
        tpu.vector_store %arg6[%swap3A_686, %swap3A_687, %swap3A_688], %swap3A_691 {strides = array<i32>} : memref<5x128x128xf32, #tpu.memory_space<vmem>>, vector<1x1x16xf32>,
        %get3A_692 = arith.constant 0 : i32
        %get3A_693 = arith.index_cast %get3A_692 : i32 to index
        %get3A_694 = arith.index_cast %scan3A_656 : i32 to index
        %get3A_695 = arith.constant 32 : index
        %get3A_696 = tpu.vector_load %arg6[%get3A_693, %get3A_694, %get3A_695] {strides = array<i32>} : memref<5x128x128xf32, #tpu.memory_space<vmem>>, vector<1x1x16xf32>,
        %get3A_697 = vector.shape_cast %get3A_696 : vector<1x1x16xf32> to vector<16xf32>
        %max3A_698 = arith.constant 0.000000e+00 : f32
        %max3A_699 = vector.broadcast %max3A_698 : f32 to vector<16xf32>
        %max3A_700 = arith.maximumf %get3A_697, %max3A_699 : vector<16xf32>
        %mul3A_701 = arith.constant 11.3137083 : f32
        %mul3A_702 = vector.broadcast %mul3A_701 : f32 to vector<16xf32>
        %mul3A_703 = arith.mulf %max3A_700, %mul3A_702 : vector<16xf32>
        %swap3A_704 = arith.constant 0 : i32
        %swap3A_705 = arith.index_cast %swap3A_704 : i32 to index
        %swap3A_706 = arith.index_cast %scan3A_656 : i32 to index
        %swap3A_707 = arith.constant 32 : index
        %swap3A_708 = tpu.vector_load %arg6[%swap3A_705, %swap3A_706, %swap3A_707] {strides = array<i32>} : memref<5x128x128xf32, #tpu.memory_space<vmem>>, vector<1x1x16xf32>,
        %swap3A_709 = vector.shape_cast %swap3A_708 : vector<1x1x16xf32> to vector<16xf32>
        %swap3A_710 = vector.shape_cast %mul3A_703 : vector<16xf32> to vector<1x1x16xf32>
        tpu.vector_store %arg6[%swap3A_705, %swap3A_706, %swap3A_707], %swap3A_710 {strides = array<i32>} : memref<5x128x128xf32, #tpu.memory_space<vmem>>, vector<1x1x16xf32>,
        %get3A_711 = arith.constant 0 : i32
        %get3A_712 = arith.index_cast %get3A_711 : i32 to index
        %get3A_713 = arith.index_cast %scan3A_656 : i32 to index
        %get3A_714 = arith.constant 48 : index
        %get3A_715 = tpu.vector_load %arg6[%get3A_712, %get3A_713, %get3A_714] {strides = array<i32>} : memref<5x128x128xf32, #tpu.memory_space<vmem>>, vector<1x1x16xf32>,
        %get3A_716 = vector.shape_cast %get3A_715 : vector<1x1x16xf32> to vector<16xf32>
        %max3A_717 = arith.constant 0.000000e+00 : f32
        %max3A_718 = vector.broadcast %max3A_717 : f32 to vector<16xf32>
        %max3A_719 = arith.maximumf %get3A_716, %max3A_718 : vector<16xf32>
        %mul3A_720 = arith.constant 11.3137083 : f32
        %mul3A_721 = vector.broadcast %mul3A_720 : f32 to vector<16xf32>
        %mul3A_722 = arith.mulf %max3A_719, %mul3A_721 : vector<16xf32>
        %swap3A_723 = arith.constant 0 : i32
        %swap3A_724 = arith.index_cast %swap3A_723 : i32 to index
        %swap3A_725 = arith.index_cast %scan3A_656 : i32 to index
        %swap3A_726 = arith.constant 48 : index
        %swap3A_727 = tpu.vector_load %arg6[%swap3A_724, %swap3A_725, %swap3A_726] {strides = array<i32>} : memref<5x128x128xf32, #tpu.memory_space<vmem>>, vector<1x1x16xf32>,
        %swap3A_728 = vector.shape_cast %swap3A_727 : vector<1x1x16xf32> to vector<16xf32>
        %swap3A_729 = vector.shape_cast %mul3A_722 : vector<16xf32> to vector<1x1x16xf32>
        tpu.vector_store %arg6[%swap3A_724, %swap3A_725, %swap3A_726], %swap3A_729 {strides = array<i32>} : memref<5x128x128xf32, #tpu.memory_space<vmem>>, vector<1x1x16xf32>,
        %get3A_730 = arith.constant 0 : i32
        %get3A_731 = arith.index_cast %get3A_730 : i32 to index
        %get3A_732 = arith.index_cast %scan3A_656 : i32 to index
        %get3A_733 = arith.constant 64 : index
        %get3A_734 = tpu.vector_load %arg6[%get3A_731, %get3A_732, %get3A_733] {strides = array<i32>} : memref<5x128x128xf32, #tpu.memory_space<vmem>>, vector<1x1x16xf32>,
        %get3A_735 = vector.shape_cast %get3A_734 : vector<1x1x16xf32> to vector<16xf32>
        %max3A_736 = arith.constant 0.000000e+00 : f32
        %max3A_737 = vector.broadcast %max3A_736 : f32 to vector<16xf32>
        %max3A_738 = arith.maximumf %get3A_735, %max3A_737 : vector<16xf32>
        %mul3A_739 = arith.constant 11.3137083 : f32
        %mul3A_740 = vector.broadcast %mul3A_739 : f32 to vector<16xf32>
        %mul3A_741 = arith.mulf %max3A_738, %mul3A_740 : vector<16xf32>
        %swap3A_742 = arith.constant 0 : i32
        %swap3A_743 = arith.index_cast %swap3A_742 : i32 to index
        %swap3A_744 = arith.index_cast %scan3A_656 : i32 to index
        %swap3A_745 = arith.constant 64 : index
        %swap3A_746 = tpu.vector_load %arg6[%swap3A_743, %swap3A_744, %swap3A_745] {strides = array<i32>} : memref<5x128x128xf32, #tpu.memory_space<vmem>>, vector<1x1x16xf32>,
        %swap3A_747 = vector.shape_cast %swap3A_746 : vector<1x1x16xf32> to vector<16xf32>
        %swap3A_748 = vector.shape_cast %mul3A_741 : vector<16xf32> to vector<1x1x16xf32>
        tpu.vector_store %arg6[%swap3A_743, %swap3A_744, %swap3A_745], %swap3A_748 {strides = array<i32>} : memref<5x128x128xf32, #tpu.memory_space<vmem>>, vector<1x1x16xf32>,
        %get3A_749 = arith.constant 0 : i32
        %get3A_750 = arith.index_cast %get3A_749 : i32 to index
        %get3A_751 = arith.index_cast %scan3A_656 : i32 to index
        %get3A_752 = arith.constant 80 : index
        %get3A_753 = tpu.vector_load %arg6[%get3A_750, %get3A_751, %get3A_752] {strides = array<i32>} : memref<5x128x128xf32, #tpu.memory_space<vmem>>, vector<1x1x16xf32>,
        %get3A_754 = vector.shape_cast %get3A_753 : vector<1x1x16xf32> to vector<16xf32>
        %max3A_755 = arith.constant 0.000000e+00 : f32
        %max3A_756 = vector.broadcast %max3A_755 : f32 to vector<16xf32>
        %max3A_757 = arith.maximumf %get3A_754, %max3A_756 : vector<16xf32>
        %mul3A_758 = arith.constant 11.3137083 : f32
        %mul3A_759 = vector.broadcast %mul3A_758 : f32 to vector<16xf32>
        %mul3A_760 = arith.mulf %max3A_757, %mul3A_759 : vector<16xf32>
        %swap3A_761 = arith.constant 0 : i32
        %swap3A_762 = arith.index_cast %swap3A_761 : i32 to index
        %swap3A_763 = arith.index_cast %scan3A_656 : i32 to index
        %swap3A_764 = arith.constant 80 : index
        %swap3A_765 = tpu.vector_load %arg6[%swap3A_762, %swap3A_763, %swap3A_764] {strides = array<i32>} : memref<5x128x128xf32, #tpu.memory_space<vmem>>, vector<1x1x16xf32>,
        %swap3A_766 = vector.shape_cast %swap3A_765 : vector<1x1x16xf32> to vector<16xf32>
        %swap3A_767 = vector.shape_cast %mul3A_760 : vector<16xf32> to vector<1x1x16xf32>
        tpu.vector_store %arg6[%swap3A_762, %swap3A_763, %swap3A_764], %swap3A_767 {strides = array<i32>} : memref<5x128x128xf32, #tpu.memory_space<vmem>>, vector<1x1x16xf32>,
        %get3A_768 = arith.constant 0 : i32
        %get3A_769 = arith.index_cast %get3A_768 : i32 to index
        %get3A_770 = arith.index_cast %scan3A_656 : i32 to index
        %get3A_771 = arith.constant 96 : index
        %get3A_772 = tpu.vector_load %arg6[%get3A_769, %get3A_770, %get3A_771] {strides = array<i32>} : memref<5x128x128xf32, #tpu.memory_space<vmem>>, vector<1x1x16xf32>,
        %get3A_773 = vector.shape_cast %get3A_772 : vector<1x1x16xf32> to vector<16xf32>
        %max3A_774 = arith.constant 0.000000e+00 : f32
        %max3A_775 = vector.broadcast %max3A_774 : f32 to vector<16xf32>
        %max3A_776 = arith.maximumf %get3A_773, %max3A_775 : vector<16xf32>
        %mul3A_777 = arith.constant 11.3137083 : f32
        %mul3A_778 = vector.broadcast %mul3A_777 : f32 to vector<16xf32>
        %mul3A_779 = arith.mulf %max3A_776, %mul3A_778 : vector<16xf32>
        %swap3A_780 = arith.constant 0 : i32
        %swap3A_781 = arith.index_cast %swap3A_780 : i32 to index
        %swap3A_782 = arith.index_cast %scan3A_656 : i32 to index
        %swap3A_783 = arith.constant 96 : index
        %swap3A_784 = tpu.vector_load %arg6[%swap3A_781, %swap3A_782, %swap3A_783] {strides = array<i32>} : memref<5x128x128xf32, #tpu.memory_space<vmem>>, vector<1x1x16xf32>,
        %swap3A_785 = vector.shape_cast %swap3A_784 : vector<1x1x16xf32> to vector<16xf32>
        %swap3A_786 = vector.shape_cast %mul3A_779 : vector<16xf32> to vector<1x1x16xf32>
        tpu.vector_store %arg6[%swap3A_781, %swap3A_782, %swap3A_783], %swap3A_786 {strides = array<i32>} : memref<5x128x128xf32, #tpu.memory_space<vmem>>, vector<1x1x16xf32>,
        %get3A_787 = arith.constant 0 : i32
        %get3A_788 = arith.index_cast %get3A_787 : i32 to index
        %get3A_789 = arith.index_cast %scan3A_656 : i32 to index
        %get3A_790 = arith.constant 112 : index
        %get3A_791 = tpu.vector_load %arg6[%get3A_788, %get3A_789, %get3A_790] {strides = array<i32>} : memref<5x128x128xf32, #tpu.memory_space<vmem>>, vector<1x1x16xf32>,
        %get3A_792 = vector.shape_cast %get3A_791 : vector<1x1x16xf32> to vector<16xf32>
        %max3A_793 = arith.constant 0.000000e+00 : f32
        %max3A_794 = vector.broadcast %max3A_793 : f32 to vector<16xf32>
        %max3A_795 = arith.maximumf %get3A_792, %max3A_794 : vector<16xf32>
        %mul3A_796 = arith.constant 11.3137083 : f32
        %mul3A_797 = vector.broadcast %mul3A_796 : f32 to vector<16xf32>
        %mul3A_798 = arith.mulf %max3A_795, %mul3A_797 : vector<16xf32>
        %swap3A_799 = arith.constant 0 : i32
        %swap3A_800 = arith.index_cast %swap3A_799 : i32 to index
        %swap3A_801 = arith.index_cast %scan3A_656 : i32 to index
        %swap3A_802 = arith.constant 112 : index
        %swap3A_803 = tpu.vector_load %arg6[%swap3A_800, %swap3A_801, %swap3A_802] {strides = array<i32>} : memref<5x128x128xf32, #tpu.memory_space<vmem>>, vector<1x1x16xf32>,
        %swap3A_804 = vector.shape_cast %swap3A_803 : vector<1x1x16xf32> to vector<16xf32>
        %swap3A_805 = vector.shape_cast %mul3A_798 : vector<16xf32> to vector<1x1x16xf32>
        tpu.vector_store %arg6[%swap3A_800, %swap3A_801, %swap3A_802], %swap3A_805 {strides = array<i32>} : memref<5x128x128xf32, #tpu.memory_space<vmem>>, vector<1x1x16xf32>,
      }
      %scan3A_501 = arith.constant 128 : i32
      %sub3A_502 = arith.constant 2 : i32
      %sub3A_503 = arith.subi %add3A_457, %sub3A_502 : i32
      %add3A_504 = arith.addi %mul3A_2, %sub3A_503 : i32
      %mul3A_505 = arith.constant 128 : i32
      %mul3A_506 = arith.muli %add3A_504, %mul3A_505 : i32
      %dma_start3A_507 = arith.constant 0 : i32
      %dma_start3A_508 = arith.constant 0 : i32
      %dma_start3A_509 = arith.constant 0 : i32
      %dma_start3A_510 = tpu.memref_slice %arg6[%dma_start3A_507, %dma_start3A_508, %dma_start3A_509] : memref<5x128x128xf32, #tpu.memory_space<vmem>> -> memref<1x128x128xf32, #tpu.memory_space<vmem>>
      %dma_start3A_511 = tpu.memref_squeeze %dma_start3A_510 : memref<1x128x128xf32, #tpu.memory_space<vmem>> -> memref<128x128xf32, #tpu.memory_space<vmem>>
      %dma_start3A_512 = arith.constant 0 : i32
      %dma_start3A_513 = tpu.memref_slice %arg4[%mul3A_506, %dma_start3A_512] : memref<819200x128xf32, #tpu.memory_space<hbm>> -> memref<128x128xf32, #tpu.memory_space<hbm>>
      %dma_start3A_514 = arith.constant 0 : i32
      %dma_start3A_515 = tpu.memref_slice %arg4[%mul3A_506, %dma_start3A_514] : memref<819200x128xf32, #tpu.memory_space<hbm>> -> memref<128x128xf32, #tpu.memory_space<hbm>>
      %dma_start3A_516 = arith.constant 0 : i32
      %dma_start3A_517 = arith.constant 0 : i32
      %dma_start3A_518 = tpu.memref_slice %arg6[%dma_start3A_507, %dma_start3A_516, %dma_start3A_517] : memref<5x128x128xf32, #tpu.memory_space<vmem>> -> memref<1x128x128xf32, #tpu.memory_space<vmem>>
      %dma_start3A_519 = tpu.memref_squeeze %dma_start3A_518 : memref<1x128x128xf32, #tpu.memory_space<vmem>> -> memref<128x128xf32, #tpu.memory_space<vmem>>
      tpu.enqueue_dma source(%dma_start3A_519 : memref<128x128xf32, #tpu.memory_space<vmem>>) target(%dma_start3A_515 : memref<128x128xf32, #tpu.memory_space<hbm>>) target_semaphore(%arg12 : memref<!tpu.dma_semaphore, #tpu.memory_space<semaphore_mem>>)
      %mul3A_520 = arith.constant 5 : i32
      %mul3A_521 = arith.muli %scan3A_316, %mul3A_520 : i32
      %add3A_522 = arith.constant 5 : i32
      %add3A_523 = arith.addi %add3A_522, %mul3A_521 : i32
      %add3A_524 = arith.constant 3 : i32
      %add3A_525 = arith.addi %add3A_523, %add3A_524 : i32
      %dma_wait3A_526 = arith.constant 3 : i32
      %dma_wait3A_527 = arith.constant 0 : i32
      %dma_wait3A_528 = arith.constant 0 : i32
      %dma_wait3A_529 = tpu.memref_slice %arg6[%dma_wait3A_526, %dma_wait3A_527, %dma_wait3A_528] : memref<5x128x128xf32, #tpu.memory_space<vmem>> -> memref<1x128x128xf32, #tpu.memory_space<vmem>>
      %dma_wait3A_530 = tpu.memref_squeeze %dma_wait3A_529 : memref<1x128x128xf32, #tpu.memory_space<vmem>> -> memref<128x128xf32, #tpu.memory_space<vmem>>
      %dma_wait3A_531 = arith.constant 0 : i32
      %dma_wait3A_532 = arith.constant 0 : i32
      %dma_wait3A_533 = tpu.memref_slice %arg4[%dma_wait3A_531, %dma_wait3A_532] : memref<819200x128xf32, #tpu.memory_space<hbm>> -> memref<128x128xf32, #tpu.memory_space<hbm>>
      %dma_wait3A_534 = arith.constant 0 : i32
      %dma_wait3A_535 = arith.constant 0 : i32
      %dma_wait3A_536 = tpu.memref_slice %arg4[%dma_wait3A_534, %dma_wait3A_535] : memref<819200x128xf32, #tpu.memory_space<hbm>> -> memref<128x128xf32, #tpu.memory_space<hbm>>
      %dma_wait3A_537 = arith.constant 0 : i32
      %dma_wait3A_538 = arith.constant 0 : i32
      %dma_wait3A_539 = tpu.memref_slice %arg6[%dma_wait3A_526, %dma_wait3A_537, %dma_wait3A_538] : memref<5x128x128xf32, #tpu.memory_space<vmem>> -> memref<1x128x128xf32, #tpu.memory_space<vmem>>
      %dma_wait3A_540 = tpu.memref_squeeze %dma_wait3A_539 : memref<1x128x128xf32, #tpu.memory_space<vmem>> -> memref<128x128xf32, #tpu.memory_space<vmem>>
      tpu.wait_dma2 semaphore(%arg15 : memref<!tpu.dma_semaphore, #tpu.memory_space<semaphore_mem>>) src(%dma_wait3A_540 : memref<128x128xf32, #tpu.memory_space<vmem>>) dst(%dma_wait3A_536 : memref<128x128xf32, #tpu.memory_space<hbm>>)
      %dma_start3A_541 = arith.constant 3 : i32
      %dma_start3A_542 = arith.constant 0 : i32
      %dma_start3A_543 = arith.constant 0 : i32
      %dma_start3A_544 = tpu.memref_slice %arg6[%dma_start3A_541, %dma_start3A_542, %dma_start3A_543] : memref<5x128x128xf32, #tpu.memory_space<vmem>> -> memref<1x128x128xf32, #tpu.memory_space<vmem>>
      %dma_start3A_545 = tpu.memref_squeeze %dma_start3A_544 : memref<1x128x128xf32, #tpu.memory_space<vmem>> -> memref<128x128xf32, #tpu.memory_space<vmem>>
      %dma_start3A_546 = arith.constant 0 : i32
      %dma_start3A_547 = tpu.memref_slice %arg5[%add3A_525, %dma_start3A_546] : memref<200x128xi32, #tpu.memory_space<vmem>> -> memref<1x128xi32, #tpu.memory_space<vmem>>
      %dma_start3A_548 = tpu.memref_squeeze %dma_start3A_547 : memref<1x128xi32, #tpu.memory_space<vmem>> -> memref<128xi32, #tpu.memory_space<vmem>>
      %dma_start3A_549 = arith.constant 0 : i32
      %dma_start3A_550 = arith.constant 0 : i32
      %dma_start3A_551 = tpu.memref_slice %arg2[%dma_start3A_549, %dma_start3A_550] : memref<100000x128xf32, #tpu.memory_space<hbm>> -> memref<100000x128xf32, #tpu.memory_space<hbm>>
      tpu.enqueue_indirect_dma source(%dma_start3A_551 : memref<100000x128xf32, #tpu.memory_space<hbm>>) target(%dma_start3A_545 : memref<128x128xf32, #tpu.memory_space<vmem>>) offsets(%dma_start3A_548 : memref<128xi32, #tpu.memory_space<vmem>>) semaphore(%arg10 : memref<!tpu.dma_semaphore, #tpu.memory_space<semaphore_mem>>)
      %dma_wait3A_552 = arith.constant 0 : i32
      %dma_wait3A_553 = arith.constant 1 : i32
      %dma_wait3A_554 = arith.constant 0 : i32
      %dma_wait3A_555 = arith.constant 0 : i32
      %dma_wait3A_556 = tpu.memref_slice %arg6[%dma_wait3A_553, %dma_wait3A_554, %dma_wait3A_555] : memref<5x128x128xf32, #tpu.memory_space<vmem>> -> memref<1x128x128xf32, #tpu.memory_space<vmem>>
      %dma_wait3A_557 = tpu.memref_squeeze %dma_wait3A_556 : memref<1x128x128xf32, #tpu.memory_space<vmem>> -> memref<128x128xf32, #tpu.memory_space<vmem>>
      %dma_wait3A_558 = arith.constant 0 : i32
      %dma_wait3A_559 = tpu.memref_slice %arg5[%dma_wait3A_552, %dma_wait3A_558] : memref<200x128xi32, #tpu.memory_space<vmem>> -> memref<1x128xi32, #tpu.memory_space<vmem>>
      %dma_wait3A_560 = tpu.memref_squeeze %dma_wait3A_559 : memref<1x128xi32, #tpu.memory_space<vmem>> -> memref<128xi32, #tpu.memory_space<vmem>>
      %dma_wait3A_561 = arith.constant 0 : i32
      %dma_wait3A_562 = arith.constant 0 : i32
      %dma_wait3A_563 = tpu.memref_slice %arg2[%dma_wait3A_561, %dma_wait3A_562] : memref<100000x128xf32, #tpu.memory_space<hbm>> -> memref<100000x128xf32, #tpu.memory_space<hbm>>
      tpu.wait_indirect_dma semaphore(%arg8 : memref<!tpu.dma_semaphore, #tpu.memory_space<semaphore_mem>>) src(%dma_wait3A_563 : memref<100000x128xf32, #tpu.memory_space<hbm>>) dst(%dma_wait3A_557 : memref<128x128xf32, #tpu.memory_space<vmem>>)
      %scan3A_564 = arith.constant 0 : i32
      %scan3A_565 = arith.constant 0 : i32
      %scan3A_566 = arith.constant 128 : i32
      %scan3A_567 = arith.addi %scan3A_565, %scan3A_566 : i32
      %scan3A_568 = arith.constant 1 : i32
      scf.for %scan3A_656 = %scan3A_565 to %scan3A_567 step %scan3A_568  : i32 {
        %get3A = arith.constant 1 : i32
        %get3A_657 = arith.index_cast %get3A : i32 to index
        %get3A_658 = arith.index_cast %scan3A_656 : i32 to index
        %get3A_659 = arith.constant 0 : index
        %get3A_660 = tpu.vector_load %arg6[%get3A_657, %get3A_658, %get3A_659] {strides = array<i32>} : memref<5x128x128xf32, #tpu.memory_space<vmem>>, vector<1x1x16xf32>,
        %get3A_661 = vector.shape_cast %get3A_660 : vector<1x1x16xf32> to vector<16xf32>
        %max3A = arith.constant 0.000000e+00 : f32
        %max3A_662 = vector.broadcast %max3A : f32 to vector<16xf32>
        %max3A_663 = arith.maximumf %get3A_661, %max3A_662 : vector<16xf32>
        %mul3A_664 = arith.constant 11.3137083 : f32
        %mul3A_665 = vector.broadcast %mul3A_664 : f32 to vector<16xf32>
        %mul3A_666 = arith.mulf %max3A_663, %mul3A_665 : vector<16xf32>
        %swap3A = arith.constant 1 : i32
        %swap3A_667 = arith.index_cast %swap3A : i32 to index
        %swap3A_668 = arith.index_cast %scan3A_656 : i32 to index
        %swap3A_669 = arith.constant 0 : index
        %swap3A_670 = tpu.vector_load %arg6[%swap3A_667, %swap3A_668, %swap3A_669] {strides = array<i32>} : memref<5x128x128xf32, #tpu.memory_space<vmem>>, vector<1x1x16xf32>,
        %swap3A_671 = vector.shape_cast %swap3A_670 : vector<1x1x16xf32> to vector<16xf32>
        %swap3A_672 = vector.shape_cast %mul3A_666 : vector<16xf32> to vector<1x1x16xf32>
        tpu.vector_store %arg6[%swap3A_667, %swap3A_668, %swap3A_669], %swap3A_672 {strides = array<i32>} : memref<5x128x128xf32, #tpu.memory_space<vmem>>, vector<1x1x16xf32>,
        %get3A_673 = arith.constant 1 : i32
        %get3A_674 = arith.index_cast %get3A_673 : i32 to index
        %get3A_675 = arith.index_cast %scan3A_656 : i32 to index
        %get3A_676 = arith.constant 16 : index
        %get3A_677 = tpu.vector_load %arg6[%get3A_674, %get3A_675, %get3A_676] {strides = array<i32>} : memref<5x128x128xf32, #tpu.memory_space<vmem>>, vector<1x1x16xf32>,
        %get3A_678 = vector.shape_cast %get3A_677 : vector<1x1x16xf32> to vector<16xf32>
        %max3A_679 = arith.constant 0.000000e+00 : f32
        %max3A_680 = vector.broadcast %max3A_679 : f32 to vector<16xf32>
        %max3A_681 = arith.maximumf %get3A_678, %max3A_680 : vector<16xf32>
        %mul3A_682 = arith.constant 11.3137083 : f32
        %mul3A_683 = vector.broadcast %mul3A_682 : f32 to vector<16xf32>
        %mul3A_684 = arith.mulf %max3A_681, %mul3A_683 : vector<16xf32>
        %swap3A_685 = arith.constant 1 : i32
        %swap3A_686 = arith.index_cast %swap3A_685 : i32 to index
        %swap3A_687 = arith.index_cast %scan3A_656 : i32 to index
        %swap3A_688 = arith.constant 16 : index
        %swap3A_689 = tpu.vector_load %arg6[%swap3A_686, %swap3A_687, %swap3A_688] {strides = array<i32>} : memref<5x128x128xf32, #tpu.memory_space<vmem>>, vector<1x1x16xf32>,
        %swap3A_690 = vector.shape_cast %swap3A_689 : vector<1x1x16xf32> to vector<16xf32>
        %swap3A_691 = vector.shape_cast %mul3A_684 : vector<16xf32> to vector<1x1x16xf32>
        tpu.vector_store %arg6[%swap3A_686, %swap3A_687, %swap3A_688], %swap3A_691 {strides = array<i32>} : memref<5x128x128xf32, #tpu.memory_space<vmem>>, vector<1x1x16xf32>,
        %get3A_692 = arith.constant 1 : i32
        %get3A_693 = arith.index_cast %get3A_692 : i32 to index
        %get3A_694 = arith.index_cast %scan3A_656 : i32 to index
        %get3A_695 = arith.constant 32 : index
        %get3A_696 = tpu.vector_load %arg6[%get3A_693, %get3A_694, %get3A_695] {strides = array<i32>} : memref<5x128x128xf32, #tpu.memory_space<vmem>>, vector<1x1x16xf32>,
        %get3A_697 = vector.shape_cast %get3A_696 : vector<1x1x16xf32> to vector<16xf32>
        %max3A_698 = arith.constant 0.000000e+00 : f32
        %max3A_699 = vector.broadcast %max3A_698 : f32 to vector<16xf32>
        %max3A_700 = arith.maximumf %get3A_697, %max3A_699 : vector<16xf32>
        %mul3A_701 = arith.constant 11.3137083 : f32
        %mul3A_702 = vector.broadcast %mul3A_701 : f32 to vector<16xf32>
        %mul3A_703 = arith.mulf %max3A_700, %mul3A_702 : vector<16xf32>
        %swap3A_704 = arith.constant 1 : i32
        %swap3A_705 = arith.index_cast %swap3A_704 : i32 to index
        %swap3A_706 = arith.index_cast %scan3A_656 : i32 to index
        %swap3A_707 = arith.constant 32 : index
        %swap3A_708 = tpu.vector_load %arg6[%swap3A_705, %swap3A_706, %swap3A_707] {strides = array<i32>} : memref<5x128x128xf32, #tpu.memory_space<vmem>>, vector<1x1x16xf32>,
        %swap3A_709 = vector.shape_cast %swap3A_708 : vector<1x1x16xf32> to vector<16xf32>
        %swap3A_710 = vector.shape_cast %mul3A_703 : vector<16xf32> to vector<1x1x16xf32>
        tpu.vector_store %arg6[%swap3A_705, %swap3A_706, %swap3A_707], %swap3A_710 {strides = array<i32>} : memref<5x128x128xf32, #tpu.memory_space<vmem>>, vector<1x1x16xf32>,
        %get3A_711 = arith.constant 1 : i32
        %get3A_712 = arith.index_cast %get3A_711 : i32 to index
        %get3A_713 = arith.index_cast %scan3A_656 : i32 to index
        %get3A_714 = arith.constant 48 : index
        %get3A_715 = tpu.vector_load %arg6[%get3A_712, %get3A_713, %get3A_714] {strides = array<i32>} : memref<5x128x128xf32, #tpu.memory_space<vmem>>, vector<1x1x16xf32>,
        %get3A_716 = vector.shape_cast %get3A_715 : vector<1x1x16xf32> to vector<16xf32>
        %max3A_717 = arith.constant 0.000000e+00 : f32
        %max3A_718 = vector.broadcast %max3A_717 : f32 to vector<16xf32>
        %max3A_719 = arith.maximumf %get3A_716, %max3A_718 : vector<16xf32>
        %mul3A_720 = arith.constant 11.3137083 : f32
        %mul3A_721 = vector.broadcast %mul3A_720 : f32 to vector<16xf32>
        %mul3A_722 = arith.mulf %max3A_719, %mul3A_721 : vector<16xf32>
        %swap3A_723 = arith.constant 1 : i32
        %swap3A_724 = arith.index_cast %swap3A_723 : i32 to index
        %swap3A_725 = arith.index_cast %scan3A_656 : i32 to index
        %swap3A_726 = arith.constant 48 : index
        %swap3A_727 = tpu.vector_load %arg6[%swap3A_724, %swap3A_725, %swap3A_726] {strides = array<i32>} : memref<5x128x128xf32, #tpu.memory_space<vmem>>, vector<1x1x16xf32>,
        %swap3A_728 = vector.shape_cast %swap3A_727 : vector<1x1x16xf32> to vector<16xf32>
        %swap3A_729 = vector.shape_cast %mul3A_722 : vector<16xf32> to vector<1x1x16xf32>
        tpu.vector_store %arg6[%swap3A_724, %swap3A_725, %swap3A_726], %swap3A_729 {strides = array<i32>} : memref<5x128x128xf32, #tpu.memory_space<vmem>>, vector<1x1x16xf32>,
        %get3A_730 = arith.constant 1 : i32
        %get3A_731 = arith.index_cast %get3A_730 : i32 to index
        %get3A_732 = arith.index_cast %scan3A_656 : i32 to index
        %get3A_733 = arith.constant 64 : index
        %get3A_734 = tpu.vector_load %arg6[%get3A_731, %get3A_732, %get3A_733] {strides = array<i32>} : memref<5x128x128xf32, #tpu.memory_space<vmem>>, vector<1x1x16xf32>,
        %get3A_735 = vector.shape_cast %get3A_734 : vector<1x1x16xf32> to vector<16xf32>
        %max3A_736 = arith.constant 0.000000e+00 : f32
        %max3A_737 = vector.broadcast %max3A_736 : f32 to vector<16xf32>
        %max3A_738 = arith.maximumf %get3A_735, %max3A_737 : vector<16xf32>
        %mul3A_739 = arith.constant 11.3137083 : f32
        %mul3A_740 = vector.broadcast %mul3A_739 : f32 to vector<16xf32>
        %mul3A_741 = arith.mulf %max3A_738, %mul3A_740 : vector<16xf32>
        %swap3A_742 = arith.constant 1 : i32
        %swap3A_743 = arith.index_cast %swap3A_742 : i32 to index
        %swap3A_744 = arith.index_cast %scan3A_656 : i32 to index
        %swap3A_745 = arith.constant 64 : index
        %swap3A_746 = tpu.vector_load %arg6[%swap3A_743, %swap3A_744, %swap3A_745] {strides = array<i32>} : memref<5x128x128xf32, #tpu.memory_space<vmem>>, vector<1x1x16xf32>,
        %swap3A_747 = vector.shape_cast %swap3A_746 : vector<1x1x16xf32> to vector<16xf32>
        %swap3A_748 = vector.shape_cast %mul3A_741 : vector<16xf32> to vector<1x1x16xf32>
        tpu.vector_store %arg6[%swap3A_743, %swap3A_744, %swap3A_745], %swap3A_748 {strides = array<i32>} : memref<5x128x128xf32, #tpu.memory_space<vmem>>, vector<1x1x16xf32>,
        %get3A_749 = arith.constant 1 : i32
        %get3A_750 = arith.index_cast %get3A_749 : i32 to index
        %get3A_751 = arith.index_cast %scan3A_656 : i32 to index
        %get3A_752 = arith.constant 80 : index
        %get3A_753 = tpu.vector_load %arg6[%get3A_750, %get3A_751, %get3A_752] {strides = array<i32>} : memref<5x128x128xf32, #tpu.memory_space<vmem>>, vector<1x1x16xf32>,
        %get3A_754 = vector.shape_cast %get3A_753 : vector<1x1x16xf32> to vector<16xf32>
        %max3A_755 = arith.constant 0.000000e+00 : f32
        %max3A_756 = vector.broadcast %max3A_755 : f32 to vector<16xf32>
        %max3A_757 = arith.maximumf %get3A_754, %max3A_756 : vector<16xf32>
        %mul3A_758 = arith.constant 11.3137083 : f32
        %mul3A_759 = vector.broadcast %mul3A_758 : f32 to vector<16xf32>
        %mul3A_760 = arith.mulf %max3A_757, %mul3A_759 : vector<16xf32>
        %swap3A_761 = arith.constant 1 : i32
        %swap3A_762 = arith.index_cast %swap3A_761 : i32 to index
        %swap3A_763 = arith.index_cast %scan3A_656 : i32 to index
        %swap3A_764 = arith.constant 80 : index
        %swap3A_765 = tpu.vector_load %arg6[%swap3A_762, %swap3A_763, %swap3A_764] {strides = array<i32>} : memref<5x128x128xf32, #tpu.memory_space<vmem>>, vector<1x1x16xf32>,
        %swap3A_766 = vector.shape_cast %swap3A_765 : vector<1x1x16xf32> to vector<16xf32>
        %swap3A_767 = vector.shape_cast %mul3A_760 : vector<16xf32> to vector<1x1x16xf32>
        tpu.vector_store %arg6[%swap3A_762, %swap3A_763, %swap3A_764], %swap3A_767 {strides = array<i32>} : memref<5x128x128xf32, #tpu.memory_space<vmem>>, vector<1x1x16xf32>,
        %get3A_768 = arith.constant 1 : i32
        %get3A_769 = arith.index_cast %get3A_768 : i32 to index
        %get3A_770 = arith.index_cast %scan3A_656 : i32 to index
        %get3A_771 = arith.constant 96 : index
        %get3A_772 = tpu.vector_load %arg6[%get3A_769, %get3A_770, %get3A_771] {strides = array<i32>} : memref<5x128x128xf32, #tpu.memory_space<vmem>>, vector<1x1x16xf32>,
        %get3A_773 = vector.shape_cast %get3A_772 : vector<1x1x16xf32> to vector<16xf32>
        %max3A_774 = arith.constant 0.000000e+00 : f32
        %max3A_775 = vector.broadcast %max3A_774 : f32 to vector<16xf32>
        %max3A_776 = arith.maximumf %get3A_773, %max3A_775 : vector<16xf32>
        %mul3A_777 = arith.constant 11.3137083 : f32
        %mul3A_778 = vector.broadcast %mul3A_777 : f32 to vector<16xf32>
        %mul3A_779 = arith.mulf %max3A_776, %mul3A_778 : vector<16xf32>
        %swap3A_780 = arith.constant 1 : i32
        %swap3A_781 = arith.index_cast %swap3A_780 : i32 to index
        %swap3A_782 = arith.index_cast %scan3A_656 : i32 to index
        %swap3A_783 = arith.constant 96 : index
        %swap3A_784 = tpu.vector_load %arg6[%swap3A_781, %swap3A_782, %swap3A_783] {strides = array<i32>} : memref<5x128x128xf32, #tpu.memory_space<vmem>>, vector<1x1x16xf32>,
        %swap3A_785 = vector.shape_cast %swap3A_784 : vector<1x1x16xf32> to vector<16xf32>
        %swap3A_786 = vector.shape_cast %mul3A_779 : vector<16xf32> to vector<1x1x16xf32>
        tpu.vector_store %arg6[%swap3A_781, %swap3A_782, %swap3A_783], %swap3A_786 {strides = array<i32>} : memref<5x128x128xf32, #tpu.memory_space<vmem>>, vector<1x1x16xf32>,
        %get3A_787 = arith.constant 1 : i32
        %get3A_788 = arith.index_cast %get3A_787 : i32 to index
        %get3A_789 = arith.index_cast %scan3A_656 : i32 to index
        %get3A_790 = arith.constant 112 : index
        %get3A_791 = tpu.vector_load %arg6[%get3A_788, %get3A_789, %get3A_790] {strides = array<i32>} : memref<5x128x128xf32, #tpu.memory_space<vmem>>, vector<1x1x16xf32>,
        %get3A_792 = vector.shape_cast %get3A_791 : vector<1x1x16xf32> to vector<16xf32>
        %max3A_793 = arith.constant 0.000000e+00 : f32
        %max3A_794 = vector.broadcast %max3A_793 : f32 to vector<16xf32>
        %max3A_795 = arith.maximumf %get3A_792, %max3A_794 : vector<16xf32>
        %mul3A_796 = arith.constant 11.3137083 : f32
        %mul3A_797 = vector.broadcast %mul3A_796 : f32 to vector<16xf32>
        %mul3A_798 = arith.mulf %max3A_795, %mul3A_797 : vector<16xf32>
        %swap3A_799 = arith.constant 1 : i32
        %swap3A_800 = arith.index_cast %swap3A_799 : i32 to index
        %swap3A_801 = arith.index_cast %scan3A_656 : i32 to index
        %swap3A_802 = arith.constant 112 : index
        %swap3A_803 = tpu.vector_load %arg6[%swap3A_800, %swap3A_801, %swap3A_802] {strides = array<i32>} : memref<5x128x128xf32, #tpu.memory_space<vmem>>, vector<1x1x16xf32>,
        %swap3A_804 = vector.shape_cast %swap3A_803 : vector<1x1x16xf32> to vector<16xf32>
        %swap3A_805 = vector.shape_cast %mul3A_798 : vector<16xf32> to vector<1x1x16xf32>
        tpu.vector_store %arg6[%swap3A_800, %swap3A_801, %swap3A_802], %swap3A_805 {strides = array<i32>} : memref<5x128x128xf32, #tpu.memory_space<vmem>>, vector<1x1x16xf32>,
      }
      %scan3A_569 = arith.constant 128 : i32
      %sub3A_570 = arith.constant 2 : i32
      %sub3A_571 = arith.subi %add3A_525, %sub3A_570 : i32
      %add3A_572 = arith.addi %mul3A_2, %sub3A_571 : i32
      %mul3A_573 = arith.constant 128 : i32
      %mul3A_574 = arith.muli %add3A_572, %mul3A_573 : i32
      %dma_start3A_575 = arith.constant 1 : i32
      %dma_start3A_576 = arith.constant 0 : i32
      %dma_start3A_577 = arith.constant 0 : i32
      %dma_start3A_578 = tpu.memref_slice %arg6[%dma_start3A_575, %dma_start3A_576, %dma_start3A_577] : memref<5x128x128xf32, #tpu.memory_space<vmem>> -> memref<1x128x128xf32, #tpu.memory_space<vmem>>
      %dma_start3A_579 = tpu.memref_squeeze %dma_start3A_578 : memref<1x128x128xf32, #tpu.memory_space<vmem>> -> memref<128x128xf32, #tpu.memory_space<vmem>>
      %dma_start3A_580 = arith.constant 0 : i32
      %dma_start3A_581 = tpu.memref_slice %arg4[%mul3A_574, %dma_start3A_580] : memref<819200x128xf32, #tpu.memory_space<hbm>> -> memref<128x128xf32, #tpu.memory_space<hbm>>
      %dma_start3A_582 = arith.constant 0 : i32
      %dma_start3A_583 = tpu.memref_slice %arg4[%mul3A_574, %dma_start3A_582] : memref<819200x128xf32, #tpu.memory_space<hbm>> -> memref<128x128xf32, #tpu.memory_space<hbm>>
      %dma_start3A_584 = arith.constant 0 : i32
      %dma_start3A_585 = arith.constant 0 : i32
      %dma_start3A_586 = tpu.memref_slice %arg6[%dma_start3A_575, %dma_start3A_584, %dma_start3A_585] : memref<5x128x128xf32, #tpu.memory_space<vmem>> -> memref<1x128x128xf32, #tpu.memory_space<vmem>>
      %dma_start3A_587 = tpu.memref_squeeze %dma_start3A_586 : memref<1x128x128xf32, #tpu.memory_space<vmem>> -> memref<128x128xf32, #tpu.memory_space<vmem>>
      tpu.enqueue_dma source(%dma_start3A_587 : memref<128x128xf32, #tpu.memory_space<vmem>>) target(%dma_start3A_583 : memref<128x128xf32, #tpu.memory_space<hbm>>) target_semaphore(%arg13 : memref<!tpu.dma_semaphore, #tpu.memory_space<semaphore_mem>>)
      %mul3A_588 = arith.constant 5 : i32
      %mul3A_589 = arith.muli %scan3A_316, %mul3A_588 : i32
      %add3A_590 = arith.constant 5 : i32
      %add3A_591 = arith.addi %add3A_590, %mul3A_589 : i32
      %add3A_592 = arith.constant 4 : i32
      %add3A_593 = arith.addi %add3A_591, %add3A_592 : i32
      %dma_wait3A_594 = arith.constant 4 : i32
      %dma_wait3A_595 = arith.constant 0 : i32
      %dma_wait3A_596 = arith.constant 0 : i32
      %dma_wait3A_597 = tpu.memref_slice %arg6[%dma_wait3A_594, %dma_wait3A_595, %dma_wait3A_596] : memref<5x128x128xf32, #tpu.memory_space<vmem>> -> memref<1x128x128xf32, #tpu.memory_space<vmem>>
      %dma_wait3A_598 = tpu.memref_squeeze %dma_wait3A_597 : memref<1x128x128xf32, #tpu.memory_space<vmem>> -> memref<128x128xf32, #tpu.memory_space<vmem>>
      %dma_wait3A_599 = arith.constant 0 : i32
      %dma_wait3A_600 = arith.constant 0 : i32
      %dma_wait3A_601 = tpu.memref_slice %arg4[%dma_wait3A_599, %dma_wait3A_600] : memref<819200x128xf32, #tpu.memory_space<hbm>> -> memref<128x128xf32, #tpu.memory_space<hbm>>
      %dma_wait3A_602 = arith.constant 0 : i32
      %dma_wait3A_603 = arith.constant 0 : i32
      %dma_wait3A_604 = tpu.memref_slice %arg4[%dma_wait3A_602, %dma_wait3A_603] : memref<819200x128xf32, #tpu.memory_space<hbm>> -> memref<128x128xf32, #tpu.memory_space<hbm>>
      %dma_wait3A_605 = arith.constant 0 : i32
      %dma_wait3A_606 = arith.constant 0 : i32
      %dma_wait3A_607 = tpu.memref_slice %arg6[%dma_wait3A_594, %dma_wait3A_605, %dma_wait3A_606] : memref<5x128x128xf32, #tpu.memory_space<vmem>> -> memref<1x128x128xf32, #tpu.memory_space<vmem>>
      %dma_wait3A_608 = tpu.memref_squeeze %dma_wait3A_607 : memref<1x128x128xf32, #tpu.memory_space<vmem>> -> memref<128x128xf32, #tpu.memory_space<vmem>>
      tpu.wait_dma2 semaphore(%arg16 : memref<!tpu.dma_semaphore, #tpu.memory_space<semaphore_mem>>) src(%dma_wait3A_608 : memref<128x128xf32, #tpu.memory_space<vmem>>) dst(%dma_wait3A_604 : memref<128x128xf32, #tpu.memory_space<hbm>>)
      %dma_start3A_609 = arith.constant 4 : i32
      %dma_start3A_610 = arith.constant 0 : i32
      %dma_start3A_611 = arith.constant 0 : i32
      %dma_start3A_612 = tpu.memref_slice %arg6[%dma_start3A_609, %dma_start3A_610, %dma_start3A_611] : memref<5x128x128xf32, #tpu.memory_space<vmem>> -> memref<1x128x128xf32, #tpu.memory_space<vmem>>
      %dma_start3A_613 = tpu.memref_squeeze %dma_start3A_612 : memref<1x128x128xf32, #tpu.memory_space<vmem>> -> memref<128x128xf32, #tpu.memory_space<vmem>>
      %dma_start3A_614 = arith.constant 0 : i32
      %dma_start3A_615 = tpu.memref_slice %arg5[%add3A_593, %dma_start3A_614] : memref<200x128xi32, #tpu.memory_space<vmem>> -> memref<1x128xi32, #tpu.memory_space<vmem>>
      %dma_start3A_616 = tpu.memref_squeeze %dma_start3A_615 : memref<1x128xi32, #tpu.memory_space<vmem>> -> memref<128xi32, #tpu.memory_space<vmem>>
      %dma_start3A_617 = arith.constant 0 : i32
      %dma_start3A_618 = arith.constant 0 : i32
      %dma_start3A_619 = tpu.memref_slice %arg2[%dma_start3A_617, %dma_start3A_618] : memref<100000x128xf32, #tpu.memory_space<hbm>> -> memref<100000x128xf32, #tpu.memory_space<hbm>>
      tpu.enqueue_indirect_dma source(%dma_start3A_619 : memref<100000x128xf32, #tpu.memory_space<hbm>>) target(%dma_start3A_613 : memref<128x128xf32, #tpu.memory_space<vmem>>) offsets(%dma_start3A_616 : memref<128xi32, #tpu.memory_space<vmem>>) semaphore(%arg11 : memref<!tpu.dma_semaphore, #tpu.memory_space<semaphore_mem>>)
      %dma_wait3A_620 = arith.constant 0 : i32
      %dma_wait3A_621 = arith.constant 2 : i32
      %dma_wait3A_622 = arith.constant 0 : i32
      %dma_wait3A_623 = arith.constant 0 : i32
      %dma_wait3A_624 = tpu.memref_slice %arg6[%dma_wait3A_621, %dma_wait3A_622, %dma_wait3A_623] : memref<5x128x128xf32, #tpu.memory_space<vmem>> -> memref<1x128x128xf32, #tpu.memory_space<vmem>>
      %dma_wait3A_625 = tpu.memref_squeeze %dma_wait3A_624 : memref<1x128x128xf32, #tpu.memory_space<vmem>> -> memref<128x128xf32, #tpu.memory_space<vmem>>
      %dma_wait3A_626 = arith.constant 0 : i32
      %dma_wait3A_627 = tpu.memref_slice %arg5[%dma_wait3A_620, %dma_wait3A_626] : memref<200x128xi32, #tpu.memory_space<vmem>> -> memref<1x128xi32, #tpu.memory_space<vmem>>
      %dma_wait3A_628 = tpu.memref_squeeze %dma_wait3A_627 : memref<1x128xi32, #tpu.memory_space<vmem>> -> memref<128xi32, #tpu.memory_space<vmem>>
      %dma_wait3A_629 = arith.constant 0 : i32
      %dma_wait3A_630 = arith.constant 0 : i32
      %dma_wait3A_631 = tpu.memref_slice %arg2[%dma_wait3A_629, %dma_wait3A_630] : memref<100000x128xf32, #tpu.memory_space<hbm>> -> memref<100000x128xf32, #tpu.memory_space<hbm>>
      tpu.wait_indirect_dma semaphore(%arg9 : memref<!tpu.dma_semaphore, #tpu.memory_space<semaphore_mem>>) src(%dma_wait3A_631 : memref<100000x128xf32, #tpu.memory_space<hbm>>) dst(%dma_wait3A_625 : memref<128x128xf32, #tpu.memory_space<vmem>>)
      %scan3A_632 = arith.constant 0 : i32
      %scan3A_633 = arith.constant 0 : i32
      %scan3A_634 = arith.constant 128 : i32
      %scan3A_635 = arith.addi %scan3A_633, %scan3A_634 : i32
      %scan3A_636 = arith.constant 1 : i32
      scf.for %scan3A_656 = %scan3A_633 to %scan3A_635 step %scan3A_636  : i32 {
        %get3A = arith.constant 2 : i32
        %get3A_657 = arith.index_cast %get3A : i32 to index
        %get3A_658 = arith.index_cast %scan3A_656 : i32 to index
        %get3A_659 = arith.constant 0 : index
        %get3A_660 = tpu.vector_load %arg6[%get3A_657, %get3A_658, %get3A_659] {strides = array<i32>} : memref<5x128x128xf32, #tpu.memory_space<vmem>>, vector<1x1x16xf32>,
        %get3A_661 = vector.shape_cast %get3A_660 : vector<1x1x16xf32> to vector<16xf32>
        %max3A = arith.constant 0.000000e+00 : f32
        %max3A_662 = vector.broadcast %max3A : f32 to vector<16xf32>
        %max3A_663 = arith.maximumf %get3A_661, %max3A_662 : vector<16xf32>
        %mul3A_664 = arith.constant 11.3137083 : f32
        %mul3A_665 = vector.broadcast %mul3A_664 : f32 to vector<16xf32>
        %mul3A_666 = arith.mulf %max3A_663, %mul3A_665 : vector<16xf32>
        %swap3A = arith.constant 2 : i32
        %swap3A_667 = arith.index_cast %swap3A : i32 to index
        %swap3A_668 = arith.index_cast %scan3A_656 : i32 to index
        %swap3A_669 = arith.constant 0 : index
        %swap3A_670 = tpu.vector_load %arg6[%swap3A_667, %swap3A_668, %swap3A_669] {strides = array<i32>} : memref<5x128x128xf32, #tpu.memory_space<vmem>>, vector<1x1x16xf32>,
        %swap3A_671 = vector.shape_cast %swap3A_670 : vector<1x1x16xf32> to vector<16xf32>
        %swap3A_672 = vector.shape_cast %mul3A_666 : vector<16xf32> to vector<1x1x16xf32>
        tpu.vector_store %arg6[%swap3A_667, %swap3A_668, %swap3A_669], %swap3A_672 {strides = array<i32>} : memref<5x128x128xf32, #tpu.memory_space<vmem>>, vector<1x1x16xf32>,
        %get3A_673 = arith.constant 2 : i32
        %get3A_674 = arith.index_cast %get3A_673 : i32 to index
        %get3A_675 = arith.index_cast %scan3A_656 : i32 to index
        %get3A_676 = arith.constant 16 : index
        %get3A_677 = tpu.vector_load %arg6[%get3A_674, %get3A_675, %get3A_676] {strides = array<i32>} : memref<5x128x128xf32, #tpu.memory_space<vmem>>, vector<1x1x16xf32>,
        %get3A_678 = vector.shape_cast %get3A_677 : vector<1x1x16xf32> to vector<16xf32>
        %max3A_679 = arith.constant 0.000000e+00 : f32
        %max3A_680 = vector.broadcast %max3A_679 : f32 to vector<16xf32>
        %max3A_681 = arith.maximumf %get3A_678, %max3A_680 : vector<16xf32>
        %mul3A_682 = arith.constant 11.3137083 : f32
        %mul3A_683 = vector.broadcast %mul3A_682 : f32 to vector<16xf32>
        %mul3A_684 = arith.mulf %max3A_681, %mul3A_683 : vector<16xf32>
        %swap3A_685 = arith.constant 2 : i32
        %swap3A_686 = arith.index_cast %swap3A_685 : i32 to index
        %swap3A_687 = arith.index_cast %scan3A_656 : i32 to index
        %swap3A_688 = arith.constant 16 : index
        %swap3A_689 = tpu.vector_load %arg6[%swap3A_686, %swap3A_687, %swap3A_688] {strides = array<i32>} : memref<5x128x128xf32, #tpu.memory_space<vmem>>, vector<1x1x16xf32>,
        %swap3A_690 = vector.shape_cast %swap3A_689 : vector<1x1x16xf32> to vector<16xf32>
        %swap3A_691 = vector.shape_cast %mul3A_684 : vector<16xf32> to vector<1x1x16xf32>
        tpu.vector_store %arg6[%swap3A_686, %swap3A_687, %swap3A_688], %swap3A_691 {strides = array<i32>} : memref<5x128x128xf32, #tpu.memory_space<vmem>>, vector<1x1x16xf32>,
        %get3A_692 = arith.constant 2 : i32
        %get3A_693 = arith.index_cast %get3A_692 : i32 to index
        %get3A_694 = arith.index_cast %scan3A_656 : i32 to index
        %get3A_695 = arith.constant 32 : index
        %get3A_696 = tpu.vector_load %arg6[%get3A_693, %get3A_694, %get3A_695] {strides = array<i32>} : memref<5x128x128xf32, #tpu.memory_space<vmem>>, vector<1x1x16xf32>,
        %get3A_697 = vector.shape_cast %get3A_696 : vector<1x1x16xf32> to vector<16xf32>
        %max3A_698 = arith.constant 0.000000e+00 : f32
        %max3A_699 = vector.broadcast %max3A_698 : f32 to vector<16xf32>
        %max3A_700 = arith.maximumf %get3A_697, %max3A_699 : vector<16xf32>
        %mul3A_701 = arith.constant 11.3137083 : f32
        %mul3A_702 = vector.broadcast %mul3A_701 : f32 to vector<16xf32>
        %mul3A_703 = arith.mulf %max3A_700, %mul3A_702 : vector<16xf32>
        %swap3A_704 = arith.constant 2 : i32
        %swap3A_705 = arith.index_cast %swap3A_704 : i32 to index
        %swap3A_706 = arith.index_cast %scan3A_656 : i32 to index
        %swap3A_707 = arith.constant 32 : index
        %swap3A_708 = tpu.vector_load %arg6[%swap3A_705, %swap3A_706, %swap3A_707] {strides = array<i32>} : memref<5x128x128xf32, #tpu.memory_space<vmem>>, vector<1x1x16xf32>,
        %swap3A_709 = vector.shape_cast %swap3A_708 : vector<1x1x16xf32> to vector<16xf32>
        %swap3A_710 = vector.shape_cast %mul3A_703 : vector<16xf32> to vector<1x1x16xf32>
        tpu.vector_store %arg6[%swap3A_705, %swap3A_706, %swap3A_707], %swap3A_710 {strides = array<i32>} : memref<5x128x128xf32, #tpu.memory_space<vmem>>, vector<1x1x16xf32>,
        %get3A_711 = arith.constant 2 : i32
        %get3A_712 = arith.index_cast %get3A_711 : i32 to index
        %get3A_713 = arith.index_cast %scan3A_656 : i32 to index
        %get3A_714 = arith.constant 48 : index
        %get3A_715 = tpu.vector_load %arg6[%get3A_712, %get3A_713, %get3A_714] {strides = array<i32>} : memref<5x128x128xf32, #tpu.memory_space<vmem>>, vector<1x1x16xf32>,
        %get3A_716 = vector.shape_cast %get3A_715 : vector<1x1x16xf32> to vector<16xf32>
        %max3A_717 = arith.constant 0.000000e+00 : f32
        %max3A_718 = vector.broadcast %max3A_717 : f32 to vector<16xf32>
        %max3A_719 = arith.maximumf %get3A_716, %max3A_718 : vector<16xf32>
        %mul3A_720 = arith.constant 11.3137083 : f32
        %mul3A_721 = vector.broadcast %mul3A_720 : f32 to vector<16xf32>
        %mul3A_722 = arith.mulf %max3A_719, %mul3A_721 : vector<16xf32>
        %swap3A_723 = arith.constant 2 : i32
        %swap3A_724 = arith.index_cast %swap3A_723 : i32 to index
        %swap3A_725 = arith.index_cast %scan3A_656 : i32 to index
        %swap3A_726 = arith.constant 48 : index
        %swap3A_727 = tpu.vector_load %arg6[%swap3A_724, %swap3A_725, %swap3A_726] {strides = array<i32>} : memref<5x128x128xf32, #tpu.memory_space<vmem>>, vector<1x1x16xf32>,
        %swap3A_728 = vector.shape_cast %swap3A_727 : vector<1x1x16xf32> to vector<16xf32>
        %swap3A_729 = vector.shape_cast %mul3A_722 : vector<16xf32> to vector<1x1x16xf32>
        tpu.vector_store %arg6[%swap3A_724, %swap3A_725, %swap3A_726], %swap3A_729 {strides = array<i32>} : memref<5x128x128xf32, #tpu.memory_space<vmem>>, vector<1x1x16xf32>,
        %get3A_730 = arith.constant 2 : i32
        %get3A_731 = arith.index_cast %get3A_730 : i32 to index
        %get3A_732 = arith.index_cast %scan3A_656 : i32 to index
        %get3A_733 = arith.constant 64 : index
        %get3A_734 = tpu.vector_load %arg6[%get3A_731, %get3A_732, %get3A_733] {strides = array<i32>} : memref<5x128x128xf32, #tpu.memory_space<vmem>>, vector<1x1x16xf32>,
        %get3A_735 = vector.shape_cast %get3A_734 : vector<1x1x16xf32> to vector<16xf32>
        %max3A_736 = arith.constant 0.000000e+00 : f32
        %max3A_737 = vector.broadcast %max3A_736 : f32 to vector<16xf32>
        %max3A_738 = arith.maximumf %get3A_735, %max3A_737 : vector<16xf32>
        %mul3A_739 = arith.constant 11.3137083 : f32
        %mul3A_740 = vector.broadcast %mul3A_739 : f32 to vector<16xf32>
        %mul3A_741 = arith.mulf %max3A_738, %mul3A_740 : vector<16xf32>
        %swap3A_742 = arith.constant 2 : i32
        %swap3A_743 = arith.index_cast %swap3A_742 : i32 to index
        %swap3A_744 = arith.index_cast %scan3A_656 : i32 to index
        %swap3A_745 = arith.constant 64 : index
        %swap3A_746 = tpu.vector_load %arg6[%swap3A_743, %swap3A_744, %swap3A_745] {strides = array<i32>} : memref<5x128x128xf32, #tpu.memory_space<vmem>>, vector<1x1x16xf32>,
        %swap3A_747 = vector.shape_cast %swap3A_746 : vector<1x1x16xf32> to vector<16xf32>
        %swap3A_748 = vector.shape_cast %mul3A_741 : vector<16xf32> to vector<1x1x16xf32>
        tpu.vector_store %arg6[%swap3A_743, %swap3A_744, %swap3A_745], %swap3A_748 {strides = array<i32>} : memref<5x128x128xf32, #tpu.memory_space<vmem>>, vector<1x1x16xf32>,
        %get3A_749 = arith.constant 2 : i32
        %get3A_750 = arith.index_cast %get3A_749 : i32 to index
        %get3A_751 = arith.index_cast %scan3A_656 : i32 to index
        %get3A_752 = arith.constant 80 : index
        %get3A_753 = tpu.vector_load %arg6[%get3A_750, %get3A_751, %get3A_752] {strides = array<i32>} : memref<5x128x128xf32, #tpu.memory_space<vmem>>, vector<1x1x16xf32>,
        %get3A_754 = vector.shape_cast %get3A_753 : vector<1x1x16xf32> to vector<16xf32>
        %max3A_755 = arith.constant 0.000000e+00 : f32
        %max3A_756 = vector.broadcast %max3A_755 : f32 to vector<16xf32>
        %max3A_757 = arith.maximumf %get3A_754, %max3A_756 : vector<16xf32>
        %mul3A_758 = arith.constant 11.3137083 : f32
        %mul3A_759 = vector.broadcast %mul3A_758 : f32 to vector<16xf32>
        %mul3A_760 = arith.mulf %max3A_757, %mul3A_759 : vector<16xf32>
        %swap3A_761 = arith.constant 2 : i32
        %swap3A_762 = arith.index_cast %swap3A_761 : i32 to index
        %swap3A_763 = arith.index_cast %scan3A_656 : i32 to index
        %swap3A_764 = arith.constant 80 : index
        %swap3A_765 = tpu.vector_load %arg6[%swap3A_762, %swap3A_763, %swap3A_764] {strides = array<i32>} : memref<5x128x128xf32, #tpu.memory_space<vmem>>, vector<1x1x16xf32>,
        %swap3A_766 = vector.shape_cast %swap3A_765 : vector<1x1x16xf32> to vector<16xf32>
        %swap3A_767 = vector.shape_cast %mul3A_760 : vector<16xf32> to vector<1x1x16xf32>
        tpu.vector_store %arg6[%swap3A_762, %swap3A_763, %swap3A_764], %swap3A_767 {strides = array<i32>} : memref<5x128x128xf32, #tpu.memory_space<vmem>>, vector<1x1x16xf32>,
        %get3A_768 = arith.constant 2 : i32
        %get3A_769 = arith.index_cast %get3A_768 : i32 to index
        %get3A_770 = arith.index_cast %scan3A_656 : i32 to index
        %get3A_771 = arith.constant 96 : index
        %get3A_772 = tpu.vector_load %arg6[%get3A_769, %get3A_770, %get3A_771] {strides = array<i32>} : memref<5x128x128xf32, #tpu.memory_space<vmem>>, vector<1x1x16xf32>,
        %get3A_773 = vector.shape_cast %get3A_772 : vector<1x1x16xf32> to vector<16xf32>
        %max3A_774 = arith.constant 0.000000e+00 : f32
        %max3A_775 = vector.broadcast %max3A_774 : f32 to vector<16xf32>
        %max3A_776 = arith.maximumf %get3A_773, %max3A_775 : vector<16xf32>
        %mul3A_777 = arith.constant 11.3137083 : f32
        %mul3A_778 = vector.broadcast %mul3A_777 : f32 to vector<16xf32>
        %mul3A_779 = arith.mulf %max3A_776, %mul3A_778 : vector<16xf32>
        %swap3A_780 = arith.constant 2 : i32
        %swap3A_781 = arith.index_cast %swap3A_780 : i32 to index
        %swap3A_782 = arith.index_cast %scan3A_656 : i32 to index
        %swap3A_783 = arith.constant 96 : index
        %swap3A_784 = tpu.vector_load %arg6[%swap3A_781, %swap3A_782, %swap3A_783] {strides = array<i32>} : memref<5x128x128xf32, #tpu.memory_space<vmem>>, vector<1x1x16xf32>,
        %swap3A_785 = vector.shape_cast %swap3A_784 : vector<1x1x16xf32> to vector<16xf32>
        %swap3A_786 = vector.shape_cast %mul3A_779 : vector<16xf32> to vector<1x1x16xf32>
        tpu.vector_store %arg6[%swap3A_781, %swap3A_782, %swap3A_783], %swap3A_786 {strides = array<i32>} : memref<5x128x128xf32, #tpu.memory_space<vmem>>, vector<1x1x16xf32>,
        %get3A_787 = arith.constant 2 : i32
        %get3A_788 = arith.index_cast %get3A_787 : i32 to index
        %get3A_789 = arith.index_cast %scan3A_656 : i32 to index
        %get3A_790 = arith.constant 112 : index
        %get3A_791 = tpu.vector_load %arg6[%get3A_788, %get3A_789, %get3A_790] {strides = array<i32>} : memref<5x128x128xf32, #tpu.memory_space<vmem>>, vector<1x1x16xf32>,
        %get3A_792 = vector.shape_cast %get3A_791 : vector<1x1x16xf32> to vector<16xf32>
        %max3A_793 = arith.constant 0.000000e+00 : f32
        %max3A_794 = vector.broadcast %max3A_793 : f32 to vector<16xf32>
        %max3A_795 = arith.maximumf %get3A_792, %max3A_794 : vector<16xf32>
        %mul3A_796 = arith.constant 11.3137083 : f32
        %mul3A_797 = vector.broadcast %mul3A_796 : f32 to vector<16xf32>
        %mul3A_798 = arith.mulf %max3A_795, %mul3A_797 : vector<16xf32>
        %swap3A_799 = arith.constant 2 : i32
        %swap3A_800 = arith.index_cast %swap3A_799 : i32 to index
        %swap3A_801 = arith.index_cast %scan3A_656 : i32 to index
        %swap3A_802 = arith.constant 112 : index
        %swap3A_803 = tpu.vector_load %arg6[%swap3A_800, %swap3A_801, %swap3A_802] {strides = array<i32>} : memref<5x128x128xf32, #tpu.memory_space<vmem>>, vector<1x1x16xf32>,
        %swap3A_804 = vector.shape_cast %swap3A_803 : vector<1x1x16xf32> to vector<16xf32>
        %swap3A_805 = vector.shape_cast %mul3A_798 : vector<16xf32> to vector<1x1x16xf32>
        tpu.vector_store %arg6[%swap3A_800, %swap3A_801, %swap3A_802], %swap3A_805 {strides = array<i32>} : memref<5x128x128xf32, #tpu.memory_space<vmem>>, vector<1x1x16xf32>,
      }
      %scan3A_637 = arith.constant 128 : i32
      %sub3A_638 = arith.constant 2 : i32
      %sub3A_639 = arith.subi %add3A_593, %sub3A_638 : i32
      %add3A_640 = arith.addi %mul3A_2, %sub3A_639 : i32
      %mul3A_641 = arith.constant 128 : i32
      %mul3A_642 = arith.muli %add3A_640, %mul3A_641 : i32
      %dma_start3A_643 = arith.constant 2 : i32
      %dma_start3A_644 = arith.constant 0 : i32
      %dma_start3A_645 = arith.constant 0 : i32
      %dma_start3A_646 = tpu.memref_slice %arg6[%dma_start3A_643, %dma_start3A_644, %dma_start3A_645] : memref<5x128x128xf32, #tpu.memory_space<vmem>> -> memref<1x128x128xf32, #tpu.memory_space<vmem>>
      %dma_start3A_647 = tpu.memref_squeeze %dma_start3A_646 : memref<1x128x128xf32, #tpu.memory_space<vmem>> -> memref<128x128xf32, #tpu.memory_space<vmem>>
      %dma_start3A_648 = arith.constant 0 : i32
      %dma_start3A_649 = tpu.memref_slice %arg4[%mul3A_642, %dma_start3A_648] : memref<819200x128xf32, #tpu.memory_space<hbm>> -> memref<128x128xf32, #tpu.memory_space<hbm>>
      %dma_start3A_650 = arith.constant 0 : i32
      %dma_start3A_651 = tpu.memref_slice %arg4[%mul3A_642, %dma_start3A_650] : memref<819200x128xf32, #tpu.memory_space<hbm>> -> memref<128x128xf32, #tpu.memory_space<hbm>>
      %dma_start3A_652 = arith.constant 0 : i32
      %dma_start3A_653 = arith.constant 0 : i32
      %dma_start3A_654 = tpu.memref_slice %arg6[%dma_start3A_643, %dma_start3A_652, %dma_start3A_653] : memref<5x128x128xf32, #tpu.memory_space<vmem>> -> memref<1x128x128xf32, #tpu.memory_space<vmem>>
      %dma_start3A_655 = tpu.memref_squeeze %dma_start3A_654 : memref<1x128x128xf32, #tpu.memory_space<vmem>> -> memref<128x128xf32, #tpu.memory_space<vmem>>
      tpu.enqueue_dma source(%dma_start3A_655 : memref<128x128xf32, #tpu.memory_space<vmem>>) target(%dma_start3A_651 : memref<128x128xf32, #tpu.memory_space<hbm>>) target_semaphore(%arg14 : memref<!tpu.dma_semaphore, #tpu.memory_space<semaphore_mem>>)
    }
    %scan3A_170 = arith.constant 39 : i32
    %dma_wait3A_171 = arith.constant 0 : i32
    %dma_wait3A_172 = arith.constant 3 : i32
    %dma_wait3A_173 = arith.constant 0 : i32
    %dma_wait3A_174 = arith.constant 0 : i32
    %dma_wait3A_175 = tpu.memref_slice %arg6[%dma_wait3A_172, %dma_wait3A_173, %dma_wait3A_174] : memref<5x128x128xf32, #tpu.memory_space<vmem>> -> memref<1x128x128xf32, #tpu.memory_space<vmem>>
    %dma_wait3A_176 = tpu.memref_squeeze %dma_wait3A_175 : memref<1x128x128xf32, #tpu.memory_space<vmem>> -> memref<128x128xf32, #tpu.memory_space<vmem>>
    %dma_wait3A_177 = arith.constant 0 : i32
    %dma_wait3A_178 = tpu.memref_slice %arg5[%dma_wait3A_171, %dma_wait3A_177] : memref<200x128xi32, #tpu.memory_space<vmem>> -> memref<1x128xi32, #tpu.memory_space<vmem>>
    %dma_wait3A_179 = tpu.memref_squeeze %dma_wait3A_178 : memref<1x128xi32, #tpu.memory_space<vmem>> -> memref<128xi32, #tpu.memory_space<vmem>>
    %dma_wait3A_180 = arith.constant 0 : i32
    %dma_wait3A_181 = arith.constant 0 : i32
    %dma_wait3A_182 = tpu.memref_slice %arg2[%dma_wait3A_180, %dma_wait3A_181] : memref<100000x128xf32, #tpu.memory_space<hbm>> -> memref<100000x128xf32, #tpu.memory_space<hbm>>
    tpu.wait_indirect_dma semaphore(%arg10 : memref<!tpu.dma_semaphore, #tpu.memory_space<semaphore_mem>>) src(%dma_wait3A_182 : memref<100000x128xf32, #tpu.memory_space<hbm>>) dst(%dma_wait3A_176 : memref<128x128xf32, #tpu.memory_space<vmem>>)
    %scan3A_183 = arith.constant 0 : i32
    %scan3A_184 = arith.constant 0 : i32
    %scan3A_185 = arith.constant 128 : i32
    %scan3A_186 = arith.addi %scan3A_184, %scan3A_185 : i32
    %scan3A_187 = arith.constant 1 : i32
    scf.for %scan3A_316 = %scan3A_184 to %scan3A_186 step %scan3A_187  : i32 {
      %get3A = arith.constant 3 : i32
      %get3A_317 = arith.index_cast %get3A : i32 to index
      %get3A_318 = arith.index_cast %scan3A_316 : i32 to index
      %get3A_319 = arith.constant 0 : index
      %get3A_320 = tpu.vector_load %arg6[%get3A_317, %get3A_318, %get3A_319] {strides = array<i32>} : memref<5x128x128xf32, #tpu.memory_space<vmem>>, vector<1x1x16xf32>,
      %get3A_321 = vector.shape_cast %get3A_320 : vector<1x1x16xf32> to vector<16xf32>
      %max3A = arith.constant 0.000000e+00 : f32
      %max3A_322 = vector.broadcast %max3A : f32 to vector<16xf32>
      %max3A_323 = arith.maximumf %get3A_321, %max3A_322 : vector<16xf32>
      %mul3A_324 = arith.constant 11.3137083 : f32
      %mul3A_325 = vector.broadcast %mul3A_324 : f32 to vector<16xf32>
      %mul3A_326 = arith.mulf %max3A_323, %mul3A_325 : vector<16xf32>
      %swap3A = arith.constant 3 : i32
      %swap3A_327 = arith.index_cast %swap3A : i32 to index
      %swap3A_328 = arith.index_cast %scan3A_316 : i32 to index
      %swap3A_329 = arith.constant 0 : index
      %swap3A_330 = tpu.vector_load %arg6[%swap3A_327, %swap3A_328, %swap3A_329] {strides = array<i32>} : memref<5x128x128xf32, #tpu.memory_space<vmem>>, vector<1x1x16xf32>,
      %swap3A_331 = vector.shape_cast %swap3A_330 : vector<1x1x16xf32> to vector<16xf32>
      %swap3A_332 = vector.shape_cast %mul3A_326 : vector<16xf32> to vector<1x1x16xf32>
      tpu.vector_store %arg6[%swap3A_327, %swap3A_328, %swap3A_329], %swap3A_332 {strides = array<i32>} : memref<5x128x128xf32, #tpu.memory_space<vmem>>, vector<1x1x16xf32>,
      %get3A_333 = arith.constant 3 : i32
      %get3A_334 = arith.index_cast %get3A_333 : i32 to index
      %get3A_335 = arith.index_cast %scan3A_316 : i32 to index
      %get3A_336 = arith.constant 16 : index
      %get3A_337 = tpu.vector_load %arg6[%get3A_334, %get3A_335, %get3A_336] {strides = array<i32>} : memref<5x128x128xf32, #tpu.memory_space<vmem>>, vector<1x1x16xf32>,
      %get3A_338 = vector.shape_cast %get3A_337 : vector<1x1x16xf32> to vector<16xf32>
      %max3A_339 = arith.constant 0.000000e+00 : f32
      %max3A_340 = vector.broadcast %max3A_339 : f32 to vector<16xf32>
      %max3A_341 = arith.maximumf %get3A_338, %max3A_340 : vector<16xf32>
      %mul3A_342 = arith.constant 11.3137083 : f32
      %mul3A_343 = vector.broadcast %mul3A_342 : f32 to vector<16xf32>
      %mul3A_344 = arith.mulf %max3A_341, %mul3A_343 : vector<16xf32>
      %swap3A_345 = arith.constant 3 : i32
      %swap3A_346 = arith.index_cast %swap3A_345 : i32 to index
      %swap3A_347 = arith.index_cast %scan3A_316 : i32 to index
      %swap3A_348 = arith.constant 16 : index
      %swap3A_349 = tpu.vector_load %arg6[%swap3A_346, %swap3A_347, %swap3A_348] {strides = array<i32>} : memref<5x128x128xf32, #tpu.memory_space<vmem>>, vector<1x1x16xf32>,
      %swap3A_350 = vector.shape_cast %swap3A_349 : vector<1x1x16xf32> to vector<16xf32>
      %swap3A_351 = vector.shape_cast %mul3A_344 : vector<16xf32> to vector<1x1x16xf32>
      tpu.vector_store %arg6[%swap3A_346, %swap3A_347, %swap3A_348], %swap3A_351 {strides = array<i32>} : memref<5x128x128xf32, #tpu.memory_space<vmem>>, vector<1x1x16xf32>,
      %get3A_352 = arith.constant 3 : i32
      %get3A_353 = arith.index_cast %get3A_352 : i32 to index
      %get3A_354 = arith.index_cast %scan3A_316 : i32 to index
      %get3A_355 = arith.constant 32 : index
      %get3A_356 = tpu.vector_load %arg6[%get3A_353, %get3A_354, %get3A_355] {strides = array<i32>} : memref<5x128x128xf32, #tpu.memory_space<vmem>>, vector<1x1x16xf32>,
      %get3A_357 = vector.shape_cast %get3A_356 : vector<1x1x16xf32> to vector<16xf32>
      %max3A_358 = arith.constant 0.000000e+00 : f32
      %max3A_359 = vector.broadcast %max3A_358 : f32 to vector<16xf32>
      %max3A_360 = arith.maximumf %get3A_357, %max3A_359 : vector<16xf32>
      %mul3A_361 = arith.constant 11.3137083 : f32
      %mul3A_362 = vector.broadcast %mul3A_361 : f32 to vector<16xf32>
      %mul3A_363 = arith.mulf %max3A_360, %mul3A_362 : vector<16xf32>
      %swap3A_364 = arith.constant 3 : i32
      %swap3A_365 = arith.index_cast %swap3A_364 : i32 to index
      %swap3A_366 = arith.index_cast %scan3A_316 : i32 to index
      %swap3A_367 = arith.constant 32 : index
      %swap3A_368 = tpu.vector_load %arg6[%swap3A_365, %swap3A_366, %swap3A_367] {strides = array<i32>} : memref<5x128x128xf32, #tpu.memory_space<vmem>>, vector<1x1x16xf32>,
      %swap3A_369 = vector.shape_cast %swap3A_368 : vector<1x1x16xf32> to vector<16xf32>
      %swap3A_370 = vector.shape_cast %mul3A_363 : vector<16xf32> to vector<1x1x16xf32>
      tpu.vector_store %arg6[%swap3A_365, %swap3A_366, %swap3A_367], %swap3A_370 {strides = array<i32>} : memref<5x128x128xf32, #tpu.memory_space<vmem>>, vector<1x1x16xf32>,
      %get3A_371 = arith.constant 3 : i32
      %get3A_372 = arith.index_cast %get3A_371 : i32 to index
      %get3A_373 = arith.index_cast %scan3A_316 : i32 to index
      %get3A_374 = arith.constant 48 : index
      %get3A_375 = tpu.vector_load %arg6[%get3A_372, %get3A_373, %get3A_374] {strides = array<i32>} : memref<5x128x128xf32, #tpu.memory_space<vmem>>, vector<1x1x16xf32>,
      %get3A_376 = vector.shape_cast %get3A_375 : vector<1x1x16xf32> to vector<16xf32>
      %max3A_377 = arith.constant 0.000000e+00 : f32
      %max3A_378 = vector.broadcast %max3A_377 : f32 to vector<16xf32>
      %max3A_379 = arith.maximumf %get3A_376, %max3A_378 : vector<16xf32>
      %mul3A_380 = arith.constant 11.3137083 : f32
      %mul3A_381 = vector.broadcast %mul3A_380 : f32 to vector<16xf32>
      %mul3A_382 = arith.mulf %max3A_379, %mul3A_381 : vector<16xf32>
      %swap3A_383 = arith.constant 3 : i32
      %swap3A_384 = arith.index_cast %swap3A_383 : i32 to index
      %swap3A_385 = arith.index_cast %scan3A_316 : i32 to index
      %swap3A_386 = arith.constant 48 : index
      %swap3A_387 = tpu.vector_load %arg6[%swap3A_384, %swap3A_385, %swap3A_386] {strides = array<i32>} : memref<5x128x128xf32, #tpu.memory_space<vmem>>, vector<1x1x16xf32>,
      %swap3A_388 = vector.shape_cast %swap3A_387 : vector<1x1x16xf32> to vector<16xf32>
      %swap3A_389 = vector.shape_cast %mul3A_382 : vector<16xf32> to vector<1x1x16xf32>
      tpu.vector_store %arg6[%swap3A_384, %swap3A_385, %swap3A_386], %swap3A_389 {strides = array<i32>} : memref<5x128x128xf32, #tpu.memory_space<vmem>>, vector<1x1x16xf32>,
      %get3A_390 = arith.constant 3 : i32
      %get3A_391 = arith.index_cast %get3A_390 : i32 to index
      %get3A_392 = arith.index_cast %scan3A_316 : i32 to index
      %get3A_393 = arith.constant 64 : index
      %get3A_394 = tpu.vector_load %arg6[%get3A_391, %get3A_392, %get3A_393] {strides = array<i32>} : memref<5x128x128xf32, #tpu.memory_space<vmem>>, vector<1x1x16xf32>,
      %get3A_395 = vector.shape_cast %get3A_394 : vector<1x1x16xf32> to vector<16xf32>
      %max3A_396 = arith.constant 0.000000e+00 : f32
      %max3A_397 = vector.broadcast %max3A_396 : f32 to vector<16xf32>
      %max3A_398 = arith.maximumf %get3A_395, %max3A_397 : vector<16xf32>
      %mul3A_399 = arith.constant 11.3137083 : f32
      %mul3A_400 = vector.broadcast %mul3A_399 : f32 to vector<16xf32>
      %mul3A_401 = arith.mulf %max3A_398, %mul3A_400 : vector<16xf32>
      %swap3A_402 = arith.constant 3 : i32
      %swap3A_403 = arith.index_cast %swap3A_402 : i32 to index
      %swap3A_404 = arith.index_cast %scan3A_316 : i32 to index
      %swap3A_405 = arith.constant 64 : index
      %swap3A_406 = tpu.vector_load %arg6[%swap3A_403, %swap3A_404, %swap3A_405] {strides = array<i32>} : memref<5x128x128xf32, #tpu.memory_space<vmem>>, vector<1x1x16xf32>,
      %swap3A_407 = vector.shape_cast %swap3A_406 : vector<1x1x16xf32> to vector<16xf32>
      %swap3A_408 = vector.shape_cast %mul3A_401 : vector<16xf32> to vector<1x1x16xf32>
      tpu.vector_store %arg6[%swap3A_403, %swap3A_404, %swap3A_405], %swap3A_408 {strides = array<i32>} : memref<5x128x128xf32, #tpu.memory_space<vmem>>, vector<1x1x16xf32>,
      %get3A_409 = arith.constant 3 : i32
      %get3A_410 = arith.index_cast %get3A_409 : i32 to index
      %get3A_411 = arith.index_cast %scan3A_316 : i32 to index
      %get3A_412 = arith.constant 80 : index
      %get3A_413 = tpu.vector_load %arg6[%get3A_410, %get3A_411, %get3A_412] {strides = array<i32>} : memref<5x128x128xf32, #tpu.memory_space<vmem>>, vector<1x1x16xf32>,
      %get3A_414 = vector.shape_cast %get3A_413 : vector<1x1x16xf32> to vector<16xf32>
      %max3A_415 = arith.constant 0.000000e+00 : f32
      %max3A_416 = vector.broadcast %max3A_415 : f32 to vector<16xf32>
      %max3A_417 = arith.maximumf %get3A_414, %max3A_416 : vector<16xf32>
      %mul3A_418 = arith.constant 11.3137083 : f32
      %mul3A_419 = vector.broadcast %mul3A_418 : f32 to vector<16xf32>
      %mul3A_420 = arith.mulf %max3A_417, %mul3A_419 : vector<16xf32>
      %swap3A_421 = arith.constant 3 : i32
      %swap3A_422 = arith.index_cast %swap3A_421 : i32 to index
      %swap3A_423 = arith.index_cast %scan3A_316 : i32 to index
      %swap3A_424 = arith.constant 80 : index
      %swap3A_425 = tpu.vector_load %arg6[%swap3A_422, %swap3A_423, %swap3A_424] {strides = array<i32>} : memref<5x128x128xf32, #tpu.memory_space<vmem>>, vector<1x1x16xf32>,
      %swap3A_426 = vector.shape_cast %swap3A_425 : vector<1x1x16xf32> to vector<16xf32>
      %swap3A_427 = vector.shape_cast %mul3A_420 : vector<16xf32> to vector<1x1x16xf32>
      tpu.vector_store %arg6[%swap3A_422, %swap3A_423, %swap3A_424], %swap3A_427 {strides = array<i32>} : memref<5x128x128xf32, #tpu.memory_space<vmem>>, vector<1x1x16xf32>,
      %get3A_428 = arith.constant 3 : i32
      %get3A_429 = arith.index_cast %get3A_428 : i32 to index
      %get3A_430 = arith.index_cast %scan3A_316 : i32 to index
      %get3A_431 = arith.constant 96 : index
      %get3A_432 = tpu.vector_load %arg6[%get3A_429, %get3A_430, %get3A_431] {strides = array<i32>} : memref<5x128x128xf32, #tpu.memory_space<vmem>>, vector<1x1x16xf32>,
      %get3A_433 = vector.shape_cast %get3A_432 : vector<1x1x16xf32> to vector<16xf32>
      %max3A_434 = arith.constant 0.000000e+00 : f32
      %max3A_435 = vector.broadcast %max3A_434 : f32 to vector<16xf32>
      %max3A_436 = arith.maximumf %get3A_433, %max3A_435 : vector<16xf32>
      %mul3A_437 = arith.constant 11.3137083 : f32
      %mul3A_438 = vector.broadcast %mul3A_437 : f32 to vector<16xf32>
      %mul3A_439 = arith.mulf %max3A_436, %mul3A_438 : vector<16xf32>
      %swap3A_440 = arith.constant 3 : i32
      %swap3A_441 = arith.index_cast %swap3A_440 : i32 to index
      %swap3A_442 = arith.index_cast %scan3A_316 : i32 to index
      %swap3A_443 = arith.constant 96 : index
      %swap3A_444 = tpu.vector_load %arg6[%swap3A_441, %swap3A_442, %swap3A_443] {strides = array<i32>} : memref<5x128x128xf32, #tpu.memory_space<vmem>>, vector<1x1x16xf32>,
      %swap3A_445 = vector.shape_cast %swap3A_444 : vector<1x1x16xf32> to vector<16xf32>
      %swap3A_446 = vector.shape_cast %mul3A_439 : vector<16xf32> to vector<1x1x16xf32>
      tpu.vector_store %arg6[%swap3A_441, %swap3A_442, %swap3A_443], %swap3A_446 {strides = array<i32>} : memref<5x128x128xf32, #tpu.memory_space<vmem>>, vector<1x1x16xf32>,
      %get3A_447 = arith.constant 3 : i32
      %get3A_448 = arith.index_cast %get3A_447 : i32 to index
      %get3A_449 = arith.index_cast %scan3A_316 : i32 to index
      %get3A_450 = arith.constant 112 : index
      %get3A_451 = tpu.vector_load %arg6[%get3A_448, %get3A_449, %get3A_450] {strides = array<i32>} : memref<5x128x128xf32, #tpu.memory_space<vmem>>, vector<1x1x16xf32>,
      %get3A_452 = vector.shape_cast %get3A_451 : vector<1x1x16xf32> to vector<16xf32>
      %max3A_453 = arith.constant 0.000000e+00 : f32
      %max3A_454 = vector.broadcast %max3A_453 : f32 to vector<16xf32>
      %max3A_455 = arith.maximumf %get3A_452, %max3A_454 : vector<16xf32>
      %mul3A_456 = arith.constant 11.3137083 : f32
      %mul3A_457 = vector.broadcast %mul3A_456 : f32 to vector<16xf32>
      %mul3A_458 = arith.mulf %max3A_455, %mul3A_457 : vector<16xf32>
      %swap3A_459 = arith.constant 3 : i32
      %swap3A_460 = arith.index_cast %swap3A_459 : i32 to index
      %swap3A_461 = arith.index_cast %scan3A_316 : i32 to index
      %swap3A_462 = arith.constant 112 : index
      %swap3A_463 = tpu.vector_load %arg6[%swap3A_460, %swap3A_461, %swap3A_462] {strides = array<i32>} : memref<5x128x128xf32, #tpu.memory_space<vmem>>, vector<1x1x16xf32>,
      %swap3A_464 = vector.shape_cast %swap3A_463 : vector<1x1x16xf32> to vector<16xf32>
      %swap3A_465 = vector.shape_cast %mul3A_458 : vector<16xf32> to vector<1x1x16xf32>
      tpu.vector_store %arg6[%swap3A_460, %swap3A_461, %swap3A_462], %swap3A_465 {strides = array<i32>} : memref<5x128x128xf32, #tpu.memory_space<vmem>>, vector<1x1x16xf32>,
    }
    %scan3A_188 = arith.constant 128 : i32
    %add3A_189 = arith.constant 198 : i32
    %add3A_190 = arith.addi %mul3A_2, %add3A_189 : i32
    %mul3A_191 = arith.constant 128 : i32
    %mul3A_192 = arith.muli %add3A_190, %mul3A_191 : i32
    %dma_start3A_193 = arith.constant 3 : i32
    %dma_start3A_194 = arith.constant 0 : i32
    %dma_start3A_195 = arith.constant 0 : i32
    %dma_start3A_196 = tpu.memref_slice %arg6[%dma_start3A_193, %dma_start3A_194, %dma_start3A_195] : memref<5x128x128xf32, #tpu.memory_space<vmem>> -> memref<1x128x128xf32, #tpu.memory_space<vmem>>
    %dma_start3A_197 = tpu.memref_squeeze %dma_start3A_196 : memref<1x128x128xf32, #tpu.memory_space<vmem>> -> memref<128x128xf32, #tpu.memory_space<vmem>>
    %dma_start3A_198 = arith.constant 0 : i32
    %dma_start3A_199 = tpu.memref_slice %arg4[%mul3A_192, %dma_start3A_198] : memref<819200x128xf32, #tpu.memory_space<hbm>> -> memref<128x128xf32, #tpu.memory_space<hbm>>
    %dma_start3A_200 = arith.constant 0 : i32
    %dma_start3A_201 = tpu.memref_slice %arg4[%mul3A_192, %dma_start3A_200] : memref<819200x128xf32, #tpu.memory_space<hbm>> -> memref<128x128xf32, #tpu.memory_space<hbm>>
    %dma_start3A_202 = arith.constant 0 : i32
    %dma_start3A_203 = arith.constant 0 : i32
    %dma_start3A_204 = tpu.memref_slice %arg6[%dma_start3A_193, %dma_start3A_202, %dma_start3A_203] : memref<5x128x128xf32, #tpu.memory_space<vmem>> -> memref<1x128x128xf32, #tpu.memory_space<vmem>>
    %dma_start3A_205 = tpu.memref_squeeze %dma_start3A_204 : memref<1x128x128xf32, #tpu.memory_space<vmem>> -> memref<128x128xf32, #tpu.memory_space<vmem>>
    tpu.enqueue_dma source(%dma_start3A_205 : memref<128x128xf32, #tpu.memory_space<vmem>>) target(%dma_start3A_201 : memref<128x128xf32, #tpu.memory_space<hbm>>) target_semaphore(%arg15 : memref<!tpu.dma_semaphore, #tpu.memory_space<semaphore_mem>>)
    %dma_wait3A_206 = arith.constant 0 : i32
    %dma_wait3A_207 = arith.constant 4 : i32
    %dma_wait3A_208 = arith.constant 0 : i32
    %dma_wait3A_209 = arith.constant 0 : i32
    %dma_wait3A_210 = tpu.memref_slice %arg6[%dma_wait3A_207, %dma_wait3A_208, %dma_wait3A_209] : memref<5x128x128xf32, #tpu.memory_space<vmem>> -> memref<1x128x128xf32, #tpu.memory_space<vmem>>
    %dma_wait3A_211 = tpu.memref_squeeze %dma_wait3A_210 : memref<1x128x128xf32, #tpu.memory_space<vmem>> -> memref<128x128xf32, #tpu.memory_space<vmem>>
    %dma_wait3A_212 = arith.constant 0 : i32
    %dma_wait3A_213 = tpu.memref_slice %arg5[%dma_wait3A_206, %dma_wait3A_212] : memref<200x128xi32, #tpu.memory_space<vmem>> -> memref<1x128xi32, #tpu.memory_space<vmem>>
    %dma_wait3A_214 = tpu.memref_squeeze %dma_wait3A_213 : memref<1x128xi32, #tpu.memory_space<vmem>> -> memref<128xi32, #tpu.memory_space<vmem>>
    %dma_wait3A_215 = arith.constant 0 : i32
    %dma_wait3A_216 = arith.constant 0 : i32
    %dma_wait3A_217 = tpu.memref_slice %arg2[%dma_wait3A_215, %dma_wait3A_216] : memref<100000x128xf32, #tpu.memory_space<hbm>> -> memref<100000x128xf32, #tpu.memory_space<hbm>>
    tpu.wait_indirect_dma semaphore(%arg11 : memref<!tpu.dma_semaphore, #tpu.memory_space<semaphore_mem>>) src(%dma_wait3A_217 : memref<100000x128xf32, #tpu.memory_space<hbm>>) dst(%dma_wait3A_211 : memref<128x128xf32, #tpu.memory_space<vmem>>)
    %scan3A_218 = arith.constant 0 : i32
    %scan3A_219 = arith.constant 0 : i32
    %scan3A_220 = arith.constant 128 : i32
    %scan3A_221 = arith.addi %scan3A_219, %scan3A_220 : i32
    %scan3A_222 = arith.constant 1 : i32
    scf.for %scan3A_316 = %scan3A_219 to %scan3A_221 step %scan3A_222  : i32 {
      %get3A = arith.constant 4 : i32
      %get3A_317 = arith.index_cast %get3A : i32 to index
      %get3A_318 = arith.index_cast %scan3A_316 : i32 to index
      %get3A_319 = arith.constant 0 : index
      %get3A_320 = tpu.vector_load %arg6[%get3A_317, %get3A_318, %get3A_319] {strides = array<i32>} : memref<5x128x128xf32, #tpu.memory_space<vmem>>, vector<1x1x16xf32>,
      %get3A_321 = vector.shape_cast %get3A_320 : vector<1x1x16xf32> to vector<16xf32>
      %max3A = arith.constant 0.000000e+00 : f32
      %max3A_322 = vector.broadcast %max3A : f32 to vector<16xf32>
      %max3A_323 = arith.maximumf %get3A_321, %max3A_322 : vector<16xf32>
      %mul3A_324 = arith.constant 11.3137083 : f32
      %mul3A_325 = vector.broadcast %mul3A_324 : f32 to vector<16xf32>
      %mul3A_326 = arith.mulf %max3A_323, %mul3A_325 : vector<16xf32>
      %swap3A = arith.constant 4 : i32
      %swap3A_327 = arith.index_cast %swap3A : i32 to index
      %swap3A_328 = arith.index_cast %scan3A_316 : i32 to index
      %swap3A_329 = arith.constant 0 : index
      %swap3A_330 = tpu.vector_load %arg6[%swap3A_327, %swap3A_328, %swap3A_329] {strides = array<i32>} : memref<5x128x128xf32, #tpu.memory_space<vmem>>, vector<1x1x16xf32>,
      %swap3A_331 = vector.shape_cast %swap3A_330 : vector<1x1x16xf32> to vector<16xf32>
      %swap3A_332 = vector.shape_cast %mul3A_326 : vector<16xf32> to vector<1x1x16xf32>
      tpu.vector_store %arg6[%swap3A_327, %swap3A_328, %swap3A_329], %swap3A_332 {strides = array<i32>} : memref<5x128x128xf32, #tpu.memory_space<vmem>>, vector<1x1x16xf32>,
      %get3A_333 = arith.constant 4 : i32
      %get3A_334 = arith.index_cast %get3A_333 : i32 to index
      %get3A_335 = arith.index_cast %scan3A_316 : i32 to index
      %get3A_336 = arith.constant 16 : index
      %get3A_337 = tpu.vector_load %arg6[%get3A_334, %get3A_335, %get3A_336] {strides = array<i32>} : memref<5x128x128xf32, #tpu.memory_space<vmem>>, vector<1x1x16xf32>,
      %get3A_338 = vector.shape_cast %get3A_337 : vector<1x1x16xf32> to vector<16xf32>
      %max3A_339 = arith.constant 0.000000e+00 : f32
      %max3A_340 = vector.broadcast %max3A_339 : f32 to vector<16xf32>
      %max3A_341 = arith.maximumf %get3A_338, %max3A_340 : vector<16xf32>
      %mul3A_342 = arith.constant 11.3137083 : f32
      %mul3A_343 = vector.broadcast %mul3A_342 : f32 to vector<16xf32>
      %mul3A_344 = arith.mulf %max3A_341, %mul3A_343 : vector<16xf32>
      %swap3A_345 = arith.constant 4 : i32
      %swap3A_346 = arith.index_cast %swap3A_345 : i32 to index
      %swap3A_347 = arith.index_cast %scan3A_316 : i32 to index
      %swap3A_348 = arith.constant 16 : index
      %swap3A_349 = tpu.vector_load %arg6[%swap3A_346, %swap3A_347, %swap3A_348] {strides = array<i32>} : memref<5x128x128xf32, #tpu.memory_space<vmem>>, vector<1x1x16xf32>,
      %swap3A_350 = vector.shape_cast %swap3A_349 : vector<1x1x16xf32> to vector<16xf32>
      %swap3A_351 = vector.shape_cast %mul3A_344 : vector<16xf32> to vector<1x1x16xf32>
      tpu.vector_store %arg6[%swap3A_346, %swap3A_347, %swap3A_348], %swap3A_351 {strides = array<i32>} : memref<5x128x128xf32, #tpu.memory_space<vmem>>, vector<1x1x16xf32>,
      %get3A_352 = arith.constant 4 : i32
      %get3A_353 = arith.index_cast %get3A_352 : i32 to index
      %get3A_354 = arith.index_cast %scan3A_316 : i32 to index
      %get3A_355 = arith.constant 32 : index
      %get3A_356 = tpu.vector_load %arg6[%get3A_353, %get3A_354, %get3A_355] {strides = array<i32>} : memref<5x128x128xf32, #tpu.memory_space<vmem>>, vector<1x1x16xf32>,
      %get3A_357 = vector.shape_cast %get3A_356 : vector<1x1x16xf32> to vector<16xf32>
      %max3A_358 = arith.constant 0.000000e+00 : f32
      %max3A_359 = vector.broadcast %max3A_358 : f32 to vector<16xf32>
      %max3A_360 = arith.maximumf %get3A_357, %max3A_359 : vector<16xf32>
      %mul3A_361 = arith.constant 11.3137083 : f32
      %mul3A_362 = vector.broadcast %mul3A_361 : f32 to vector<16xf32>
      %mul3A_363 = arith.mulf %max3A_360, %mul3A_362 : vector<16xf32>
      %swap3A_364 = arith.constant 4 : i32
      %swap3A_365 = arith.index_cast %swap3A_364 : i32 to index
      %swap3A_366 = arith.index_cast %scan3A_316 : i32 to index
      %swap3A_367 = arith.constant 32 : index
      %swap3A_368 = tpu.vector_load %arg6[%swap3A_365, %swap3A_366, %swap3A_367] {strides = array<i32>} : memref<5x128x128xf32, #tpu.memory_space<vmem>>, vector<1x1x16xf32>,
      %swap3A_369 = vector.shape_cast %swap3A_368 : vector<1x1x16xf32> to vector<16xf32>
      %swap3A_370 = vector.shape_cast %mul3A_363 : vector<16xf32> to vector<1x1x16xf32>
      tpu.vector_store %arg6[%swap3A_365, %swap3A_366, %swap3A_367], %swap3A_370 {strides = array<i32>} : memref<5x128x128xf32, #tpu.memory_space<vmem>>, vector<1x1x16xf32>,
      %get3A_371 = arith.constant 4 : i32
      %get3A_372 = arith.index_cast %get3A_371 : i32 to index
      %get3A_373 = arith.index_cast %scan3A_316 : i32 to index
      %get3A_374 = arith.constant 48 : index
      %get3A_375 = tpu.vector_load %arg6[%get3A_372, %get3A_373, %get3A_374] {strides = array<i32>} : memref<5x128x128xf32, #tpu.memory_space<vmem>>, vector<1x1x16xf32>,
      %get3A_376 = vector.shape_cast %get3A_375 : vector<1x1x16xf32> to vector<16xf32>
      %max3A_377 = arith.constant 0.000000e+00 : f32
      %max3A_378 = vector.broadcast %max3A_377 : f32 to vector<16xf32>
      %max3A_379 = arith.maximumf %get3A_376, %max3A_378 : vector<16xf32>
      %mul3A_380 = arith.constant 11.3137083 : f32
      %mul3A_381 = vector.broadcast %mul3A_380 : f32 to vector<16xf32>
      %mul3A_382 = arith.mulf %max3A_379, %mul3A_381 : vector<16xf32>
      %swap3A_383 = arith.constant 4 : i32
      %swap3A_384 = arith.index_cast %swap3A_383 : i32 to index
      %swap3A_385 = arith.index_cast %scan3A_316 : i32 to index
      %swap3A_386 = arith.constant 48 : index
      %swap3A_387 = tpu.vector_load %arg6[%swap3A_384, %swap3A_385, %swap3A_386] {strides = array<i32>} : memref<5x128x128xf32, #tpu.memory_space<vmem>>, vector<1x1x16xf32>,
      %swap3A_388 = vector.shape_cast %swap3A_387 : vector<1x1x16xf32> to vector<16xf32>
      %swap3A_389 = vector.shape_cast %mul3A_382 : vector<16xf32> to vector<1x1x16xf32>
      tpu.vector_store %arg6[%swap3A_384, %swap3A_385, %swap3A_386], %swap3A_389 {strides = array<i32>} : memref<5x128x128xf32, #tpu.memory_space<vmem>>, vector<1x1x16xf32>,
      %get3A_390 = arith.constant 4 : i32
      %get3A_391 = arith.index_cast %get3A_390 : i32 to index
      %get3A_392 = arith.index_cast %scan3A_316 : i32 to index
      %get3A_393 = arith.constant 64 : index
      %get3A_394 = tpu.vector_load %arg6[%get3A_391, %get3A_392, %get3A_393] {strides = array<i32>} : memref<5x128x128xf32, #tpu.memory_space<vmem>>, vector<1x1x16xf32>,
      %get3A_395 = vector.shape_cast %get3A_394 : vector<1x1x16xf32> to vector<16xf32>
      %max3A_396 = arith.constant 0.000000e+00 : f32
      %max3A_397 = vector.broadcast %max3A_396 : f32 to vector<16xf32>
      %max3A_398 = arith.maximumf %get3A_395, %max3A_397 : vector<16xf32>
      %mul3A_399 = arith.constant 11.3137083 : f32
      %mul3A_400 = vector.broadcast %mul3A_399 : f32 to vector<16xf32>
      %mul3A_401 = arith.mulf %max3A_398, %mul3A_400 : vector<16xf32>
      %swap3A_402 = arith.constant 4 : i32
      %swap3A_403 = arith.index_cast %swap3A_402 : i32 to index
      %swap3A_404 = arith.index_cast %scan3A_316 : i32 to index
      %swap3A_405 = arith.constant 64 : index
      %swap3A_406 = tpu.vector_load %arg6[%swap3A_403, %swap3A_404, %swap3A_405] {strides = array<i32>} : memref<5x128x128xf32, #tpu.memory_space<vmem>>, vector<1x1x16xf32>,
      %swap3A_407 = vector.shape_cast %swap3A_406 : vector<1x1x16xf32> to vector<16xf32>
      %swap3A_408 = vector.shape_cast %mul3A_401 : vector<16xf32> to vector<1x1x16xf32>
      tpu.vector_store %arg6[%swap3A_403, %swap3A_404, %swap3A_405], %swap3A_408 {strides = array<i32>} : memref<5x128x128xf32, #tpu.memory_space<vmem>>, vector<1x1x16xf32>,
      %get3A_409 = arith.constant 4 : i32
      %get3A_410 = arith.index_cast %get3A_409 : i32 to index
      %get3A_411 = arith.index_cast %scan3A_316 : i32 to index
      %get3A_412 = arith.constant 80 : index
      %get3A_413 = tpu.vector_load %arg6[%get3A_410, %get3A_411, %get3A_412] {strides = array<i32>} : memref<5x128x128xf32, #tpu.memory_space<vmem>>, vector<1x1x16xf32>,
      %get3A_414 = vector.shape_cast %get3A_413 : vector<1x1x16xf32> to vector<16xf32>
      %max3A_415 = arith.constant 0.000000e+00 : f32
      %max3A_416 = vector.broadcast %max3A_415 : f32 to vector<16xf32>
      %max3A_417 = arith.maximumf %get3A_414, %max3A_416 : vector<16xf32>
      %mul3A_418 = arith.constant 11.3137083 : f32
      %mul3A_419 = vector.broadcast %mul3A_418 : f32 to vector<16xf32>
      %mul3A_420 = arith.mulf %max3A_417, %mul3A_419 : vector<16xf32>
      %swap3A_421 = arith.constant 4 : i32
      %swap3A_422 = arith.index_cast %swap3A_421 : i32 to index
      %swap3A_423 = arith.index_cast %scan3A_316 : i32 to index
      %swap3A_424 = arith.constant 80 : index
      %swap3A_425 = tpu.vector_load %arg6[%swap3A_422, %swap3A_423, %swap3A_424] {strides = array<i32>} : memref<5x128x128xf32, #tpu.memory_space<vmem>>, vector<1x1x16xf32>,
      %swap3A_426 = vector.shape_cast %swap3A_425 : vector<1x1x16xf32> to vector<16xf32>
      %swap3A_427 = vector.shape_cast %mul3A_420 : vector<16xf32> to vector<1x1x16xf32>
      tpu.vector_store %arg6[%swap3A_422, %swap3A_423, %swap3A_424], %swap3A_427 {strides = array<i32>} : memref<5x128x128xf32, #tpu.memory_space<vmem>>, vector<1x1x16xf32>,
      %get3A_428 = arith.constant 4 : i32
      %get3A_429 = arith.index_cast %get3A_428 : i32 to index
      %get3A_430 = arith.index_cast %scan3A_316 : i32 to index
      %get3A_431 = arith.constant 96 : index
      %get3A_432 = tpu.vector_load %arg6[%get3A_429, %get3A_430, %get3A_431] {strides = array<i32>} : memref<5x128x128xf32, #tpu.memory_space<vmem>>, vector<1x1x16xf32>,
      %get3A_433 = vector.shape_cast %get3A_432 : vector<1x1x16xf32> to vector<16xf32>
      %max3A_434 = arith.constant 0.000000e+00 : f32
      %max3A_435 = vector.broadcast %max3A_434 : f32 to vector<16xf32>
      %max3A_436 = arith.maximumf %get3A_433, %max3A_435 : vector<16xf32>
      %mul3A_437 = arith.constant 11.3137083 : f32
      %mul3A_438 = vector.broadcast %mul3A_437 : f32 to vector<16xf32>
      %mul3A_439 = arith.mulf %max3A_436, %mul3A_438 : vector<16xf32>
      %swap3A_440 = arith.constant 4 : i32
      %swap3A_441 = arith.index_cast %swap3A_440 : i32 to index
      %swap3A_442 = arith.index_cast %scan3A_316 : i32 to index
      %swap3A_443 = arith.constant 96 : index
      %swap3A_444 = tpu.vector_load %arg6[%swap3A_441, %swap3A_442, %swap3A_443] {strides = array<i32>} : memref<5x128x128xf32, #tpu.memory_space<vmem>>, vector<1x1x16xf32>,
      %swap3A_445 = vector.shape_cast %swap3A_444 : vector<1x1x16xf32> to vector<16xf32>
      %swap3A_446 = vector.shape_cast %mul3A_439 : vector<16xf32> to vector<1x1x16xf32>
      tpu.vector_store %arg6[%swap3A_441, %swap3A_442, %swap3A_443], %swap3A_446 {strides = array<i32>} : memref<5x128x128xf32, #tpu.memory_space<vmem>>, vector<1x1x16xf32>,
      %get3A_447 = arith.constant 4 : i32
      %get3A_448 = arith.index_cast %get3A_447 : i32 to index
      %get3A_449 = arith.index_cast %scan3A_316 : i32 to index
      %get3A_450 = arith.constant 112 : index
      %get3A_451 = tpu.vector_load %arg6[%get3A_448, %get3A_449, %get3A_450] {strides = array<i32>} : memref<5x128x128xf32, #tpu.memory_space<vmem>>, vector<1x1x16xf32>,
      %get3A_452 = vector.shape_cast %get3A_451 : vector<1x1x16xf32> to vector<16xf32>
      %max3A_453 = arith.constant 0.000000e+00 : f32
      %max3A_454 = vector.broadcast %max3A_453 : f32 to vector<16xf32>
      %max3A_455 = arith.maximumf %get3A_452, %max3A_454 : vector<16xf32>
      %mul3A_456 = arith.constant 11.3137083 : f32
      %mul3A_457 = vector.broadcast %mul3A_456 : f32 to vector<16xf32>
      %mul3A_458 = arith.mulf %max3A_455, %mul3A_457 : vector<16xf32>
      %swap3A_459 = arith.constant 4 : i32
      %swap3A_460 = arith.index_cast %swap3A_459 : i32 to index
      %swap3A_461 = arith.index_cast %scan3A_316 : i32 to index
      %swap3A_462 = arith.constant 112 : index
      %swap3A_463 = tpu.vector_load %arg6[%swap3A_460, %swap3A_461, %swap3A_462] {strides = array<i32>} : memref<5x128x128xf32, #tpu.memory_space<vmem>>, vector<1x1x16xf32>,
      %swap3A_464 = vector.shape_cast %swap3A_463 : vector<1x1x16xf32> to vector<16xf32>
      %swap3A_465 = vector.shape_cast %mul3A_458 : vector<16xf32> to vector<1x1x16xf32>
      tpu.vector_store %arg6[%swap3A_460, %swap3A_461, %swap3A_462], %swap3A_465 {strides = array<i32>} : memref<5x128x128xf32, #tpu.memory_space<vmem>>, vector<1x1x16xf32>,
    }
    %scan3A_223 = arith.constant 128 : i32
    %add3A_224 = arith.constant 199 : i32
    %add3A_225 = arith.addi %mul3A_2, %add3A_224 : i32
    %mul3A_226 = arith.constant 128 : i32
    %mul3A_227 = arith.muli %add3A_225, %mul3A_226 : i32
    %dma_start3A_228 = arith.constant 4 : i32
    %dma_start3A_229 = arith.constant 0 : i32
    %dma_start3A_230 = arith.constant 0 : i32
    %dma_start3A_231 = tpu.memref_slice %arg6[%dma_start3A_228, %dma_start3A_229, %dma_start3A_230] : memref<5x128x128xf32, #tpu.memory_space<vmem>> -> memref<1x128x128xf32, #tpu.memory_space<vmem>>
    %dma_start3A_232 = tpu.memref_squeeze %dma_start3A_231 : memref<1x128x128xf32, #tpu.memory_space<vmem>> -> memref<128x128xf32, #tpu.memory_space<vmem>>
    %dma_start3A_233 = arith.constant 0 : i32
    %dma_start3A_234 = tpu.memref_slice %arg4[%mul3A_227, %dma_start3A_233] : memref<819200x128xf32, #tpu.memory_space<hbm>> -> memref<128x128xf32, #tpu.memory_space<hbm>>
    %dma_start3A_235 = arith.constant 0 : i32
    %dma_start3A_236 = tpu.memref_slice %arg4[%mul3A_227, %dma_start3A_235] : memref<819200x128xf32, #tpu.memory_space<hbm>> -> memref<128x128xf32, #tpu.memory_space<hbm>>
    %dma_start3A_237 = arith.constant 0 : i32
    %dma_start3A_238 = arith.constant 0 : i32
    %dma_start3A_239 = tpu.memref_slice %arg6[%dma_start3A_228, %dma_start3A_237, %dma_start3A_238] : memref<5x128x128xf32, #tpu.memory_space<vmem>> -> memref<1x128x128xf32, #tpu.memory_space<vmem>>
    %dma_start3A_240 = tpu.memref_squeeze %dma_start3A_239 : memref<1x128x128xf32, #tpu.memory_space<vmem>> -> memref<128x128xf32, #tpu.memory_space<vmem>>
    tpu.enqueue_dma source(%dma_start3A_240 : memref<128x128xf32, #tpu.memory_space<vmem>>) target(%dma_start3A_236 : memref<128x128xf32, #tpu.memory_space<hbm>>) target_semaphore(%arg16 : memref<!tpu.dma_semaphore, #tpu.memory_space<semaphore_mem>>)
    %dma_wait3A_241 = arith.constant 0 : i32
    %dma_wait3A_242 = arith.constant 0 : i32
    %dma_wait3A_243 = arith.constant 0 : i32
    %dma_wait3A_244 = tpu.memref_slice %arg6[%dma_wait3A_241, %dma_wait3A_242, %dma_wait3A_243] : memref<5x128x128xf32, #tpu.memory_space<vmem>> -> memref<1x128x128xf32, #tpu.memory_space<vmem>>
    %dma_wait3A_245 = tpu.memref_squeeze %dma_wait3A_244 : memref<1x128x128xf32, #tpu.memory_space<vmem>> -> memref<128x128xf32, #tpu.memory_space<vmem>>
    %dma_wait3A_246 = arith.constant 0 : i32
    %dma_wait3A_247 = arith.constant 0 : i32
    %dma_wait3A_248 = tpu.memref_slice %arg4[%dma_wait3A_246, %dma_wait3A_247] : memref<819200x128xf32, #tpu.memory_space<hbm>> -> memref<128x128xf32, #tpu.memory_space<hbm>>
    %dma_wait3A_249 = arith.constant 0 : i32
    %dma_wait3A_250 = arith.constant 0 : i32
    %dma_wait3A_251 = tpu.memref_slice %arg4[%dma_wait3A_249, %dma_wait3A_250] : memref<819200x128xf32, #tpu.memory_space<hbm>> -> memref<128x128xf32, #tpu.memory_space<hbm>>
    %dma_wait3A_252 = arith.constant 0 : i32
    %dma_wait3A_253 = arith.constant 0 : i32
    %dma_wait3A_254 = tpu.memref_slice %arg6[%dma_wait3A_241, %dma_wait3A_252, %dma_wait3A_253] : memref<5x128x128xf32, #tpu.memory_space<vmem>> -> memref<1x128x128xf32, #tpu.memory_space<vmem>>
    %dma_wait3A_255 = tpu.memref_squeeze %dma_wait3A_254 : memref<1x128x128xf32, #tpu.memory_space<vmem>> -> memref<128x128xf32, #tpu.memory_space<vmem>>
    tpu.wait_dma2 semaphore(%arg12 : memref<!tpu.dma_semaphore, #tpu.memory_space<semaphore_mem>>) src(%dma_wait3A_255 : memref<128x128xf32, #tpu.memory_space<vmem>>) dst(%dma_wait3A_251 : memref<128x128xf32, #tpu.memory_space<hbm>>)
    %dma_wait3A_256 = arith.constant 1 : i32
    %dma_wait3A_257 = arith.constant 0 : i32
    %dma_wait3A_258 = arith.constant 0 : i32
    %dma_wait3A_259 = tpu.memref_slice %arg6[%dma_wait3A_256, %dma_wait3A_257, %dma_wait3A_258] : memref<5x128x128xf32, #tpu.memory_space<vmem>> -> memref<1x128x128xf32, #tpu.memory_space<vmem>>
    %dma_wait3A_260 = tpu.memref_squeeze %dma_wait3A_259 : memref<1x128x128xf32, #tpu.memory_space<vmem>> -> memref<128x128xf32, #tpu.memory_space<vmem>>
    %dma_wait3A_261 = arith.constant 0 : i32
    %dma_wait3A_262 = arith.constant 0 : i32
    %dma_wait3A_263 = tpu.memref_slice %arg4[%dma_wait3A_261, %dma_wait3A_262] : memref<819200x128xf32, #tpu.memory_space<hbm>> -> memref<128x128xf32, #tpu.memory_space<hbm>>
    %dma_wait3A_264 = arith.constant 0 : i32
    %dma_wait3A_265 = arith.constant 0 : i32
    %dma_wait3A_266 = tpu.memref_slice %arg4[%dma_wait3A_264, %dma_wait3A_265] : memref<819200x128xf32, #tpu.memory_space<hbm>> -> memref<128x128xf32, #tpu.memory_space<hbm>>
    %dma_wait3A_267 = arith.constant 0 : i32
    %dma_wait3A_268 = arith.constant 0 : i32
    %dma_wait3A_269 = tpu.memref_slice %arg6[%dma_wait3A_256, %dma_wait3A_267, %dma_wait3A_268] : memref<5x128x128xf32, #tpu.memory_space<vmem>> -> memref<1x128x128xf32, #tpu.memory_space<vmem>>
    %dma_wait3A_270 = tpu.memref_squeeze %dma_wait3A_269 : memref<1x128x128xf32, #tpu.memory_space<vmem>> -> memref<128x128xf32, #tpu.memory_space<vmem>>
    tpu.wait_dma2 semaphore(%arg13 : memref<!tpu.dma_semaphore, #tpu.memory_space<semaphore_mem>>) src(%dma_wait3A_270 : memref<128x128xf32, #tpu.memory_space<vmem>>) dst(%dma_wait3A_266 : memref<128x128xf32, #tpu.memory_space<hbm>>)
    %dma_wait3A_271 = arith.constant 2 : i32
    %dma_wait3A_272 = arith.constant 0 : i32
    %dma_wait3A_273 = arith.constant 0 : i32
    %dma_wait3A_274 = tpu.memref_slice %arg6[%dma_wait3A_271, %dma_wait3A_272, %dma_wait3A_273] : memref<5x128x128xf32, #tpu.memory_space<vmem>> -> memref<1x128x128xf32, #tpu.memory_space<vmem>>
    %dma_wait3A_275 = tpu.memref_squeeze %dma_wait3A_274 : memref<1x128x128xf32, #tpu.memory_space<vmem>> -> memref<128x128xf32, #tpu.memory_space<vmem>>
    %dma_wait3A_276 = arith.constant 0 : i32
    %dma_wait3A_277 = arith.constant 0 : i32
    %dma_wait3A_278 = tpu.memref_slice %arg4[%dma_wait3A_276, %dma_wait3A_277] : memref<819200x128xf32, #tpu.memory_space<hbm>> -> memref<128x128xf32, #tpu.memory_space<hbm>>
    %dma_wait3A_279 = arith.constant 0 : i32
    %dma_wait3A_280 = arith.constant 0 : i32
    %dma_wait3A_281 = tpu.memref_slice %arg4[%dma_wait3A_279, %dma_wait3A_280] : memref<819200x128xf32, #tpu.memory_space<hbm>> -> memref<128x128xf32, #tpu.memory_space<hbm>>
    %dma_wait3A_282 = arith.constant 0 : i32
    %dma_wait3A_283 = arith.constant 0 : i32
    %dma_wait3A_284 = tpu.memref_slice %arg6[%dma_wait3A_271, %dma_wait3A_282, %dma_wait3A_283] : memref<5x128x128xf32, #tpu.memory_space<vmem>> -> memref<1x128x128xf32, #tpu.memory_space<vmem>>
    %dma_wait3A_285 = tpu.memref_squeeze %dma_wait3A_284 : memref<1x128x128xf32, #tpu.memory_space<vmem>> -> memref<128x128xf32, #tpu.memory_space<vmem>>
    tpu.wait_dma2 semaphore(%arg14 : memref<!tpu.dma_semaphore, #tpu.memory_space<semaphore_mem>>) src(%dma_wait3A_285 : memref<128x128xf32, #tpu.memory_space<vmem>>) dst(%dma_wait3A_281 : memref<128x128xf32, #tpu.memory_space<hbm>>)
    %dma_wait3A_286 = arith.constant 3 : i32
    %dma_wait3A_287 = arith.constant 0 : i32
    %dma_wait3A_288 = arith.constant 0 : i32
    %dma_wait3A_289 = tpu.memref_slice %arg6[%dma_wait3A_286, %dma_wait3A_287, %dma_wait3A_288] : memref<5x128x128xf32, #tpu.memory_space<vmem>> -> memref<1x128x128xf32, #tpu.memory_space<vmem>>
    %dma_wait3A_290 = tpu.memref_squeeze %dma_wait3A_289 : memref<1x128x128xf32, #tpu.memory_space<vmem>> -> memref<128x128xf32, #tpu.memory_space<vmem>>
    %dma_wait3A_291 = arith.constant 0 : i32
    %dma_wait3A_292 = arith.constant 0 : i32
    %dma_wait3A_293 = tpu.memref_slice %arg4[%dma_wait3A_291, %dma_wait3A_292] : memref<819200x128xf32, #tpu.memory_space<hbm>> -> memref<128x128xf32, #tpu.memory_space<hbm>>
    %dma_wait3A_294 = arith.constant 0 : i32
    %dma_wait3A_295 = arith.constant 0 : i32
    %dma_wait3A_296 = tpu.memref_slice %arg4[%dma_wait3A_294, %dma_wait3A_295] : memref<819200x128xf32, #tpu.memory_space<hbm>> -> memref<128x128xf32, #tpu.memory_space<hbm>>
    %dma_wait3A_297 = arith.constant 0 : i32
    %dma_wait3A_298 = arith.constant 0 : i32
    %dma_wait3A_299 = tpu.memref_slice %arg6[%dma_wait3A_286, %dma_wait3A_297, %dma_wait3A_298] : memref<5x128x128xf32, #tpu.memory_space<vmem>> -> memref<1x128x128xf32, #tpu.memory_space<vmem>>
    %dma_wait3A_300 = tpu.memref_squeeze %dma_wait3A_299 : memref<1x128x128xf32, #tpu.memory_space<vmem>> -> memref<128x128xf32, #tpu.memory_space<vmem>>
    tpu.wait_dma2 semaphore(%arg15 : memref<!tpu.dma_semaphore, #tpu.memory_space<semaphore_mem>>) src(%dma_wait3A_300 : memref<128x128xf32, #tpu.memory_space<vmem>>) dst(%dma_wait3A_296 : memref<128x128xf32, #tpu.memory_space<hbm>>)
    %dma_wait3A_301 = arith.constant 4 : i32
    %dma_wait3A_302 = arith.constant 0 : i32
    %dma_wait3A_303 = arith.constant 0 : i32
    %dma_wait3A_304 = tpu.memref_slice %arg6[%dma_wait3A_301, %dma_wait3A_302, %dma_wait3A_303] : memref<5x128x128xf32, #tpu.memory_space<vmem>> -> memref<1x128x128xf32, #tpu.memory_space<vmem>>
    %dma_wait3A_305 = tpu.memref_squeeze %dma_wait3A_304 : memref<1x128x128xf32, #tpu.memory_space<vmem>> -> memref<128x128xf32, #tpu.memory_space<vmem>>
    %dma_wait3A_306 = arith.constant 0 : i32
    %dma_wait3A_307 = arith.constant 0 : i32
    %dma_wait3A_308 = tpu.memref_slice %arg4[%dma_wait3A_306, %dma_wait3A_307] : memref<819200x128xf32, #tpu.memory_space<hbm>> -> memref<128x128xf32, #tpu.memory_space<hbm>>
    %dma_wait3A_309 = arith.constant 0 : i32
    %dma_wait3A_310 = arith.constant 0 : i32
    %dma_wait3A_311 = tpu.memref_slice %arg4[%dma_wait3A_309, %dma_wait3A_310] : memref<819200x128xf32, #tpu.memory_space<hbm>> -> memref<128x128xf32, #tpu.memory_space<hbm>>
    %dma_wait3A_312 = arith.constant 0 : i32
    %dma_wait3A_313 = arith.constant 0 : i32
    %dma_wait3A_314 = tpu.memref_slice %arg6[%dma_wait3A_301, %dma_wait3A_312, %dma_wait3A_313] : memref<5x128x128xf32, #tpu.memory_space<vmem>> -> memref<1x128x128xf32, #tpu.memory_space<vmem>>
    %dma_wait3A_315 = tpu.memref_squeeze %dma_wait3A_314 : memref<1x128x128xf32, #tpu.memory_space<vmem>> -> memref<128x128xf32, #tpu.memory_space<vmem>>
    tpu.wait_dma2 semaphore(%arg16 : memref<!tpu.dma_semaphore, #tpu.memory_space<semaphore_mem>>) src(%dma_wait3A_315 : memref<128x128xf32, #tpu.memory_space<vmem>>) dst(%dma_wait3A_311 : memref<128x128xf32, #tpu.memory_space<hbm>>)
    return
  }
}

</mosaic_0001>

<sc_bundles>
// kernel: _sc_gather.3.cloned.1.call-start
scs
__scs_entry_jumppad:
0x0: {  	(pc) =	sbr.rel $0x88, $3  }
0x1: {  	(tag) =	ssettag $0x0;
	lr =	simm.s32 $0x1  }
0x2: {  	[smem:$0x3F9F] =	sst lr;
	_ =	strace $0xD0000000  }
0x3: {  	_ = 	snop  }
0x4: {  	_ = 	snop  }
0x5: {  	_ = 	snop  }
0x6: {  	_ = 	snop  }
0x7: {  	_ = 	snop  }
__scs_overlays_trampoline_lowered:
0x8: {  	[smem:$0x3FAE] =	sst s0  }
0x9: {  	[smem:$0x3FAF] =	sst s1  }
0xa: {  	[smem:$0x3FB0] =	sst s2  }
0xb: {  	[smem:$0x3FB1] =	sst s3  }
0xc: {  	[smem:$0x3FB2] =	sst s4  }
0xd: {  	[smem:$0x3FB3] =	sst s5  }
0xe: {  	[smem:$0x3FB4] =	sst s6  }
0xf: {  	[smem:$0x3FB5] =	sst s7  }
0x10: {  	[smem:$0x3FB6] =	sst s8  }
0x11: {  	[smem:$0x3FB7] =	sst s9;
	s0 =	simm.s32 @!p0 $0x0  }
0x12: {  	s1 =	sld [smem:$0x3F9D];
	s0 =	simm.s32 @p0 $0x1  }
0x13: {  	[smem:$0x3FB8] =	sst s0;
	s0 =	simm.s32 @!p1 $0x0  }
0x14: {  	s2 =	sld [smem:$0x3F9C];
	s0 =	simm.s32 @p1 $0x1  }
0x15: {  	[smem:$0x3FB9] =	sst s0;
	s0 =	simm.s32 @!p2 $0x0  }
0x16: {  	s3 =	sld [smem:$0x3FDB];
	s0 =	simm.s32 @p2 $0x1  }
0x17: {  	s4 =	simm.s32 $0x1BF5;
	[smem:$0x3FBB] =	sst s0  }
0x18: {  	s0 =	sld [smem:$0x3F9E];
	_ =	swait.ge [sflag:s4], $0x0  }
0x19: {  	s7 =	sld [smem:$0x3F9F]  }
0x1a: {  	s8 =	sadd.s32 $0xFFFFE003, lr  }
0x1b: {  	s9 =	sadd.s32 $0xFFFFFEF7, lr;
	s5 =	simm.s32 $0xFFFFFFFF;
	p2 =	slt.u32 s8, $0xFFFFF086  }
0x1c: {  	p1 =	slt.u32 s9, $0xF7A;
	s5 =	simm.s32 @!p2 $0x0  }
0x1d: {  	s5 =	simm.s32 @p1 $0x1;
	p0 =	seq.s32 s7, s2  }
0x1e: {  	s7 =	smul.u32 @!p0 $0xF7A, s2;
	p2 =	seq.s32 @!p0 s5, $0x0  }
0x1f: {  	s9 =	smul.u32 $0xF7A, s1;
	s8 =	simm.s32 @!p0 $0x1BF5;
	p2 =	por !p2, p0  }
0x20: {  	[sflag:s8] =	ssyncset.s32 @!p0 $0xFFFFF086;
	s6 =	sadd.s32 @!p0 s3, s7;
	s7 =	simm.s32 @!p0 $0x108  }
0x21: {  	s3 =	sadd.s32 s3, s9;
	s6 =	sadd.s32 @!p0 $0x88, s6;
	s7 =	simm.s32 @p2 $0x1082  }
0x22: {  	[simem:s7], [sflag:s8] =	dma.local @!p0 [hbm:s6], $0xF7A  }
0x23: {  	s9 =	sor.u32 $0xD0000000, s2;
	s6 =	simm.s32 $0x108;
	_ =	swait.ge @!p0 [sflag:s8], $0x0  }
0x24: {  	s3 =	sadd.s32 $0x88, s3;
	s6 =	simm.s32 @!p1 $0x1082;
	[sflag:s4] =	ssyncset.s32 $0xFFFFF086  }
0x25: {  	[simem:s6], [sflag:s4] =	dma.local [hbm:s3], $0xF7A  }
0x26: {  	[smem:$0x3F9F] =	sst s1;
	(tag) =	ssettag s2;
	_ =	strace s9  }
0x27: {  	s1 =	sld [smem:$0x3FAF]  }
0x28: {  	s2 =	sld [smem:$0x3FB0]  }
0x29: {  	s4 =	sld [smem:$0x3FB2]  }
0x2a: {  	p0 =	seq.s32 s5, $0x0;
	s5 =	sld [smem:$0x3FB3]  }
0x2b: {  	s6 =	sld [smem:$0x3FB4]  }
0x2c: {  	s7 =	sld [smem:$0x3FB5]  }
0x2d: {  	s3 =	simm.s32 $0x108;
	s8 =	sld [smem:$0x3FB6]  }
0x2e: {  	s3 =	simm.s32 @!p0 $0x1082;
	s9 =	sld [smem:$0x3FB7]  }
0x2f: {  	lr =	sadd.s32 s0, s3;
	s0 =	sld [smem:$0x3FAE]  }
0x30: {  	s3 =	sld [smem:$0x3FB1]  }
0x31: {  	[smem:$0x3FBA] =	sst s10  }
0x32: {  	s10 =	sld [smem:$0x3FB8];
	_ =	sdelay $0x3  }
0x33: {  	p0 =	seq.s32 s10, $0x1;
	s10 =	sld [smem:$0x3FBA];
	_ =	sdelay $0x3  }
0x34: {  	[smem:$0x3FBA] =	sst s10  }
0x35: {  	s10 =	sld [smem:$0x3FB9];
	_ =	sdelay $0x3  }
0x36: {  	p1 =	seq.s32 s10, $0x1;
	s10 =	sld [smem:$0x3FBA];
	_ =	sdelay $0x3  }
0x37: {  	[smem:$0x3FBA] =	sst s10  }
0x38: {  	s10 =	sld [smem:$0x3FBB]  }
0x39: {  	_ = 	snop;
	(pc) =	sbr.ind lr, $3  }
0x3a: {  	_ = 	snop  }
0x3b: {  	_ = 	snop  }
0x3c: {  	p2 =	seq.s32 s10, $0x1;
	s10 =	sld [smem:$0x3FBA]  }
0x3d: {  	_ =	shalt  }
0x3e: {  	_ =	shalt  }
0x3f: {  	_ =	shalt  }
0x40: {  	_ =	shalt  }
0x41: {  	_ =	shalt  }
0x42: {  	_ =	shalt  }
0x43: {  	_ =	shalt  }
0x44: {  	_ =	shalt  }
0x45: {  	_ =	shalt  }
0x46: {  	_ =	shalt  }
0x47: {  	_ =	shalt  }
0x48: {  	_ =	shalt  }
0x49: {  	_ =	shalt  }
0x4a: {  	_ =	shalt  }
0x4b: {  	_ =	shalt  }
0x4c: {  	_ =	shalt  }
0x4d: {  	_ =	shalt  }
0x4e: {  	_ =	shalt  }
0x4f: {  	_ =	shalt  }
0x50: {  	_ =	shalt  }
0x51: {  	_ =	shalt  }
0x52: {  	_ =	shalt  }
0x53: {  	_ =	shalt  }
0x54: {  	_ =	shalt  }
0x55: {  	_ =	shalt  }
0x56: {  	_ =	shalt  }
0x57: {  	_ =	shalt  }
0x58: {  	_ =	shalt  }
0x59: {  	_ =	shalt  }
0x5a: {  	_ =	shalt  }
0x5b: {  	_ =	shalt  }
0x5c: {  	_ =	shalt  }
0x5d: {  	_ =	shalt  }
0x5e: {  	_ =	shalt  }
0x5f: {  	_ =	shalt  }
0x60: {  	_ =	shalt  }
0x61: {  	_ =	shalt  }
0x62: {  	_ =	shalt  }
0x63: {  	_ =	shalt  }
0x64: {  	_ =	shalt  }
0x65: {  	_ =	shalt  }
0x66: {  	_ =	shalt  }
0x67: {  	_ =	shalt  }
0x68: {  	_ =	shalt  }
0x69: {  	_ =	shalt  }
0x6a: {  	_ =	shalt  }
0x6b: {  	_ =	shalt  }
0x6c: {  	_ =	shalt  }
0x6d: {  	_ =	shalt  }
0x6e: {  	_ =	shalt  }
0x6f: {  	_ =	shalt  }
0x70: {  	_ =	shalt  }
0x71: {  	_ =	shalt  }
0x72: {  	_ =	shalt  }
0x73: {  	_ =	shalt  }
0x74: {  	_ =	shalt  }
0x75: {  	_ =	shalt  }
0x76: {  	_ =	shalt  }
0x77: {  	_ =	shalt  }
0x78: {  	_ =	shalt  }
0x79: {  	_ =	shalt  }
0x7a: {  	_ =	shalt  }
0x7b: {  	_ =	shalt  }
0x7c: {  	_ =	shalt  }
0x7d: {  	_ =	shalt  }
0x7e: {  	_ =	shalt  }
0x7f: {  	_ =	shalt  }
0x80: {  	_ =	shalt  }
0x81: {  	_ =	shalt  }
0x82: {  	_ =	shalt  }
0x83: {  	_ =	shalt  }
0x84: {  	_ =	shalt  }
0x85: {  	_ =	shalt  }
0x86: {  	_ =	shalt  }
0x87: {  	_ =	shalt  }
.Lfunc_end0:
.L_simem_size_0:
called_computation_lowered:
.L_overlay_start_0:
0x88: {  	s2 =	sld [smem:$0x3FD9]  }
0x89: {  	s3 =	sld [smem:$0x3FFE];
	_ =	sdelay $0x1  }
0x8a: {  	s1 =	srdreg.scid  }
0x8b: {  	s0 =	sand.u32 $0x1, s1  }
0x8c: {  	s18 =	sshll.u32 s0, $0xA;
	s2 =	sadd.s32 s3, s2  }
0x8d: {  	s2 =	sadd.s32 s2, s18  }
0x8e: {  	[smem:$0x3FC6] =	sst s2  }
0x8f: {  	_ = 	snop  }
0x90: {  	s2 =	sld [smem:$0x3FC9]  }
0x91: {  	s19 =	sld [smem:$0x3FC8]  }
0x92: {  	s4 =	sld [smem:$0x3FD0];
	(tm) =	ssettm $0x1  }
0x93: {  	s5 =	sld [smem:$0x3FFB];
	_ =	sdelay $0x3  }
0x94: {  	_ =	strace s5  }
0x95: {  	s5 =	sld [smem:$0x3FFC];
	_ =	sdelay $0x3  }
0x96: {  	_ =	strace s5  }
0x97: {  	s5 =	sld [smem:$0x3FFD];
	_ =	sdelay $0x3  }
0x98: {  	_ =	strace s5  }
0x99: {  	_ =	strace $0x8FFFFFFF  }
0x9a: {  	s20 =	sld [smem:$0x3FDB];
	_ =	sdelay $0x1  }
0x9b: {  	s6 =	simm.s32 $_scs_section_size  }
0x9c: {  	s7 =	simm.s32 $_size__tile_overlayer_lowered;
	s8 =	simm.s32 $_tile_overlayer_lowered  }
0x9d: {  	s23 =	simm.s32 $0x1BFF;
	s22 =	sshll.u32 s8, $0x1;
	s5 =	sadd.s32 s6, s20  }
0x9e: {  	s9 =	simm.s32 $0x0;
	s21 =	sshll.u32 s7, $0x1;
	s7 =	sadd.s32 s22, s5  }
0x9f: {  	[timem:s9], [sflag:s23] =	dma.local [hbm:s7], s21  }
0xa0: {  	_ =	swait.ge [sflag:s23], s21  }
0xa1: {  	s6 =	ssub.s32 $0x0, s21;
	[sflag:s23] =	ssyncset.done $0x0  }
0xa2: {  	[sflag:s23] =	ssyncadd.s32 s6;
	_ =	sdelay $0x1  }
0xa3: {  	s24 =	simm.s32 $0x1B8B  }
0xa4: {  	_ =	swait.ge [sflag:s24], $0x1  }
0xa5: {  	[sflag:s24] =	ssyncset.done $0x0  }
0xa6: {  	s25 =	simm.s32 $0x1B8E;
	[sflag:s24] =	ssyncadd.s32 $0xFFFFFFFF  }
0xa7: {  	s26 =	simm.s32 $execute0_lowered;
	[smem:$0x3FD2] =	sst s25  }
0xa8: {  	s6 =	sshll.u32 s26, $0x1;
	_ =	strace $0x80000046;
	[dreg:$0x1] =	wrdreg $0xFFFFFFFF  }
0xa9: {  	s28 =	simm.s32 $_size_execute0_lowered;
	s5 =	sadd.s32 s5, s6;
	[dreg:$0x0] =	wrdreg $0x0  }
0xaa: {  	s6 =	sshll.u32 s28, $0x1;
	[dreg:$0x2] =	wrdreg s5  }
0xab: {  	[dreg:$0x3] =	wrdreg s6  }
0xac: {  	[dreg:$0x4] =	wrdreg $0xC0  }
0xad: {  	_ =	task [dreg:s9], $0x5FFFF  }
0xae: {  	[dreg:$0x1] =	wrdreg $0xFFFFFFFF  }
0xaf: {  	[dreg:$0x0] =	wrdreg $0x60  }
0xb0: {  	[dreg:$0x2] =	wrdreg s2  }
0xb1: {  	[dreg:$0x3] =	wrdreg s19  }
0xb2: {  	[dreg:$0x4] =	wrdreg s4  }
0xb3: {  	[dreg:$0x5] =	wrdreg $0x9  }
0xb4: {  	_ =	task.clear_ibuf [dreg:s9], $0x6FFFF;
	_ =	strace $0x90000046  }
0xb5: {  	s29 =	simm.s32 $0x9;
	_ =	strace $0x80000048  }
0xb6: {  	_ =	swait.ge [sflag:s29], $0x1  }
0xb7: {  	[sflag:s29] =	ssyncadd.s32 $0xFFFFFFFF  }
0xb8: {  	_ =	strace $0x90000048  }
0xb9: {  	_ =	sfence  }
0xba: {  	s30 =	sld [smem:$0x0];
	_ =	sdelay $0x2  }
0xbb: {  	s31 =	sshll.u32 s1, $0xD;
	s1 =	sshrl.u32 s1, $0x2  }
0xbc: {  	s3 =	sand.u32 $0x4000, s31;
	s1 =	sadd.s32 s1, s30  }
0xbd: {  	s0 =	sor.u32 s3, s0;
	s1 =	sshll.u32 s1, $0x11  }
0xbe: {  	s0 =	sor.u32 s1, s0  }
0xbf: {  	s0 =	sadd.s32 $0x8F2B, s0  }
0xc0: {  	[sflag:s0] =	ssyncadd.remote.s32 $0x1  }
0xc1: {  	_ =	sfence.sel $0xFFFF  }
0xc2: {  	[dreg:$0x0] =	wrdreg $0xFFFFFFFF;
	(pc) =	sbr.abs _section_cstart, $3  }
0xc3: {  	[dreg:$0x1] =	wrdreg $0xFFFFFFFF  }
0xc4: {  	_ =	task.clear_ibuf [dreg:s9], $0x2FFFF;
	_ =	strace $0x9FFFFFFF  }
0xc5: {  	(tm) =	ssettm $0x7FFFFFFF  }
tec
execute0_lowered:
.L_overlay_start_1:
0x0: {  	(tag) =	ssettag $0x1  }
0x1: {  	s1 =	rddreg [dreg:$0x0]  }
0x2: {  	s0 =	rddreg [dreg:$0x1];
	s2 =	srdreg.scid  }
0x3: {  	s4 =	stileid.u32;
	s3 =	rddreg [dreg:$0x2];
	s15 =	simm.s32 $0xB  }
0x4: {  	s16 =	simm.s32 $0x80;
	s17 =	simm.s32 $0x6400;
	s18 =	simm.s32 $0xA400  }
0x5: {  	s20 =	simm.s32 $0xE400;
	s2 =	sand.u32 $0x1, s2;
	s4 =	sshll.u32 s4, $0x1  }
0x6: {  	s21 =	simm.s32 $0x1;
	s28 =	simm.s32 $0x3;
	s5 =	sor.u32 s2, s4  }
0x7: {  	s29 =	simm.s32 $0x6;
	s30 =	simm.s32 $0x4;
	s6 =	smul.u32 $0xC80, s5  }
0x8: {  	s31 =	simm.s32 $0x7;
	s19 =	simm.s32 $0x9;
	s8 =	smul.u32 $0x64000, s5  }
0x9: {  	s4 =	simm.s32 $0x0;
	s2 =	ssub.s32 $0x2, s2;
	s9 =	smul.u32 $0x320000, s5  }
0xa: {  	[smem:$0x7FF] =	sst s4;
	s7 =	sshrl.u32 s2, $0x1;
	s5 =	smul.u32 $0xC8, s5  }
0xb: {  	_ =	strace $0x80000047;
	s2 =	ssub.s32 s2, s7;
	s0 =	sadd.s32 s0, s6  }
0xc: {  	s22 =	sadd.s32 s3, s8;
	s24 =	sshrl.u32 s9, $0x3;
	s10 =	sor.u32 $0x3, s5  }
0xd: {  	s11 =	sor.u32 $0x4, s5;
	s26 =	smax.u32 s2, $0x1;
	[dreg:$0x4] =	wrdreg s0  }
0xe: {  	s2 =	simm.s32 $0x5;
	s23 =	sadd.s32 $0x800, s22;
	[dreg:$0x5] =	wrdreg s22  }
0xf: {  	s0 =	sadd.s32 $0x1000, s22;
	[dreg:$0xa] =	wrdreg s26;
	s26 =	simm.s32 $0x16400  }
0x10: {  	s22 =	simm.s32 $0xA;
	[dreg:$0x7] =	wrdreg s0;
	s0 =	sadd.s32 s3, s24  }
0x11: {  	[dreg:$0x6] =	wrdreg s23;
	s23 =	simm.s32 $0x12400;
	s25 =	sadd.s32 $0x63000, s0  }
0x12: {  	s24 =	simm.s32 $0x2;
	s0 =	sadd.s32 $0x63800, s0;
	[dreg:$0x8] =	wrdreg s25  }
0x13: {  	[dreg:$0x9] =	wrdreg s0;
	s0 =	simm.s32 $0x8;
	s25 =	simm.s32 $0x0  }
.LBB2_1:
0x14: {  	s6 =	rddreg [dreg:$0x4]  }
0x15: {  	[tilespmem:s4], [sflag:$0xB] =	stream.linear.gather [hbm4b:s6+s4], $0x6400, $0x38;
	[tilespmem:$0x1A400] =	vst v63  }
0x16: {  	_ =	swait.ge [sflag:s15], $0x6400  }
0x17: {  	[sflag:s15] =	ssyncset.done $0x0  }
0x18: {  	[sflag:s15] =	ssyncadd.s32 $0xFFFF9C00  }
0x19: {  	[tilespmem:s17], [sflag:$0x1] =	stream.indirect.gather [hbm4b:s1+s16], $0x80, s4, s16, $0xb8;
	[tilespmem:$0x1A400] =	vst v63  }
0x1a: {  	_ = 	snop  }
0x1b: {  	[tilespmem:s18], [sflag:$0x2] =	stream.indirect.gather [hbm4b:s1+s16], $0x80, s16, s16, $0xb8;
	[tilespmem:$0x1A400] =	vst v63  }
0x1c: {  	s14 =	simm.s32 $0x100  }
0x1d: {  	[tilespmem:s20], [sflag:$0x3] =	stream.indirect.gather [hbm4b:s1+s16], $0x80, s14, s16, $0xb8;
	[tilespmem:$0x1A400] =	vst v63  }
0x1e: {  	_ =	swait.ge [sflag:s21], $0x4000  }
0x1f: {  	[sflag:s21] =	ssyncset.done $0x0  }
0x20: {  	s6 =	simm.s32 $0x0;
	[sflag:s21] =	ssyncadd.s32 $0xFFFFC000  }
0x21: {  	v0 =	vld [tilespmem:s6+$0x6400]  }
0x22: {  	v1 =	vld [tilespmem:s6+$0x6410]  }
0x23: {  	v4 =	vld [tilespmem:s6+$0x6420]  }
0x24: {  	v3 =	vld [tilespmem:s6+$0x6430]  }
0x25: {  	v2 =	vld [tilespmem:s6+$0x6440]  }
0x26: {  	v5 =	vmax.f32 v0, $0.0e+00;
	v0 =	vld [tilespmem:s6+$0x6450]  }
0x27: {  	s8 =	simm.s32 $0x200;
	v6 =	vmax.f32 v1, $0.0e+00;
	v1 =	vld [tilespmem:s6+$0x6460];
	v5 =	vmul.f32 $1.131370830e+01, v5  }
.LBB2_2:
0x28: {  	p0 =	sne.s32 s8, $0xFE00;
	v6 =	vmul.f32 $1.131370830e+01, v6;
	v4 =	vmax.f32 v4, $0.0e+00;
	v7 =	vld [tilespmem:s6+$0x6470]  }
0x29: {  	s9 =	sshra.s32 s8, $0x2;
	[tilespmem:s6+$0x6400] =	vst v5;
	v4 =	vmul.f32 $1.131370830e+01, v4;
	v3 =	vmax.f32 v3, $0.0e+00  }
0x2a: {  	v5 =	vld [tilespmem:s9+$0x6400];
	[tilespmem:s6+$0x6410] =	vst v6;
	v3 =	vmul.f32 $1.131370830e+01, v3;
	v2 =	vmax.f32 v2, $0.0e+00  }
0x2b: {  	v6 =	vld [tilespmem:s9+$0x6410];
	[tilespmem:s6+$0x6420] =	vst v4;
	v2 =	vmul.f32 $1.131370830e+01, v2;
	v0 =	vmax.f32 v0, $0.0e+00  }
.Ltmp0:
0x2c: {  	v4 =	vld [tilespmem:s9+$0x6420];
	[tilespmem:s6+$0x6430] =	vst v3;
	v0 =	vmul.f32 $1.131370830e+01, v0;
	v1 =	vmax.f32 v1, $0.0e+00;
	(pc) =	sbr.rel @p0 .LBB2_2-.Ltmp0, $4  }
0x2d: {  	v3 =	vld [tilespmem:s9+$0x6430];
	[tilespmem:s6+$0x6440] =	vst v2;
	v1 =	vmul.f32 $1.131370830e+01, v1;
	v7 =	vmax.f32 v7, $0.0e+00  }
0x2e: {  	v2 =	vld [tilespmem:s9+$0x6440];
	[tilespmem:s6+$0x6450] =	vst v0;
	v7 =	vmul.f32 $1.131370830e+01, v7  }
0x2f: {  	v5 =	vmax.f32 v5, $0.0e+00;
	v0 =	vld [tilespmem:s9+$0x6450];
	[tilespmem:s6+$0x6460] =	vst v1  }
0x30: {  	s8 =	sadd.s32 $0x200, s8;
	v5 =	vmul.f32 $1.131370830e+01, v5;
	v6 =	vmax.f32 v6, $0.0e+00;
	v1 =	vld [tilespmem:s9+$0x6460];
	[tilespmem:s6+$0x6470] =	vst v7;
	s6 =	smov.u32 s9  }
0x31: {  	v6 =	vmul.f32 $1.131370830e+01, v6;
	v4 =	vmax.f32 v4, $0.0e+00;
	v7 =	vld [tilespmem:s6+$0x6470]  }
0x32: {  	[tilespmem:s6+$0x6400] =	vst v5;
	v4 =	vmul.f32 $1.131370830e+01, v4;
	v3 =	vmax.f32 v3, $0.0e+00  }
0x33: {  	[tilespmem:s6+$0x6410] =	vst v6;
	v3 =	vmul.f32 $1.131370830e+01, v3;
	v2 =	vmax.f32 v2, $0.0e+00  }
0x34: {  	[tilespmem:s6+$0x6420] =	vst v4;
	v2 =	vmul.f32 $1.131370830e+01, v2;
	v0 =	vmax.f32 v0, $0.0e+00  }
0x35: {  	[tilespmem:s6+$0x6430] =	vst v3;
	v0 =	vmul.f32 $1.131370830e+01, v0;
	v1 =	vmax.f32 v1, $0.0e+00  }
0x36: {  	[tilespmem:s6+$0x6440] =	vst v2;
	v1 =	vmul.f32 $1.131370830e+01, v1;
	v2 =	vmax.f32 v7, $0.0e+00  }
0x37: {  	[tilespmem:s6+$0x6450] =	vst v0;
	v0 =	vmul.f32 $1.131370830e+01, v2  }
0x38: {  	[tilespmem:s6+$0x6460] =	vst v1  }
0x39: {  	s13 =	simm.s32 $0x0;
	s7 =	rddreg [dreg:$0x5];
	[tilespmem:s6+$0x6470] =	vst v0  }
0x3a: {  	[hbm4b:s7+s13] =	stream.linear.scatter [tilespmem:s17], [sflag:$0x6], $0x4000, $0x38;
	[tilespmem:$0x1A400] =	vst v63  }
0x3b: {  	s14 =	simm.s32 $0x180  }
0x3c: {  	[tilespmem:s23], [sflag:$0x4] =	stream.indirect.gather [hbm4b:s1+s16], $0x80, s14, s16, $0xb8;
	[tilespmem:$0x1A400] =	vst v63  }
0x3d: {  	_ =	swait.ge [sflag:s24], $0x4000  }
0x3e: {  	[sflag:s24] =	ssyncset.done $0x0  }
0x3f: {  	s6 =	simm.s32 $0x0;
	[sflag:s24] =	ssyncadd.s32 $0xFFFFC000  }
0x40: {  	v0 =	vld [tilespmem:s6+$0xA400]  }
0x41: {  	v1 =	vld [tilespmem:s6+$0xA410]  }
0x42: {  	v4 =	vld [tilespmem:s6+$0xA420]  }
0x43: {  	v3 =	vld [tilespmem:s6+$0xA430]  }
0x44: {  	v2 =	vld [tilespmem:s6+$0xA440]  }
0x45: {  	v5 =	vmax.f32 v0, $0.0e+00;
	v0 =	vld [tilespmem:s6+$0xA450]  }
0x46: {  	s8 =	simm.s32 $0x200;
	v6 =	vmax.f32 v1, $0.0e+00;
	v1 =	vld [tilespmem:s6+$0xA460];
	v5 =	vmul.f32 $1.131370830e+01, v5  }
.LBB2_4:
0x47: {  	p0 =	sne.s32 s8, $0xFE00;
	v6 =	vmul.f32 $1.131370830e+01, v6;
	v4 =	vmax.f32 v4, $0.0e+00;
	v7 =	vld [tilespmem:s6+$0xA470]  }
0x48: {  	s9 =	sshra.s32 s8, $0x2;
	[tilespmem:s6+$0xA400] =	vst v5;
	v4 =	vmul.f32 $1.131370830e+01, v4;
	v3 =	vmax.f32 v3, $0.0e+00  }
0x49: {  	v5 =	vld [tilespmem:s9+$0xA400];
	[tilespmem:s6+$0xA410] =	vst v6;
	v3 =	vmul.f32 $1.131370830e+01, v3;
	v2 =	vmax.f32 v2, $0.0e+00  }
0x4a: {  	v6 =	vld [tilespmem:s9+$0xA410];
	[tilespmem:s6+$0xA420] =	vst v4;
	v2 =	vmul.f32 $1.131370830e+01, v2;
	v0 =	vmax.f32 v0, $0.0e+00  }
.Ltmp1:
0x4b: {  	v4 =	vld [tilespmem:s9+$0xA420];
	[tilespmem:s6+$0xA430] =	vst v3;
	v0 =	vmul.f32 $1.131370830e+01, v0;
	v1 =	vmax.f32 v1, $0.0e+00;
	(pc) =	sbr.rel @p0 .LBB2_4-.Ltmp1, $4  }
0x4c: {  	v3 =	vld [tilespmem:s9+$0xA430];
	[tilespmem:s6+$0xA440] =	vst v2;
	v1 =	vmul.f32 $1.131370830e+01, v1;
	v7 =	vmax.f32 v7, $0.0e+00  }
0x4d: {  	v2 =	vld [tilespmem:s9+$0xA440];
	[tilespmem:s6+$0xA450] =	vst v0;
	v7 =	vmul.f32 $1.131370830e+01, v7  }
0x4e: {  	v5 =	vmax.f32 v5, $0.0e+00;
	v0 =	vld [tilespmem:s9+$0xA450];
	[tilespmem:s6+$0xA460] =	vst v1  }
0x4f: {  	s8 =	sadd.s32 $0x200, s8;
	v5 =	vmul.f32 $1.131370830e+01, v5;
	v6 =	vmax.f32 v6, $0.0e+00;
	v1 =	vld [tilespmem:s9+$0xA460];
	[tilespmem:s6+$0xA470] =	vst v7;
	s6 =	smov.u32 s9  }
0x50: {  	v6 =	vmul.f32 $1.131370830e+01, v6;
	v4 =	vmax.f32 v4, $0.0e+00;
	v7 =	vld [tilespmem:s6+$0xA470]  }
0x51: {  	[tilespmem:s6+$0xA400] =	vst v5;
	v4 =	vmul.f32 $1.131370830e+01, v4;
	v3 =	vmax.f32 v3, $0.0e+00  }
0x52: {  	[tilespmem:s6+$0xA410] =	vst v6;
	v3 =	vmul.f32 $1.131370830e+01, v3;
	v2 =	vmax.f32 v2, $0.0e+00  }
0x53: {  	[tilespmem:s6+$0xA420] =	vst v4;
	v2 =	vmul.f32 $1.131370830e+01, v2;
	v0 =	vmax.f32 v0, $0.0e+00  }
0x54: {  	[tilespmem:s6+$0xA430] =	vst v3;
	v0 =	vmul.f32 $1.131370830e+01, v0;
	v1 =	vmax.f32 v1, $0.0e+00  }
0x55: {  	[tilespmem:s6+$0xA440] =	vst v2;
	v1 =	vmul.f32 $1.131370830e+01, v1;
	v2 =	vmax.f32 v7, $0.0e+00  }
0x56: {  	[tilespmem:s6+$0xA450] =	vst v0;
	v0 =	vmul.f32 $1.131370830e+01, v2  }
0x57: {  	[tilespmem:s6+$0xA460] =	vst v1  }
0x58: {  	s13 =	simm.s32 $0x0;
	s7 =	rddreg [dreg:$0x6];
	[tilespmem:s6+$0xA470] =	vst v0  }
0x59: {  	[hbm4b:s7+s13] =	stream.linear.scatter [tilespmem:s18], [sflag:$0x7], $0x4000, $0x38;
	[tilespmem:$0x1A400] =	vst v63  }
0x5a: {  	s14 =	simm.s32 $0x200  }
0x5b: {  	[tilespmem:s26], [sflag:$0x5] =	stream.indirect.gather [hbm4b:s1+s16], $0x80, s14, s16, $0xb8;
	[tilespmem:$0x1A400] =	vst v63  }
0x5c: {  	_ =	swait.ge [sflag:s28], $0x4000  }
0x5d: {  	[sflag:s28] =	ssyncset.done $0x0  }
0x5e: {  	s6 =	simm.s32 $0x0;
	[sflag:s28] =	ssyncadd.s32 $0xFFFFC000  }
0x5f: {  	v0 =	vld [tilespmem:s6+$0xE400]  }
0x60: {  	v1 =	vld [tilespmem:s6+$0xE410]  }
0x61: {  	v4 =	vld [tilespmem:s6+$0xE420]  }
0x62: {  	v3 =	vld [tilespmem:s6+$0xE430]  }
0x63: {  	v2 =	vld [tilespmem:s6+$0xE440]  }
0x64: {  	v5 =	vmax.f32 v0, $0.0e+00;
	v0 =	vld [tilespmem:s6+$0xE450]  }
0x65: {  	s8 =	simm.s32 $0x200;
	v6 =	vmax.f32 v1, $0.0e+00;
	v1 =	vld [tilespmem:s6+$0xE460];
	v5 =	vmul.f32 $1.131370830e+01, v5  }
.LBB2_6:
0x66: {  	p0 =	sne.s32 s8, $0xFE00;
	v6 =	vmul.f32 $1.131370830e+01, v6;
	v4 =	vmax.f32 v4, $0.0e+00;
	v7 =	vld [tilespmem:s6+$0xE470]  }
0x67: {  	s9 =	sshra.s32 s8, $0x2;
	[tilespmem:s6+$0xE400] =	vst v5;
	v4 =	vmul.f32 $1.131370830e+01, v4;
	v3 =	vmax.f32 v3, $0.0e+00  }
0x68: {  	v5 =	vld [tilespmem:s9+$0xE400];
	[tilespmem:s6+$0xE410] =	vst v6;
	v3 =	vmul.f32 $1.131370830e+01, v3;
	v2 =	vmax.f32 v2, $0.0e+00  }
0x69: {  	v6 =	vld [tilespmem:s9+$0xE410];
	[tilespmem:s6+$0xE420] =	vst v4;
	v2 =	vmul.f32 $1.131370830e+01, v2;
	v0 =	vmax.f32 v0, $0.0e+00  }
.Ltmp2:
0x6a: {  	v4 =	vld [tilespmem:s9+$0xE420];
	[tilespmem:s6+$0xE430] =	vst v3;
	v0 =	vmul.f32 $1.131370830e+01, v0;
	v1 =	vmax.f32 v1, $0.0e+00;
	(pc) =	sbr.rel @p0 .LBB2_6-.Ltmp2, $4  }
0x6b: {  	v3 =	vld [tilespmem:s9+$0xE430];
	[tilespmem:s6+$0xE440] =	vst v2;
	v1 =	vmul.f32 $1.131370830e+01, v1;
	v7 =	vmax.f32 v7, $0.0e+00  }
0x6c: {  	v2 =	vld [tilespmem:s9+$0xE440];
	[tilespmem:s6+$0xE450] =	vst v0;
	v7 =	vmul.f32 $1.131370830e+01, v7  }
0x6d: {  	v5 =	vmax.f32 v5, $0.0e+00;
	v0 =	vld [tilespmem:s9+$0xE450];
	[tilespmem:s6+$0xE460] =	vst v1  }
0x6e: {  	s8 =	sadd.s32 $0x200, s8;
	v5 =	vmul.f32 $1.131370830e+01, v5;
	v6 =	vmax.f32 v6, $0.0e+00;
	v1 =	vld [tilespmem:s9+$0xE460];
	[tilespmem:s6+$0xE470] =	vst v7;
	s6 =	smov.u32 s9  }
0x6f: {  	v6 =	vmul.f32 $1.131370830e+01, v6;
	v4 =	vmax.f32 v4, $0.0e+00;
	v7 =	vld [tilespmem:s6+$0xE470]  }
0x70: {  	[tilespmem:s6+$0xE400] =	vst v5;
	v4 =	vmul.f32 $1.131370830e+01, v4;
	v3 =	vmax.f32 v3, $0.0e+00  }
0x71: {  	[tilespmem:s6+$0xE410] =	vst v6;
	v3 =	vmul.f32 $1.131370830e+01, v3;
	v2 =	vmax.f32 v2, $0.0e+00  }
0x72: {  	[tilespmem:s6+$0xE420] =	vst v4;
	v2 =	vmul.f32 $1.131370830e+01, v2;
	v0 =	vmax.f32 v0, $0.0e+00  }
0x73: {  	[tilespmem:s6+$0xE430] =	vst v3;
	v0 =	vmul.f32 $1.131370830e+01, v0;
	v1 =	vmax.f32 v1, $0.0e+00  }
0x74: {  	[tilespmem:s6+$0xE440] =	vst v2;
	v1 =	vmul.f32 $1.131370830e+01, v1;
	v62 =	vmax.f32 v7, $0.0e+00  }
0x75: {  	[tilespmem:s6+$0xE450] =	vst v0;
	v63 =	vmul.f32 $1.131370830e+01, v62  }
0x76: {  	[tilespmem:s6+$0xE460] =	vst v1  }
0x77: {  	s7 =	rddreg [dreg:$0x7];
	[tilespmem:s6+$0xE470] =	vst v63;
	s6 =	simm.s32 $0x0  }
0x78: {  	[hbm4b:s7+s6] =	stream.linear.scatter [tilespmem:s20], [sflag:$0x8], $0x4000, $0x38;
	[tilespmem:$0x1A400] =	vst v63  }
.LBB2_8:
0x79: {  	s12 =	smul.u32 $0x5, s6;
	_ =	sdelay $0x1  }
0x7a: {  	_ =	swait.ge [sflag:s29], $0x4000;
	s8 =	sadd.s32 $0x5, s12  }
0x7b: {  	[sflag:s29] =	ssyncset.done $0x0;
	s9 =	sshll.u32 s8, $0x7  }
0x7c: {  	[sflag:s29] =	ssyncadd.s32 $0xFFFFC000;
	s9 =	sand.u32 $0x3FFFFF80, s9  }
0x7d: {  	[tilespmem:s17], [sflag:$0x1] =	stream.indirect.gather [hbm4b:s1+s16], $0x80, s9, s16, $0xb8;
	[tilespmem:$0x1A400] =	vst v63  }
0x7e: {  	_ =	swait.ge [sflag:s30], $0x4000  }
0x7f: {  	[sflag:s30] =	ssyncset.done $0x0  }
0x80: {  	s9 =	simm.s32 $0x0;
	[sflag:s30] =	ssyncadd.s32 $0xFFFFC000  }
0x81: {  	v0 =	vld [tilespmem:s9+$0x12400]  }
0x82: {  	v1 =	vld [tilespmem:s9+$0x12410]  }
0x83: {  	v4 =	vld [tilespmem:s9+$0x12420]  }
0x84: {  	v3 =	vld [tilespmem:s9+$0x12430]  }
0x85: {  	v2 =	vld [tilespmem:s9+$0x12440]  }
0x86: {  	v5 =	vmax.f32 v0, $0.0e+00;
	v0 =	vld [tilespmem:s9+$0x12450]  }
0x87: {  	s13 =	simm.s32 $0x200;
	v6 =	vmax.f32 v1, $0.0e+00;
	v1 =	vld [tilespmem:s9+$0x12460];
	v5 =	vmul.f32 $1.131370830e+01, v5  }
.LBB2_9:
0x88: {  	p0 =	sne.s32 s13, $0xFE00;
	v6 =	vmul.f32 $1.131370830e+01, v6;
	v4 =	vmax.f32 v4, $0.0e+00;
	v7 =	vld [tilespmem:s9+$0x12470]  }
0x89: {  	s14 =	sshra.s32 s13, $0x2;
	[tilespmem:s9+$0x12400] =	vst v5;
	v4 =	vmul.f32 $1.131370830e+01, v4;
	v3 =	vmax.f32 v3, $0.0e+00  }
0x8a: {  	v5 =	vld [tilespmem:s14+$0x12400];
	[tilespmem:s9+$0x12410] =	vst v6;
	v3 =	vmul.f32 $1.131370830e+01, v3;
	v2 =	vmax.f32 v2, $0.0e+00  }
0x8b: {  	v6 =	vld [tilespmem:s14+$0x12410];
	[tilespmem:s9+$0x12420] =	vst v4;
	v2 =	vmul.f32 $1.131370830e+01, v2;
	v0 =	vmax.f32 v0, $0.0e+00  }
.Ltmp3:
0x8c: {  	v4 =	vld [tilespmem:s14+$0x12420];
	[tilespmem:s9+$0x12430] =	vst v3;
	v0 =	vmul.f32 $1.131370830e+01, v0;
	v1 =	vmax.f32 v1, $0.0e+00;
	(pc) =	sbr.rel @p0 .LBB2_9-.Ltmp3, $4  }
0x8d: {  	v3 =	vld [tilespmem:s14+$0x12430];
	[tilespmem:s9+$0x12440] =	vst v2;
	v1 =	vmul.f32 $1.131370830e+01, v1;
	v7 =	vmax.f32 v7, $0.0e+00  }
0x8e: {  	v2 =	vld [tilespmem:s14+$0x12440];
	[tilespmem:s9+$0x12450] =	vst v0;
	v7 =	vmul.f32 $1.131370830e+01, v7  }
0x8f: {  	v5 =	vmax.f32 v5, $0.0e+00;
	v0 =	vld [tilespmem:s14+$0x12450];
	[tilespmem:s9+$0x12460] =	vst v1  }
0x90: {  	s13 =	sadd.s32 $0x200, s13;
	v5 =	vmul.f32 $1.131370830e+01, v5;
	v6 =	vmax.f32 v6, $0.0e+00;
	v1 =	vld [tilespmem:s14+$0x12460];
	[tilespmem:s9+$0x12470] =	vst v7;
	s9 =	smov.u32 s14  }
0x91: {  	v6 =	vmul.f32 $1.131370830e+01, v6;
	v4 =	vmax.f32 v4, $0.0e+00;
	v7 =	vld [tilespmem:s9+$0x12470]  }
0x92: {  	[tilespmem:s9+$0x12400] =	vst v5;
	v4 =	vmul.f32 $1.131370830e+01, v4;
	v3 =	vmax.f32 v3, $0.0e+00  }
0x93: {  	[tilespmem:s9+$0x12410] =	vst v6;
	v3 =	vmul.f32 $1.131370830e+01, v3;
	v2 =	vmax.f32 v2, $0.0e+00  }
0x94: {  	[tilespmem:s9+$0x12420] =	vst v4;
	v2 =	vmul.f32 $1.131370830e+01, v2;
	v0 =	vmax.f32 v0, $0.0e+00  }
0x95: {  	[tilespmem:s9+$0x12430] =	vst v3;
	v0 =	vmul.f32 $1.131370830e+01, v0;
	v1 =	vmax.f32 v1, $0.0e+00  }
0x96: {  	s13 =	sadd.s32 s12, s10;
	[tilespmem:s9+$0x12440] =	vst v2;
	v1 =	vmul.f32 $1.131370830e+01, v1;
	v2 =	vmax.f32 v7, $0.0e+00  }
0x97: {  	s13 =	sshll.u32 s13, $0xB;
	[tilespmem:s9+$0x12450] =	vst v0;
	v0 =	vmul.f32 $1.131370830e+01, v2  }
0x98: {  	s13 =	sand.u32 $0x1FFFF800, s13;
	[tilespmem:s9+$0x12460] =	vst v1  }
0x99: {  	s7 =	simm.s32 $0x0;
	s14 =	sadd.s32 s3, s13;
	[tilespmem:s9+$0x12470] =	vst v0  }
0x9a: {  	[hbm4b:s14+s7] =	stream.linear.scatter [tilespmem:s23], [sflag:$0x9], $0x4000, $0x38;
	[tilespmem:$0x1A400] =	vst v63  }
0x9b: {  	s9 =	sadd.s32 $0x6, s12;
	_ =	swait.ge [sflag:s31], $0x4000  }
0x9c: {  	s14 =	sshll.u32 s9, $0x7;
	[sflag:s31] =	ssyncset.done $0x0  }
0x9d: {  	s13 =	sand.u32 $0x3FFFFF80, s14;
	[sflag:s31] =	ssyncadd.s32 $0xFFFFC000  }
0x9e: {  	[tilespmem:s18], [sflag:$0x2] =	stream.indirect.gather [hbm4b:s1+s16], $0x80, s13, s16, $0xb8;
	[tilespmem:$0x1A400] =	vst v63  }
0x9f: {  	_ =	swait.ge [sflag:s2], $0x4000  }
0xa0: {  	[sflag:s2] =	ssyncset.done $0x0  }
0xa1: {  	s13 =	simm.s32 $0x0;
	[sflag:s2] =	ssyncadd.s32 $0xFFFFC000  }
0xa2: {  	v0 =	vld [tilespmem:s13+$0x16400]  }
0xa3: {  	v1 =	vld [tilespmem:s13+$0x16410]  }
0xa4: {  	v4 =	vld [tilespmem:s13+$0x16420]  }
0xa5: {  	v3 =	vld [tilespmem:s13+$0x16430]  }
0xa6: {  	v2 =	vld [tilespmem:s13+$0x16440]  }
0xa7: {  	v5 =	vmax.f32 v0, $0.0e+00;
	v0 =	vld [tilespmem:s13+$0x16450]  }
0xa8: {  	s14 =	simm.s32 $0x200;
	v6 =	vmax.f32 v1, $0.0e+00;
	v1 =	vld [tilespmem:s13+$0x16460];
	v5 =	vmul.f32 $1.131370830e+01, v5  }
.LBB2_11:
0xa9: {  	p0 =	sne.s32 s14, $0xFE00;
	v6 =	vmul.f32 $1.131370830e+01, v6;
	v4 =	vmax.f32 v4, $0.0e+00;
	v7 =	vld [tilespmem:s13+$0x16470]  }
0xaa: {  	s7 =	sshra.s32 s14, $0x2;
	[tilespmem:s13+$0x16400] =	vst v5;
	v4 =	vmul.f32 $1.131370830e+01, v4;
	v3 =	vmax.f32 v3, $0.0e+00  }
0xab: {  	v5 =	vld [tilespmem:s7+$0x16400];
	[tilespmem:s13+$0x16410] =	vst v6;
	v3 =	vmul.f32 $1.131370830e+01, v3;
	v2 =	vmax.f32 v2, $0.0e+00  }
0xac: {  	v6 =	vld [tilespmem:s7+$0x16410];
	[tilespmem:s13+$0x16420] =	vst v4;
	v2 =	vmul.f32 $1.131370830e+01, v2;
	v0 =	vmax.f32 v0, $0.0e+00  }
.Ltmp4:
0xad: {  	v4 =	vld [tilespmem:s7+$0x16420];
	[tilespmem:s13+$0x16430] =	vst v3;
	v0 =	vmul.f32 $1.131370830e+01, v0;
	v1 =	vmax.f32 v1, $0.0e+00;
	(pc) =	sbr.rel @p0 .LBB2_11-.Ltmp4, $4  }
0xae: {  	v3 =	vld [tilespmem:s7+$0x16430];
	[tilespmem:s13+$0x16440] =	vst v2;
	v1 =	vmul.f32 $1.131370830e+01, v1;
	v7 =	vmax.f32 v7, $0.0e+00  }
0xaf: {  	v2 =	vld [tilespmem:s7+$0x16440];
	[tilespmem:s13+$0x16450] =	vst v0;
	v7 =	vmul.f32 $1.131370830e+01, v7  }
0xb0: {  	v5 =	vmax.f32 v5, $0.0e+00;
	v0 =	vld [tilespmem:s7+$0x16450];
	[tilespmem:s13+$0x16460] =	vst v1  }
0xb1: {  	s14 =	sadd.s32 $0x200, s14;
	v5 =	vmul.f32 $1.131370830e+01, v5;
	v6 =	vmax.f32 v6, $0.0e+00;
	v1 =	vld [tilespmem:s7+$0x16460];
	[tilespmem:s13+$0x16470] =	vst v7;
	s13 =	smov.u32 s7  }
0xb2: {  	v6 =	vmul.f32 $1.131370830e+01, v6;
	v4 =	vmax.f32 v4, $0.0e+00;
	v7 =	vld [tilespmem:s13+$0x16470]  }
0xb3: {  	[tilespmem:s13+$0x16400] =	vst v5;
	v4 =	vmul.f32 $1.131370830e+01, v4;
	v3 =	vmax.f32 v3, $0.0e+00  }
0xb4: {  	[tilespmem:s13+$0x16410] =	vst v6;
	v3 =	vmul.f32 $1.131370830e+01, v3;
	v2 =	vmax.f32 v2, $0.0e+00  }
0xb5: {  	[tilespmem:s13+$0x16420] =	vst v4;
	v2 =	vmul.f32 $1.131370830e+01, v2;
	v0 =	vmax.f32 v0, $0.0e+00  }
0xb6: {  	[tilespmem:s13+$0x16430] =	vst v3;
	v0 =	vmul.f32 $1.131370830e+01, v0;
	v1 =	vmax.f32 v1, $0.0e+00  }
0xb7: {  	s7 =	sadd.s32 s12, s11;
	[tilespmem:s13+$0x16440] =	vst v2;
	v1 =	vmul.f32 $1.131370830e+01, v1;
	v2 =	vmax.f32 v7, $0.0e+00  }
0xb8: {  	s7 =	sshll.u32 s7, $0xB;
	[tilespmem:s13+$0x16450] =	vst v0;
	v0 =	vmul.f32 $1.131370830e+01, v2  }
0xb9: {  	s7 =	sand.u32 $0x1FFFF800, s7;
	[tilespmem:s13+$0x16460] =	vst v1  }
0xba: {  	s14 =	simm.s32 $0x0;
	s7 =	sadd.s32 s3, s7;
	[tilespmem:s13+$0x16470] =	vst v0  }
0xbb: {  	[hbm4b:s7+s14] =	stream.linear.scatter [tilespmem:s26], [sflag:$0xA], $0x4000, $0x38;
	[tilespmem:$0x1A400] =	vst v63  }
0xbc: {  	s12 =	sadd.s32 $0x7, s12;
	_ =	swait.ge [sflag:s0], $0x4000  }
0xbd: {  	s14 =	sshll.u32 s12, $0x7;
	[sflag:s0] =	ssyncset.done $0x0  }
0xbe: {  	s7 =	sand.u32 $0x3FFFFF80, s14;
	[sflag:s0] =	ssyncadd.s32 $0xFFFFC000  }
0xbf: {  	[tilespmem:s20], [sflag:$0x3] =	stream.indirect.gather [hbm4b:s1+s16], $0x80, s7, s16, $0xb8;
	[tilespmem:$0x1A400] =	vst v63  }
0xc0: {  	_ =	swait.ge [sflag:s21], $0x4000  }
0xc1: {  	[sflag:s21] =	ssyncset.done $0x0  }
0xc2: {  	s13 =	simm.s32 $0x0;
	[sflag:s21] =	ssyncadd.s32 $0xFFFFC000  }
0xc3: {  	v0 =	vld [tilespmem:s13+$0x6400]  }
0xc4: {  	v1 =	vld [tilespmem:s13+$0x6410]  }
0xc5: {  	v4 =	vld [tilespmem:s13+$0x6420]  }
0xc6: {  	v3 =	vld [tilespmem:s13+$0x6430]  }
0xc7: {  	v2 =	vld [tilespmem:s13+$0x6440]  }
0xc8: {  	v5 =	vmax.f32 v0, $0.0e+00;
	v0 =	vld [tilespmem:s13+$0x6450]  }
0xc9: {  	s14 =	simm.s32 $0x200;
	v6 =	vmax.f32 v1, $0.0e+00;
	v1 =	vld [tilespmem:s13+$0x6460];
	v5 =	vmul.f32 $1.131370830e+01, v5  }
.LBB2_13:
0xca: {  	p0 =	sne.s32 s14, $0xFE00;
	v6 =	vmul.f32 $1.131370830e+01, v6;
	v4 =	vmax.f32 v4, $0.0e+00;
	v7 =	vld [tilespmem:s13+$0x6470]  }
0xcb: {  	s7 =	sshra.s32 s14, $0x2;
	[tilespmem:s13+$0x6400] =	vst v5;
	v4 =	vmul.f32 $1.131370830e+01, v4;
	v3 =	vmax.f32 v3, $0.0e+00  }
0xcc: {  	v5 =	vld [tilespmem:s7+$0x6400];
	[tilespmem:s13+$0x6410] =	vst v6;
	v3 =	vmul.f32 $1.131370830e+01, v3;
	v2 =	vmax.f32 v2, $0.0e+00  }
0xcd: {  	v6 =	vld [tilespmem:s7+$0x6410];
	[tilespmem:s13+$0x6420] =	vst v4;
	v2 =	vmul.f32 $1.131370830e+01, v2;
	v0 =	vmax.f32 v0, $0.0e+00  }
.Ltmp5:
0xce: {  	v4 =	vld [tilespmem:s7+$0x6420];
	[tilespmem:s13+$0x6430] =	vst v3;
	v0 =	vmul.f32 $1.131370830e+01, v0;
	v1 =	vmax.f32 v1, $0.0e+00;
	(pc) =	sbr.rel @p0 .LBB2_13-.Ltmp5, $4  }
0xcf: {  	v3 =	vld [tilespmem:s7+$0x6430];
	[tilespmem:s13+$0x6440] =	vst v2;
	v1 =	vmul.f32 $1.131370830e+01, v1;
	v7 =	vmax.f32 v7, $0.0e+00  }
0xd0: {  	v2 =	vld [tilespmem:s7+$0x6440];
	[tilespmem:s13+$0x6450] =	vst v0;
	v7 =	vmul.f32 $1.131370830e+01, v7  }
0xd1: {  	v5 =	vmax.f32 v5, $0.0e+00;
	v0 =	vld [tilespmem:s7+$0x6450];
	[tilespmem:s13+$0x6460] =	vst v1  }
0xd2: {  	s14 =	sadd.s32 $0x200, s14;
	v5 =	vmul.f32 $1.131370830e+01, v5;
	v6 =	vmax.f32 v6, $0.0e+00;
	v1 =	vld [tilespmem:s7+$0x6460];
	[tilespmem:s13+$0x6470] =	vst v7;
	s13 =	smov.u32 s7  }
0xd3: {  	v6 =	vmul.f32 $1.131370830e+01, v6;
	v4 =	vmax.f32 v4, $0.0e+00;
	v7 =	vld [tilespmem:s13+$0x6470]  }
0xd4: {  	[tilespmem:s13+$0x6400] =	vst v5;
	v4 =	vmul.f32 $1.131370830e+01, v4;
	v3 =	vmax.f32 v3, $0.0e+00  }
0xd5: {  	[tilespmem:s13+$0x6410] =	vst v6;
	v3 =	vmul.f32 $1.131370830e+01, v3;
	v2 =	vmax.f32 v2, $0.0e+00  }
0xd6: {  	[tilespmem:s13+$0x6420] =	vst v4;
	v2 =	vmul.f32 $1.131370830e+01, v2;
	v0 =	vmax.f32 v0, $0.0e+00  }
0xd7: {  	[tilespmem:s13+$0x6430] =	vst v3;
	v0 =	vmul.f32 $1.131370830e+01, v0;
	v1 =	vmax.f32 v1, $0.0e+00  }
0xd8: {  	s7 =	sadd.s32 s5, s8;
	[tilespmem:s13+$0x6440] =	vst v2;
	v1 =	vmul.f32 $1.131370830e+01, v1;
	v2 =	vmax.f32 v7, $0.0e+00  }
0xd9: {  	s7 =	sshll.u32 s7, $0xB;
	[tilespmem:s13+$0x6450] =	vst v0;
	v0 =	vmul.f32 $1.131370830e+01, v2  }
0xda: {  	s7 =	sand.u32 $0x1FFFF800, s7;
	[tilespmem:s13+$0x6460] =	vst v1  }
0xdb: {  	s14 =	smul.u32 $0xA00, s6;
	s7 =	sadd.s32 s3, s7;
	[tilespmem:s13+$0x6470] =	vst v0;
	s13 =	simm.s32 $0x0  }
0xdc: {  	[hbm4b:s7+s13] =	stream.linear.scatter [tilespmem:s17], [sflag:$0x6], $0x4000, $0x38;
	[tilespmem:$0x1A400] =	vst v63  }
0xdd: {  	_ =	swait.ge [sflag:s19], $0x4000  }
0xde: {  	s8 =	sshra.s32 s14, $0x2;
	[sflag:s19] =	ssyncset.done $0x0  }
0xdf: {  	s7 =	sadd.s32 $0x400, s8;
	[sflag:s19] =	ssyncadd.s32 $0xFFFFC000  }
0xe0: {  	[tilespmem:s23], [sflag:$0x4] =	stream.indirect.gather [hbm4b:s1+s16], $0x80, s7, s16, $0xb8;
	[tilespmem:$0x1A400] =	vst v63  }
0xe1: {  	_ =	swait.ge [sflag:s24], $0x4000  }
0xe2: {  	[sflag:s24] =	ssyncset.done $0x0  }
0xe3: {  	s13 =	simm.s32 $0x0;
	[sflag:s24] =	ssyncadd.s32 $0xFFFFC000  }
0xe4: {  	v0 =	vld [tilespmem:s13+$0xA400]  }
0xe5: {  	v1 =	vld [tilespmem:s13+$0xA410]  }
0xe6: {  	v4 =	vld [tilespmem:s13+$0xA420]  }
0xe7: {  	v3 =	vld [tilespmem:s13+$0xA430]  }
0xe8: {  	v2 =	vld [tilespmem:s13+$0xA440]  }
0xe9: {  	v5 =	vmax.f32 v0, $0.0e+00;
	v0 =	vld [tilespmem:s13+$0xA450]  }
0xea: {  	s14 =	simm.s32 $0x200;
	v6 =	vmax.f32 v1, $0.0e+00;
	v1 =	vld [tilespmem:s13+$0xA460];
	v5 =	vmul.f32 $1.131370830e+01, v5  }
.LBB2_15:
0xeb: {  	p0 =	sne.s32 s14, $0xFE00;
	v6 =	vmul.f32 $1.131370830e+01, v6;
	v4 =	vmax.f32 v4, $0.0e+00;
	v7 =	vld [tilespmem:s13+$0xA470]  }
0xec: {  	s7 =	sshra.s32 s14, $0x2;
	[tilespmem:s13+$0xA400] =	vst v5;
	v4 =	vmul.f32 $1.131370830e+01, v4;
	v3 =	vmax.f32 v3, $0.0e+00  }
0xed: {  	v5 =	vld [tilespmem:s7+$0xA400];
	[tilespmem:s13+$0xA410] =	vst v6;
	v3 =	vmul.f32 $1.131370830e+01, v3;
	v2 =	vmax.f32 v2, $0.0e+00  }
0xee: {  	v6 =	vld [tilespmem:s7+$0xA410];
	[tilespmem:s13+$0xA420] =	vst v4;
	v2 =	vmul.f32 $1.131370830e+01, v2;
	v0 =	vmax.f32 v0, $0.0e+00  }
.Ltmp6:
0xef: {  	v4 =	vld [tilespmem:s7+$0xA420];
	[tilespmem:s13+$0xA430] =	vst v3;
	v0 =	vmul.f32 $1.131370830e+01, v0;
	v1 =	vmax.f32 v1, $0.0e+00;
	(pc) =	sbr.rel @p0 .LBB2_15-.Ltmp6, $4  }
0xf0: {  	v3 =	vld [tilespmem:s7+$0xA430];
	[tilespmem:s13+$0xA440] =	vst v2;
	v1 =	vmul.f32 $1.131370830e+01, v1;
	v7 =	vmax.f32 v7, $0.0e+00  }
0xf1: {  	v2 =	vld [tilespmem:s7+$0xA440];
	[tilespmem:s13+$0xA450] =	vst v0;
	v7 =	vmul.f32 $1.131370830e+01, v7  }
0xf2: {  	v5 =	vmax.f32 v5, $0.0e+00;
	v0 =	vld [tilespmem:s7+$0xA450];
	[tilespmem:s13+$0xA460] =	vst v1  }
0xf3: {  	s14 =	sadd.s32 $0x200, s14;
	v5 =	vmul.f32 $1.131370830e+01, v5;
	v6 =	vmax.f32 v6, $0.0e+00;
	v1 =	vld [tilespmem:s7+$0xA460];
	[tilespmem:s13+$0xA470] =	vst v7;
	s13 =	smov.u32 s7  }
0xf4: {  	v6 =	vmul.f32 $1.131370830e+01, v6;
	v4 =	vmax.f32 v4, $0.0e+00;
	v7 =	vld [tilespmem:s13+$0xA470]  }
0xf5: {  	[tilespmem:s13+$0xA400] =	vst v5;
	v4 =	vmul.f32 $1.131370830e+01, v4;
	v3 =	vmax.f32 v3, $0.0e+00  }
0xf6: {  	[tilespmem:s13+$0xA410] =	vst v6;
	v3 =	vmul.f32 $1.131370830e+01, v3;
	v2 =	vmax.f32 v2, $0.0e+00  }
0xf7: {  	[tilespmem:s13+$0xA420] =	vst v4;
	v2 =	vmul.f32 $1.131370830e+01, v2;
	v0 =	vmax.f32 v0, $0.0e+00  }
0xf8: {  	[tilespmem:s13+$0xA430] =	vst v3;
	v0 =	vmul.f32 $1.131370830e+01, v0;
	v1 =	vmax.f32 v1, $0.0e+00  }
0xf9: {  	s7 =	sadd.s32 s5, s9;
	[tilespmem:s13+$0xA440] =	vst v2;
	v1 =	vmul.f32 $1.131370830e+01, v1;
	v2 =	vmax.f32 v7, $0.0e+00  }
0xfa: {  	s7 =	sshll.u32 s7, $0xB;
	[tilespmem:s13+$0xA450] =	vst v0;
	v0 =	vmul.f32 $1.131370830e+01, v2  }
0xfb: {  	s7 =	sand.u32 $0x1FFFF800, s7;
	[tilespmem:s13+$0xA460] =	vst v1  }
0xfc: {  	s7 =	sadd.s32 s3, s7;
	[tilespmem:s13+$0xA470] =	vst v0;
	s13 =	simm.s32 $0x0  }
0xfd: {  	[hbm4b:s7+s13] =	stream.linear.scatter [tilespmem:s18], [sflag:$0x7], $0x4000, $0x38;
	[tilespmem:$0x1A400] =	vst v63  }
0xfe: {  	_ =	swait.ge [sflag:s22], $0x4000  }
0xff: {  	[sflag:s22] =	ssyncset.done $0x0  }
0x100: {  	s14 =	sadd.s32 $0x480, s8;
	[sflag:s22] =	ssyncadd.s32 $0xFFFFC000  }
0x101: {  	[tilespmem:s26], [sflag:$0x5] =	stream.indirect.gather [hbm4b:s1+s16], $0x80, s14, s16, $0xb8;
	[tilespmem:$0x1A400] =	vst v63  }
0x102: {  	_ =	swait.ge [sflag:s28], $0x4000  }
0x103: {  	[sflag:s28] =	ssyncset.done $0x0  }
0x104: {  	s8 =	simm.s32 $0x0;
	[sflag:s28] =	ssyncadd.s32 $0xFFFFC000  }
0x105: {  	v0 =	vld [tilespmem:s8+$0xE400]  }
0x106: {  	v1 =	vld [tilespmem:s8+$0xE410]  }
0x107: {  	v4 =	vld [tilespmem:s8+$0xE420]  }
0x108: {  	v3 =	vld [tilespmem:s8+$0xE430]  }
0x109: {  	v2 =	vld [tilespmem:s8+$0xE440]  }
0x10a: {  	v5 =	vmax.f32 v0, $0.0e+00;
	v0 =	vld [tilespmem:s8+$0xE450]  }
0x10b: {  	s9 =	simm.s32 $0x200;
	v6 =	vmax.f32 v1, $0.0e+00;
	v1 =	vld [tilespmem:s8+$0xE460];
	v5 =	vmul.f32 $1.131370830e+01, v5  }
.LBB2_17:
0x10c: {  	p0 =	sne.s32 s9, $0xFE00;
	v6 =	vmul.f32 $1.131370830e+01, v6;
	v4 =	vmax.f32 v4, $0.0e+00;
	v7 =	vld [tilespmem:s8+$0xE470]  }
0x10d: {  	s7 =	sshra.s32 s9, $0x2;
	[tilespmem:s8+$0xE400] =	vst v5;
	v4 =	vmul.f32 $1.131370830e+01, v4;
	v3 =	vmax.f32 v3, $0.0e+00  }
0x10e: {  	v5 =	vld [tilespmem:s7+$0xE400];
	[tilespmem:s8+$0xE410] =	vst v6;
	v3 =	vmul.f32 $1.131370830e+01, v3;
	v2 =	vmax.f32 v2, $0.0e+00  }
0x10f: {  	v6 =	vld [tilespmem:s7+$0xE410];
	[tilespmem:s8+$0xE420] =	vst v4;
	v2 =	vmul.f32 $1.131370830e+01, v2;
	v0 =	vmax.f32 v0, $0.0e+00  }
.Ltmp7:
0x110: {  	v4 =	vld [tilespmem:s7+$0xE420];
	[tilespmem:s8+$0xE430] =	vst v3;
	v0 =	vmul.f32 $1.131370830e+01, v0;
	v1 =	vmax.f32 v1, $0.0e+00;
	(pc) =	sbr.rel @p0 .LBB2_17-.Ltmp7, $4  }
0x111: {  	v3 =	vld [tilespmem:s7+$0xE430];
	[tilespmem:s8+$0xE440] =	vst v2;
	v1 =	vmul.f32 $1.131370830e+01, v1;
	v7 =	vmax.f32 v7, $0.0e+00  }
0x112: {  	v2 =	vld [tilespmem:s7+$0xE440];
	[tilespmem:s8+$0xE450] =	vst v0;
	v7 =	vmul.f32 $1.131370830e+01, v7  }
0x113: {  	v5 =	vmax.f32 v5, $0.0e+00;
	v0 =	vld [tilespmem:s7+$0xE450];
	[tilespmem:s8+$0xE460] =	vst v1  }
0x114: {  	s9 =	sadd.s32 $0x200, s9;
	v5 =	vmul.f32 $1.131370830e+01, v5;
	v6 =	vmax.f32 v6, $0.0e+00;
	v1 =	vld [tilespmem:s7+$0xE460];
	[tilespmem:s8+$0xE470] =	vst v7;
	s8 =	smov.u32 s7  }
0x115: {  	v6 =	vmul.f32 $1.131370830e+01, v6;
	v4 =	vmax.f32 v4, $0.0e+00;
	v7 =	vld [tilespmem:s8+$0xE470]  }
0x116: {  	[tilespmem:s8+$0xE400] =	vst v5;
	v4 =	vmul.f32 $1.131370830e+01, v4;
	v3 =	vmax.f32 v3, $0.0e+00  }
0x117: {  	[tilespmem:s8+$0xE410] =	vst v6;
	v3 =	vmul.f32 $1.131370830e+01, v3;
	v2 =	vmax.f32 v2, $0.0e+00  }
0x118: {  	s6 =	sadd.s32 $0x1, s6;
	[tilespmem:s8+$0xE420] =	vst v4;
	v2 =	vmul.f32 $1.131370830e+01, v2;
	v0 =	vmax.f32 v0, $0.0e+00  }
0x119: {  	p0 =	sne.s32 s6, $0x27;
	[tilespmem:s8+$0xE430] =	vst v3;
	v0 =	vmul.f32 $1.131370830e+01, v0;
	v1 =	vmax.f32 v1, $0.0e+00  }
.Ltmp8:
0x11a: {  	s7 =	sadd.s32 s5, s12;
	[tilespmem:s8+$0xE440] =	vst v2;
	v1 =	vmul.f32 $1.131370830e+01, v1;
	v62 =	vmax.f32 v7, $0.0e+00;
	(pc) =	sbr.rel @p0 .LBB2_8-.Ltmp8, $4  }
0x11b: {  	s7 =	sshll.u32 s7, $0xB;
	[tilespmem:s8+$0xE450] =	vst v0;
	v63 =	vmul.f32 $1.131370830e+01, v62  }
0x11c: {  	s7 =	sand.u32 $0x1FFFF800, s7;
	[tilespmem:s8+$0xE460] =	vst v1  }
0x11d: {  	s7 =	sadd.s32 s3, s7;
	[tilespmem:s8+$0xE470] =	vst v63  }
0x11e: {  	[hbm4b:s7+s4] =	stream.linear.scatter [tilespmem:s20], [sflag:$0x8], $0x4000, $0x38;
	[tilespmem:$0x1A400] =	vst v63  }
0x11f: {  	_ =	swait.ge [sflag:s30], $0x4000  }
0x120: {  	[sflag:s30] =	ssyncset.done $0x0  }
0x121: {  	s6 =	simm.s32 $0x0;
	[sflag:s30] =	ssyncadd.s32 $0xFFFFC000  }
0x122: {  	v0 =	vld [tilespmem:s6+$0x12400]  }
0x123: {  	v1 =	vld [tilespmem:s6+$0x12410]  }
0x124: {  	v4 =	vld [tilespmem:s6+$0x12420]  }
0x125: {  	v3 =	vld [tilespmem:s6+$0x12430]  }
0x126: {  	v2 =	vld [tilespmem:s6+$0x12440]  }
0x127: {  	v5 =	vmax.f32 v0, $0.0e+00;
	v0 =	vld [tilespmem:s6+$0x12450]  }
0x128: {  	s8 =	simm.s32 $0x200;
	v6 =	vmax.f32 v1, $0.0e+00;
	v1 =	vld [tilespmem:s6+$0x12460];
	v5 =	vmul.f32 $1.131370830e+01, v5  }
.LBB2_20:
0x129: {  	p0 =	sne.s32 s8, $0xFE00;
	v6 =	vmul.f32 $1.131370830e+01, v6;
	v4 =	vmax.f32 v4, $0.0e+00;
	v7 =	vld [tilespmem:s6+$0x12470]  }
0x12a: {  	s7 =	sshra.s32 s8, $0x2;
	[tilespmem:s6+$0x12400] =	vst v5;
	v4 =	vmul.f32 $1.131370830e+01, v4;
	v3 =	vmax.f32 v3, $0.0e+00  }
0x12b: {  	v5 =	vld [tilespmem:s7+$0x12400];
	[tilespmem:s6+$0x12410] =	vst v6;
	v3 =	vmul.f32 $1.131370830e+01, v3;
	v2 =	vmax.f32 v2, $0.0e+00  }
0x12c: {  	v6 =	vld [tilespmem:s7+$0x12410];
	[tilespmem:s6+$0x12420] =	vst v4;
	v2 =	vmul.f32 $1.131370830e+01, v2;
	v0 =	vmax.f32 v0, $0.0e+00  }
.Ltmp9:
0x12d: {  	v4 =	vld [tilespmem:s7+$0x12420];
	[tilespmem:s6+$0x12430] =	vst v3;
	v0 =	vmul.f32 $1.131370830e+01, v0;
	v1 =	vmax.f32 v1, $0.0e+00;
	(pc) =	sbr.rel @p0 .LBB2_20-.Ltmp9, $4  }
0x12e: {  	v3 =	vld [tilespmem:s7+$0x12430];
	[tilespmem:s6+$0x12440] =	vst v2;
	v1 =	vmul.f32 $1.131370830e+01, v1;
	v7 =	vmax.f32 v7, $0.0e+00  }
0x12f: {  	v2 =	vld [tilespmem:s7+$0x12440];
	[tilespmem:s6+$0x12450] =	vst v0;
	v7 =	vmul.f32 $1.131370830e+01, v7  }
0x130: {  	v5 =	vmax.f32 v5, $0.0e+00;
	v0 =	vld [tilespmem:s7+$0x12450];
	[tilespmem:s6+$0x12460] =	vst v1  }
0x131: {  	s8 =	sadd.s32 $0x200, s8;
	v5 =	vmul.f32 $1.131370830e+01, v5;
	v6 =	vmax.f32 v6, $0.0e+00;
	v1 =	vld [tilespmem:s7+$0x12460];
	[tilespmem:s6+$0x12470] =	vst v7;
	s6 =	smov.u32 s7  }
0x132: {  	v6 =	vmul.f32 $1.131370830e+01, v6;
	v4 =	vmax.f32 v4, $0.0e+00;
	v7 =	vld [tilespmem:s6+$0x12470]  }
0x133: {  	[tilespmem:s6+$0x12400] =	vst v5;
	v4 =	vmul.f32 $1.131370830e+01, v4;
	v3 =	vmax.f32 v3, $0.0e+00  }
0x134: {  	[tilespmem:s6+$0x12410] =	vst v6;
	v3 =	vmul.f32 $1.131370830e+01, v3;
	v2 =	vmax.f32 v2, $0.0e+00  }
0x135: {  	[tilespmem:s6+$0x12420] =	vst v4;
	v2 =	vmul.f32 $1.131370830e+01, v2;
	v0 =	vmax.f32 v0, $0.0e+00  }
0x136: {  	[tilespmem:s6+$0x12430] =	vst v3;
	v0 =	vmul.f32 $1.131370830e+01, v0;
	v1 =	vmax.f32 v1, $0.0e+00  }
0x137: {  	[tilespmem:s6+$0x12440] =	vst v2;
	v1 =	vmul.f32 $1.131370830e+01, v1;
	v2 =	vmax.f32 v7, $0.0e+00  }
0x138: {  	[tilespmem:s6+$0x12450] =	vst v0;
	v0 =	vmul.f32 $1.131370830e+01, v2  }
0x139: {  	[tilespmem:s6+$0x12460] =	vst v1  }
0x13a: {  	s14 =	simm.s32 $0x0;
	s7 =	rddreg [dreg:$0x8];
	[tilespmem:s6+$0x12470] =	vst v0  }
0x13b: {  	[hbm4b:s7+s14] =	stream.linear.scatter [tilespmem:s23], [sflag:$0x9], $0x4000, $0x38;
	[tilespmem:$0x1A400] =	vst v63  }
0x13c: {  	_ =	swait.ge [sflag:s2], $0x4000  }
0x13d: {  	[sflag:s2] =	ssyncset.done $0x0  }
0x13e: {  	s6 =	simm.s32 $0x0;
	[sflag:s2] =	ssyncadd.s32 $0xFFFFC000  }
0x13f: {  	v0 =	vld [tilespmem:s6+$0x16400]  }
0x140: {  	v1 =	vld [tilespmem:s6+$0x16410]  }
0x141: {  	v4 =	vld [tilespmem:s6+$0x16420]  }
0x142: {  	v3 =	vld [tilespmem:s6+$0x16430]  }
0x143: {  	v2 =	vld [tilespmem:s6+$0x16440]  }
0x144: {  	v5 =	vmax.f32 v0, $0.0e+00;
	v0 =	vld [tilespmem:s6+$0x16450]  }
0x145: {  	s8 =	simm.s32 $0x200;
	v6 =	vmax.f32 v1, $0.0e+00;
	v1 =	vld [tilespmem:s6+$0x16460];
	v5 =	vmul.f32 $1.131370830e+01, v5  }
.LBB2_22:
0x146: {  	p0 =	sne.s32 s8, $0xFE00;
	v6 =	vmul.f32 $1.131370830e+01, v6;
	v4 =	vmax.f32 v4, $0.0e+00;
	v7 =	vld [tilespmem:s6+$0x16470]  }
0x147: {  	s7 =	sshra.s32 s8, $0x2;
	[tilespmem:s6+$0x16400] =	vst v5;
	v4 =	vmul.f32 $1.131370830e+01, v4;
	v3 =	vmax.f32 v3, $0.0e+00  }
0x148: {  	v5 =	vld [tilespmem:s7+$0x16400];
	[tilespmem:s6+$0x16410] =	vst v6;
	v3 =	vmul.f32 $1.131370830e+01, v3;
	v2 =	vmax.f32 v2, $0.0e+00  }
0x149: {  	v6 =	vld [tilespmem:s7+$0x16410];
	[tilespmem:s6+$0x16420] =	vst v4;
	v2 =	vmul.f32 $1.131370830e+01, v2;
	v0 =	vmax.f32 v0, $0.0e+00  }
.Ltmp10:
0x14a: {  	v4 =	vld [tilespmem:s7+$0x16420];
	[tilespmem:s6+$0x16430] =	vst v3;
	v0 =	vmul.f32 $1.131370830e+01, v0;
	v1 =	vmax.f32 v1, $0.0e+00;
	(pc) =	sbr.rel @p0 .LBB2_22-.Ltmp10, $4  }
0x14b: {  	v3 =	vld [tilespmem:s7+$0x16430];
	[tilespmem:s6+$0x16440] =	vst v2;
	v1 =	vmul.f32 $1.131370830e+01, v1;
	v7 =	vmax.f32 v7, $0.0e+00  }
0x14c: {  	v2 =	vld [tilespmem:s7+$0x16440];
	[tilespmem:s6+$0x16450] =	vst v0;
	v7 =	vmul.f32 $1.131370830e+01, v7  }
0x14d: {  	v5 =	vmax.f32 v5, $0.0e+00;
	v0 =	vld [tilespmem:s7+$0x16450];
	[tilespmem:s6+$0x16460] =	vst v1  }
0x14e: {  	s8 =	sadd.s32 $0x200, s8;
	v5 =	vmul.f32 $1.131370830e+01, v5;
	v6 =	vmax.f32 v6, $0.0e+00;
	v1 =	vld [tilespmem:s7+$0x16460];
	[tilespmem:s6+$0x16470] =	vst v7;
	s6 =	smov.u32 s7  }
0x14f: {  	v6 =	vmul.f32 $1.131370830e+01, v6;
	v4 =	vmax.f32 v4, $0.0e+00;
	v7 =	vld [tilespmem:s6+$0x16470]  }
0x150: {  	[tilespmem:s6+$0x16400] =	vst v5;
	v4 =	vmul.f32 $1.131370830e+01, v4;
	v3 =	vmax.f32 v3, $0.0e+00  }
0x151: {  	[tilespmem:s6+$0x16410] =	vst v6;
	v3 =	vmul.f32 $1.131370830e+01, v3;
	v2 =	vmax.f32 v2, $0.0e+00  }
0x152: {  	[tilespmem:s6+$0x16420] =	vst v4;
	v2 =	vmul.f32 $1.131370830e+01, v2;
	v0 =	vmax.f32 v0, $0.0e+00  }
0x153: {  	[tilespmem:s6+$0x16430] =	vst v3;
	v0 =	vmul.f32 $1.131370830e+01, v0;
	v1 =	vmax.f32 v1, $0.0e+00  }
0x154: {  	[tilespmem:s6+$0x16440] =	vst v2;
	v1 =	vmul.f32 $1.131370830e+01, v1;
	v62 =	vmax.f32 v7, $0.0e+00  }
0x155: {  	[tilespmem:s6+$0x16450] =	vst v0;
	v63 =	vmul.f32 $1.131370830e+01, v62  }
0x156: {  	[tilespmem:s6+$0x16460] =	vst v1  }
0x157: {  	s13 =	rddreg [dreg:$0x9];
	[tilespmem:s6+$0x16470] =	vst v63  }
0x158: {  	[hbm4b:s13+s4] =	stream.linear.scatter [tilespmem:s26], [sflag:$0xA], $0x4000, $0x38;
	[tilespmem:$0x1A400] =	vst v63  }
0x159: {  	_ =	swait.ge [sflag:s29], $0x4000  }
0x15a: {  	[sflag:s29] =	ssyncset.done $0x0  }
0x15b: {  	[sflag:s29] =	ssyncadd.s32 $0xFFFFC000  }
0x15c: {  	_ =	swait.ge [sflag:s31], $0x4000  }
0x15d: {  	[sflag:s31] =	ssyncset.done $0x0  }
0x15e: {  	[sflag:s31] =	ssyncadd.s32 $0xFFFFC000  }
0x15f: {  	_ =	swait.ge [sflag:s0], $0x4000  }
0x160: {  	[sflag:s0] =	ssyncset.done $0x0  }
0x161: {  	[sflag:s0] =	ssyncadd.s32 $0xFFFFC000  }
0x162: {  	_ =	swait.ge [sflag:s19], $0x4000  }
0x163: {  	[sflag:s19] =	ssyncset.done $0x0  }
0x164: {  	[sflag:s19] =	ssyncadd.s32 $0xFFFFC000  }
0x165: {  	_ =	swait.ge [sflag:s22], $0x4000  }
0x166: {  	s25 =	sadd.s32 $0x1, s25;
	s14 =	rddreg [dreg:$0xa]  }
0x167: {  	p0 =	sne.s32 s25, s14  }
.Ltmp11:
0x168: {  	_ = 	snop;
	(pc) =	sbr.rel @p0 .LBB2_1-.Ltmp11, $3  }
0x169: {  	_ =	sdelay $0x1  }
0x16a: {  	[sflag:s22] =	ssyncset.done $0x0  }
0x16b: {  	[sflag:s22] =	ssyncadd.s32 $0xFFFFC000  }
0x16c: {  	_ =	sfence.sel $0x180000  }
0x16d: {  	[bflag:$0x0] =	sbarrier.arrive $0xFFFF  }
0x16e: {  	_ =	strace $0x90000047  }
0x16f: {  	s0 =	stileid.u32;
	[bflag:$0x2] =	sbarrier.arrive $0xFFFF  }
0x170: {  	p0 =	sne.s32 s0, $0x0;
	s0 =	rddreg [dreg:$0x3]  }
0x171: {  	s0 =	sadd.s32 @!p0 $0x100000, s0  }
0x172: {  	[sflag:s0] =	ssyncadd.tile.s32 @!p0 $0x1;
	_ =	shalt  }
.Lfunc_end2:
_tile_overlayer_lowered:
.L_overlay_start_2:
0x173: {  	(tag) =	ssettag $0x2  }
0x174: {  	s0 =	rddreg [dreg:$0x0];
	s2 =	stileid.u32  }
0x175: {  	s1 =	rddreg [dreg:$0x1];
	p0 =	sne.s32 s2, $0x0  }
0x176: {  	s3 =	rddreg [dreg:$0x2];
	[bflag:$0x3] =	sbarrier.arrive $0xFFFF;
	s2 =	simm.s32 @!p0 $0x1C0B  }
0x177: {  	[timem:s3], [sflag:s2] =	dma.local @!p0 [hbm:s0], s1  }
0x178: {  	s0 =	simm.s32 @!p0 $0xB  }
0x179: {  	_ =	swait.ge @!p0 [sflag:s0], s1  }
0x17a: {  	s1 =	ssub.s32 @!p0 $0x0, s1;
	[sflag:s0] =	ssyncset.done @!p0 $0x0  }
0x17b: {  	[sflag:s0] =	ssyncadd.s32 @!p0 s1  }
0x17c: {  	[bflag:$0x3] =	sbarrier.arrive $0xFFFF  }
0x17d: {  	_ =	shalt  }

</sc_bundles>
